<compile_context>
chip_gen: v7x
topology: tpu7x:2x2x1
jax: 0.10.2.dev20260603
libtpu: 0.0.44.dev20260713+nightly
codegen_flags: <defaults>
</compile_context>

<pallas_src>
import jax
import jax.numpy as jnp
from jax import lax
from jax.experimental import pallas as pl
from jax.experimental.pallas import tpu as pltpu
from jax.experimental.pallas import tpu_sc as plsc

N = 10000
D = 128
E = 160000

NS = 16
LANES = 16

CHUNK = 128
NCH = 80
EPT = NCH * CHUNK
E_PAD = EPT * NS
N_PAD = 10240
ROWS_PT = N_PAD // NS
ZROWS = 16


def _sc_body(x_hbm, s0_hbm, d0_hbm, s1_hbm, d1_hbm,
             agg0_hbm, deg0_hbm, agg1_hbm, deg1_hbm,
             srcb0, srcb1, srcb2, srcb3, dstb0, dstb1, dstb2, dstb3,
             rows0, rows1, zbuf, agg_s,
             isem0, isem1, isem2, isem3, gsem0, gsem1, ssem0, ssem1):
    c = lax.axis_index("c")
    s = lax.axis_index("s")
    f32 = jnp.float32

    srcb = (srcb0, srcb1, srcb2, srcb3)
    dstb = (dstb0, dstb1, dstb2, dstb3)
    rows = (rows0, rows1)
    isem = (isem0, isem1, isem2, isem3)
    gsem = (gsem0, gsem1)
    ssem = (ssem0, ssem1)

    base = s * ROWS_PT
    ebase = s * EPT

    def fill(buf, nrows, val):
        def frow(r, _):
            def fcol(k, _):
                buf[r, pl.ds(k * LANES, LANES)] = jnp.full((LANES,), val, f32)
                return 0
            return lax.fori_loop(0, D // LANES, fcol, 0)
        lax.fori_loop(0, nrows, frow, 0)

    def zero_table():
        def zs(k, _):
            pltpu.async_copy(zbuf, agg_s.at[pl.ds(base + k * ZROWS, ZROWS)],
                             isem0)
            return 0
        lax.fori_loop(0, ROWS_PT // ZROWS, zs, 0)
        def zw(k, _):
            pltpu.make_async_copy(
                zbuf, agg_s.at[pl.ds(base + k * ZROWS, ZROWS)], isem0).wait()
            return 0
        lax.fori_loop(0, ROWS_PT // ZROWS, zw, 0)

    def write_out(out_hbm):
        nh = ROWS_PT // CHUNK
        for k in range(nh):
            rb = k % 2
            oblk = pl.ds(base + k * CHUNK, CHUNK)
            if k >= 2:
                pblk = pl.ds(base + (k - 2) * CHUNK, CHUNK)
                pltpu.make_async_copy(rows[rb], out_hbm.at[pblk],
                                      gsem[rb]).wait()
            pltpu.sync_copy(agg_s.at[oblk], rows[rb])
            pltpu.async_copy(rows[rb], out_hbm.at[oblk], gsem[rb])
        for k in range(nh - 2, nh):
            rb = k % 2
            oblk = pl.ds(base + k * CHUNK, CHUNK)
            pltpu.make_async_copy(rows[rb], out_hbm.at[oblk], gsem[rb]).wait()

    fill(zbuf, ZROWS, 0.0)
    zero_table()
    plsc.subcore_barrier()

    def pass1(s_hbm, d_hbm):
        def issue_idx(j, ib):
            off = pl.ds(ebase + j * CHUNK, CHUNK)
            pltpu.async_copy(s_hbm.at[off], srcb[ib], isem[ib])
            pltpu.async_copy(d_hbm.at[off], dstb[ib], isem[ib])

        def wait_idx(j, ib):
            off = pl.ds(ebase + j * CHUNK, CHUNK)
            pltpu.make_async_copy(s_hbm.at[off], srcb[ib], isem[ib]).wait()
            pltpu.make_async_copy(d_hbm.at[off], dstb[ib], isem[ib]).wait()

        def drain_scatter(rb, ib):
            pltpu.make_async_copy(rows[rb], agg_s.at[dstb[ib]],
                                  ssem[rb]).wait()

        H = CHUNK // 2

        def issue_gather(rb, ib):
            pltpu.async_copy(x_hbm.at[srcb[ib].at[pl.ds(0, H)]],
                             rows[rb].at[pl.ds(0, H)], gsem[rb])
            pltpu.async_copy(x_hbm.at[srcb[ib].at[pl.ds(H, H)]],
                             rows[rb].at[pl.ds(H, H)], gsem[rb])

        def wait_gather(rb, ib):
            pltpu.make_async_copy(x_hbm.at[srcb[ib].at[pl.ds(0, H)]],
                                  rows[rb].at[pl.ds(0, H)], gsem[rb]).wait()
            pltpu.make_async_copy(x_hbm.at[srcb[ib].at[pl.ds(H, H)]],
                                  rows[rb].at[pl.ds(H, H)], gsem[rb]).wait()

        def issue_scatter(rb, ib):
            pltpu.async_copy(rows[rb], agg_s.at[dstb[ib]], ssem[rb], add=True)

        issue_idx(0, 0)
        issue_idx(1, 1)

        def body(i, _):
            j0 = 4 * i
            for t in range(4):
                j = j0 + t
                rb, ib = t % 2, t
                pb, pib = (t + 1) % 2, (t - 1) % 4

                def drain(rb=rb, ib=ib):
                    drain_scatter(rb, ib)

                if t < 2:
                    pl.when(i > 0)(drain)
                else:
                    drain()
                wait_idx(j, ib)
                issue_gather(rb, ib)

                def prefetch(j=j, ib=ib):
                    issue_idx(j + 2, (ib + 2) % 4)

                if t < 2:
                    prefetch()
                else:
                    pl.when(i < NCH // 4 - 1)(prefetch)

                def tail(j=j, pb=pb, pib=pib):
                    wait_gather(pb, pib)
                    issue_scatter(pb, pib)

                if t == 0:
                    pl.when(i > 0)(tail)
                else:
                    tail()
            return 0
        lax.fori_loop(0, NCH // 4, body, 0)

        wait_gather(1, 3)
        issue_scatter(1, 3)
        drain_scatter(0, 2)
        drain_scatter(1, 3)

    @pl.when(c == 0)
    def _():
        pass1(s0_hbm, d0_hbm)

    @pl.when(c == 1)
    def _():
        pass1(s1_hbm, d1_hbm)

    plsc.subcore_barrier()

    @pl.when(c == 0)
    def _():
        write_out(agg0_hbm)

    @pl.when(c == 1)
    def _():
        write_out(agg1_hbm)

    plsc.subcore_barrier()
    zero_table()
    fill(rows1, CHUNK, 1.0)
    plsc.subcore_barrier()

    def pass2(d_hbm):
        def issue_didx(j, ib):
            pltpu.async_copy(d_hbm.at[pl.ds(ebase + j * CHUNK, CHUNK)],
                             dstb[ib], isem[ib])

        def wait_didx(j, ib):
            pltpu.make_async_copy(
                d_hbm.at[pl.ds(ebase + j * CHUNK, CHUNK)], dstb[ib],
                isem[ib]).wait()

        def drain2(sb, ib):
            pltpu.make_async_copy(rows1, agg_s.at[dstb[ib]], ssem[sb]).wait()

        def issue2(sb, ib):
            pltpu.async_copy(rows1, agg_s.at[dstb[ib]], ssem[sb], add=True)

        issue_didx(0, 0)
        issue_didx(1, 1)

        def body(i, _):
            for t in range(4):
                j = 4 * i + t
                ib, sb = t, t % 2

                def drain(sb=sb, ib=(t + 2) % 4):
                    drain2(sb, ib)

                if t < 2:
                    pl.when(i > 0)(drain)
                else:
                    drain()
                wait_didx(j, ib)
                issue2(sb, ib)

                def prefetch(j=j, ib=(t + 2) % 4):
                    issue_didx(j + 2, ib)

                if t < 2:
                    prefetch()
                else:
                    pl.when(i < NCH // 4 - 1)(prefetch)
            return 0
        lax.fori_loop(0, NCH // 4, body, 0)
        drain2(0, 2)
        drain2(1, 3)

    @pl.when(c == 0)
    def _():
        pass2(d0_hbm)

    @pl.when(c == 1)
    def _():
        pass2(d1_hbm)

    plsc.subcore_barrier()

    @pl.when(c == 0)
    def _():
        write_out(deg0_hbm)

    @pl.when(c == 1)
    def _():
        write_out(deg1_hbm)


@jax.jit
def _sc_aggregate(x, s0, d0, s1, d1):
    f32 = jnp.float32
    run = pl.kernel(
        _sc_body,
        out_type=[
            jax.ShapeDtypeStruct((N_PAD, D), f32),
            jax.ShapeDtypeStruct((N_PAD, D), f32),
            jax.ShapeDtypeStruct((N_PAD, D), f32),
            jax.ShapeDtypeStruct((N_PAD, D), f32),
        ],
        mesh=plsc.VectorSubcoreMesh(core_axis_name="c", subcore_axis_name="s"),
        scratch_types=(
            [pltpu.VMEM((CHUNK,), jnp.int32)] * 4 +
            [pltpu.VMEM((CHUNK,), jnp.int32)] * 4 +
            [pltpu.VMEM((CHUNK, D), f32)] * 2 +
            [pltpu.VMEM((ZROWS, D), f32)] +
            [pltpu.VMEM_SHARED((N_PAD, D), f32)] +
            [pltpu.SemaphoreType.DMA] * 8
        ),
    )
    return run(x, s0, d0, s1, d1)


def _tc_body(x_ref, a0_ref, a1_ref, g0_ref, g1_ref, w0_ref, w1_ref, ws_ref,
             out_ref):
    inv0 = 1.0 / jnp.maximum(g0_ref[:, 0:1], 1.0)
    inv1 = 1.0 / jnp.maximum(g1_ref[:, 0:1], 1.0)
    acc = jnp.dot(a0_ref[...] * inv0, w0_ref[...],
                  preferred_element_type=jnp.float32)
    acc += jnp.dot(a1_ref[...] * inv1, w1_ref[...],
                   preferred_element_type=jnp.float32)
    acc += jnp.dot(x_ref[...], ws_ref[...], preferred_element_type=jnp.float32)
    out_ref[...] = jnp.maximum(acc, 0.0)


@jax.jit
def _tc_combine(x, agg0, agg1, deg0, deg1, W0, W1, Ws):
    blk = 2000
    grid = (N // blk,)
    row_spec = pl.BlockSpec((blk, D), lambda i: (i, 0))
    deg_spec = pl.BlockSpec((blk, D), lambda i: (i, 0))
    w_spec = pl.BlockSpec((D, D), lambda i: (0, 0))
    return pl.pallas_call(
        _tc_body,
        grid=grid,
        in_specs=[row_spec, row_spec, row_spec, deg_spec, deg_spec,
                  w_spec, w_spec, w_spec],
        out_specs=row_spec,
        out_shape=jax.ShapeDtypeStruct((N, D), jnp.float32),
    )(x, agg0, agg1, deg0, deg1, W0, W1, Ws)


def kernel(x, edge_index_rel0, edge_index_rel1, W_rel0, W_rel1, W_self):
    pad = E_PAD - E
    zpad = jnp.zeros((pad,), jnp.int32)
    npad = jnp.full((pad,), N, jnp.int32)

    s0 = jnp.concatenate([edge_index_rel0[0], zpad])
    d0 = jnp.concatenate([edge_index_rel0[1], npad])
    s1 = jnp.concatenate([edge_index_rel1[0], zpad])
    d1 = jnp.concatenate([edge_index_rel1[1], npad])

    agg0, dtab0, agg1, dtab1 = _sc_aggregate(x, s0, d0, s1, d1)
    return _tc_combine(x, agg0, agg1, dtab0, dtab1,
                       W_rel0, W_rel1, W_self)

# --- scband reference (transcript-rebuilt; emitter-appended) ---
"""Pipeline reference for scband-rgcn-49692771614769 (READ-ONLY COPY).

The authoritative reference and input builder live on the scoring server;
editing this copy changes nothing except your own understanding.
"""

import jax, jax.numpy as jnp
import numpy as np

N = 10000
D = 128
E = 160000


def setup_inputs(seed: int = 0) -> dict:
    key = jax.random.key(seed)
    k1, k2, k3, k4, k5, k6 = jax.random.split(key, 6)
    x = jax.random.normal(k1, (N, D), dtype=jnp.float32)
    edge_index_rel0 = jax.random.randint(k2, (2, E), 0, N, dtype=jnp.int32)
    edge_index_rel1 = jax.random.randint(k3, (2, E), 0, N, dtype=jnp.int32)
    # Learned parameters of HeteroRGCNLayer: one weight per relation + self-loop weight
    W_rel0 = jax.random.normal(k4, (D, D), dtype=jnp.float32) * (1.0 / np.sqrt(D))
    W_rel1 = jax.random.normal(k5, (D, D), dtype=jnp.float32) * (1.0 / np.sqrt(D))
    W_self = jax.random.normal(k6, (D, D), dtype=jnp.float32) * (1.0 / np.sqrt(D))
    return {
        "x": x,
        "edge_index_rel0": edge_index_rel0,
        "edge_index_rel1": edge_index_rel1,
        "W_rel0": W_rel0,
        "W_rel1": W_rel1,
        "W_self": W_self,
    }


def _relation_message_passing(x, edge_index, W):
    # DGL HeteroRGCNLayer per-etype: h_src @ W_etype, copy along edges, mean-reduce at dst
    src = edge_index[0]
    dst = edge_index[1]
    h = x @ W                                   # [N, D] dense transform
    m = jnp.take(h, src, axis=0)                # gather messages  [E, D]
    agg = jax.ops.segment_sum(m, dst, num_segments=N)          # scatter-add
    deg = jax.ops.segment_sum(jnp.ones((edge_index.shape[1],), x.dtype), dst, num_segments=N)
    return agg / jnp.maximum(deg, 1.0)[:, None]  # mean aggregation


def reference(x, edge_index_rel0, edge_index_rel1, W_rel0, W_rel1, W_self):
    # multi_update_all with cross-type 'sum' reducer over etypes
    h = _relation_message_passing(x, edge_index_rel0, W_rel0)
    h = h + _relation_message_passing(x, edge_index_rel1, W_rel1)
    # self-loop term
    h = h + x @ W_self
    # activation = F.relu
    return jax.nn.relu(h)

if __name__ == "__main__":
    import jax
    _d = setup_inputs()
    print(jax.jit(kernel)(*tuple(_d.values())))

</pallas_src>

<mosaic_0001>
#map = affine_map<(d0, d1) -> (0, 0)>
#map1 = affine_map<(d0, d1) -> (0)>
module attributes {stable_mosaic.version = 14 : i64} {
  func.func @_sc_body(%arg0: i32, %arg1: i32, %arg2: memref<10000x128xf32, #tpu.memory_space<hbm>>, %arg3: memref<163840xi32, #tpu.memory_space<hbm>>, %arg4: memref<163840xi32, #tpu.memory_space<hbm>>, %arg5: memref<163840xi32, #tpu.memory_space<hbm>>, %arg6: memref<163840xi32, #tpu.memory_space<hbm>>, %arg7: memref<10240x128xf32, #tpu.memory_space<hbm>>, %arg8: memref<10240x128xf32, #tpu.memory_space<hbm>>, %arg9: memref<10240x128xf32, #tpu.memory_space<hbm>>, %arg10: memref<10240x128xf32, #tpu.memory_space<hbm>>, %arg11: memref<128xi32, #tpu.memory_space<vmem>>, %arg12: memref<128xi32, #tpu.memory_space<vmem>>, %arg13: memref<128xi32, #tpu.memory_space<vmem>>, %arg14: memref<128xi32, #tpu.memory_space<vmem>>, %arg15: memref<128xi32, #tpu.memory_space<vmem>>, %arg16: memref<128xi32, #tpu.memory_space<vmem>>, %arg17: memref<128xi32, #tpu.memory_space<vmem>>, %arg18: memref<128xi32, #tpu.memory_space<vmem>>, %arg19: memref<128x128xf32, #tpu.memory_space<vmem>>, %arg20: memref<128x128xf32, #tpu.memory_space<vmem>>, %arg21: memref<16x128xf32, #tpu.memory_space<vmem>>, %arg22: memref<10240x128xf32, #tpu.memory_space<vmem_shared>>, %arg23: memref<!tpu.dma_semaphore, #tpu.memory_space<semaphore_mem>>, %arg24: memref<!tpu.dma_semaphore, #tpu.memory_space<semaphore_mem>>, %arg25: memref<!tpu.dma_semaphore, #tpu.memory_space<semaphore_mem>>, %arg26: memref<!tpu.dma_semaphore, #tpu.memory_space<semaphore_mem>>, %arg27: memref<!tpu.dma_semaphore, #tpu.memory_space<semaphore_mem>>, %arg28: memref<!tpu.dma_semaphore, #tpu.memory_space<semaphore_mem>>, %arg29: memref<!tpu.dma_semaphore, #tpu.memory_space<semaphore_mem>>, %arg30: memref<!tpu.dma_semaphore, #tpu.memory_space<semaphore_mem>>) attributes {dimension_semantics = [#tpu.dimension_semantics<core_parallel>, #tpu.dimension_semantics<subcore_parallel>], iteration_bounds = array<i64: 2, 16>, scalar_prefetch = 0 : i64, scratch_operands = 20 : i64, tpu.core_type = #tpu.core_type<sc_vector_subcore>, window_params = [{transform_indices = #map}, {transform_indices = #map1}, {transform_indices = #map1}, {transform_indices = #map1}, {transform_indices = #map1}, {transform_indices = #map}, {transform_indices = #map}, {transform_indices = #map}, {transform_indices = #map}]} {
    %mul3A = arith.constant 640 : i32
    %mul3A_0 = arith.muli %arg1, %mul3A : i32
    %mul3A_1 = arith.constant 10240 : i32
    %mul3A_2 = arith.muli %arg1, %mul3A_1 : i32
    %scan3A = arith.constant 0 : i32
    %scan3A_3 = arith.constant 0 : i32
    %scan3A_4 = arith.constant 16 : i32
    %scan3A_5 = arith.addi %scan3A_3, %scan3A_4 : i32
    %scan3A_6 = arith.constant 1 : i32
    %scan3A_7 = scf.for %scan3A_85 = %scan3A_3 to %scan3A_5 step %scan3A_6 iter_args(%scan3A_86 = %scan3A) -> (i32)  : i32 {
      %scan3A_87 = arith.constant 0 : i32
      %scan3A_88 = arith.constant 0 : i32
      %scan3A_89 = arith.constant 8 : i32
      %scan3A_90 = arith.addi %scan3A_88, %scan3A_89 : i32
      %scan3A_91 = arith.constant 1 : i32
      %scan3A_92 = scf.for %scan3A_94 = %scan3A_88 to %scan3A_90 step %scan3A_91 iter_args(%scan3A_95 = %scan3A_87) -> (i32)  : i32 {
        %broadcast_in_dim3A = arith.constant 0.000000e+00 : f32
        %broadcast_in_dim3A_96 = vector.broadcast %broadcast_in_dim3A : f32 to vector<16xf32>
        %mul3A_97 = arith.constant 16 : i32
        %mul3A_98 = arith.muli %scan3A_94, %mul3A_97 : i32
        %swap3A = arith.index_cast %scan3A_85 : i32 to index
        %swap3A_99 = arith.index_cast %mul3A_98 : i32 to index
        %swap3A_100 = tpu.vector_load %arg21[%swap3A, %swap3A_99] {strides = array<i32>} : memref<16x128xf32, #tpu.memory_space<vmem>>, vector<1x16xf32>,
        %swap3A_101 = vector.shape_cast %swap3A_100 : vector<1x16xf32> to vector<16xf32>
        %swap3A_102 = vector.shape_cast %broadcast_in_dim3A_96 : vector<16xf32> to vector<1x16xf32>
        tpu.vector_store %arg21[%swap3A, %swap3A_99], %swap3A_102 {strides = array<i32>} : memref<16x128xf32, #tpu.memory_space<vmem>>, vector<1x16xf32>,
        %scan3A_103 = arith.constant 0 : i32
        scf.yield %scan3A_103 : i32
      }
      %scan3A_93 = arith.constant 8 : i32
      scf.yield %scan3A_92 : i32
    }
    %scan3A_8 = arith.constant 16 : i32
    %scan3A_9 = arith.constant 0 : i32
    %scan3A_10 = arith.constant 0 : i32
    %scan3A_11 = arith.constant 40 : i32
    %scan3A_12 = arith.addi %scan3A_10, %scan3A_11 : i32
    %scan3A_13 = arith.constant 1 : i32
    %scan3A_14 = scf.for %scan3A_85 = %scan3A_10 to %scan3A_12 step %scan3A_13 iter_args(%scan3A_86 = %scan3A_9) -> (i32)  : i32 {
      %mul3A_87 = arith.constant 16 : i32
      %mul3A_88 = arith.muli %scan3A_85, %mul3A_87 : i32
      %add3A = arith.addi %mul3A_0, %mul3A_88 : i32
      %dma_start3A = arith.constant 0 : i32
      %dma_start3A_89 = tpu.memref_slice %arg22[%add3A, %dma_start3A] : memref<10240x128xf32, #tpu.memory_space<vmem_shared>> -> memref<16x128xf32, #tpu.memory_space<vmem_shared>>
      %dma_start3A_90 = arith.constant 0 : i32
      %dma_start3A_91 = tpu.memref_slice %arg22[%add3A, %dma_start3A_90] : memref<10240x128xf32, #tpu.memory_space<vmem_shared>> -> memref<16x128xf32, #tpu.memory_space<vmem_shared>>
      tpu.enqueue_dma source(%arg21 : memref<16x128xf32, #tpu.memory_space<vmem>>) target(%dma_start3A_91 : memref<16x128xf32, #tpu.memory_space<vmem_shared>>) target_semaphore(%arg23 : memref<!tpu.dma_semaphore, #tpu.memory_space<semaphore_mem>>)
      %scan3A_92 = arith.constant 0 : i32
      scf.yield %scan3A_92 : i32
    }
    %scan3A_15 = arith.constant 40 : i32
    %scan3A_16 = arith.constant 0 : i32
    %scan3A_17 = arith.constant 0 : i32
    %scan3A_18 = arith.constant 40 : i32
    %scan3A_19 = arith.addi %scan3A_17, %scan3A_18 : i32
    %scan3A_20 = arith.constant 1 : i32
    %scan3A_21 = scf.for %scan3A_85 = %scan3A_17 to %scan3A_19 step %scan3A_20 iter_args(%scan3A_86 = %scan3A_16) -> (i32)  : i32 {
      %mul3A_87 = arith.constant 16 : i32
      %mul3A_88 = arith.muli %scan3A_85, %mul3A_87 : i32
      %add3A = arith.addi %mul3A_0, %mul3A_88 : i32
      %dma_wait3A = arith.constant 0 : i32
      %dma_wait3A_89 = tpu.memref_slice %arg22[%add3A, %dma_wait3A] : memref<10240x128xf32, #tpu.memory_space<vmem_shared>> -> memref<16x128xf32, #tpu.memory_space<vmem_shared>>
      %dma_wait3A_90 = arith.constant 0 : i32
      %dma_wait3A_91 = tpu.memref_slice %arg22[%add3A, %dma_wait3A_90] : memref<10240x128xf32, #tpu.memory_space<vmem_shared>> -> memref<16x128xf32, #tpu.memory_space<vmem_shared>>
      tpu.wait_dma2 semaphore(%arg23 : memref<!tpu.dma_semaphore, #tpu.memory_space<semaphore_mem>>) src(%arg21 : memref<16x128xf32, #tpu.memory_space<vmem>>) dst(%dma_wait3A_91 : memref<16x128xf32, #tpu.memory_space<vmem_shared>>)
      %scan3A_92 = arith.constant 0 : i32
      scf.yield %scan3A_92 : i32
    }
    %scan3A_22 = arith.constant 40 : i32
    %barrier3A = arith.constant 0 : index
    tpu.barrier barrier_id(%barrier3A)
    %eq3A = arith.constant 0 : i32
    %eq3A_23 = arith.cmpi eq, %arg0, %eq3A : i32
    %convert_element_type3A = arith.extui %eq3A_23 : i1 to i32
    %cond3A = arith.constant 0 : i32
    %cond3A_24 = arith.cmpi ne, %convert_element_type3A, %cond3A : i32
    scf.if %cond3A_24 {
      %add3A = arith.constant 0 : i32
      %add3A_85 = arith.addi %mul3A_2, %add3A : i32
      %dma_start3A = tpu.memref_slice %arg3[%add3A_85] : memref<163840xi32, #tpu.memory_space<hbm>> -> memref<128xi32, #tpu.memory_space<hbm>>
      %dma_start3A_86 = tpu.memref_slice %arg3[%add3A_85] : memref<163840xi32, #tpu.memory_space<hbm>> -> memref<128xi32, #tpu.memory_space<hbm>>
      tpu.enqueue_dma source(%dma_start3A_86 : memref<128xi32, #tpu.memory_space<hbm>>) target(%arg11 : memref<128xi32, #tpu.memory_space<vmem>>) target_semaphore(%arg23 : memref<!tpu.dma_semaphore, #tpu.memory_space<semaphore_mem>>)
      %dma_start3A_87 = tpu.memref_slice %arg4[%add3A_85] : memref<163840xi32, #tpu.memory_space<hbm>> -> memref<128xi32, #tpu.memory_space<hbm>>
      %dma_start3A_88 = tpu.memref_slice %arg4[%add3A_85] : memref<163840xi32, #tpu.memory_space<hbm>> -> memref<128xi32, #tpu.memory_space<hbm>>
      tpu.enqueue_dma source(%dma_start3A_88 : memref<128xi32, #tpu.memory_space<hbm>>) target(%arg15 : memref<128xi32, #tpu.memory_space<vmem>>) target_semaphore(%arg23 : memref<!tpu.dma_semaphore, #tpu.memory_space<semaphore_mem>>)
      %add3A_89 = arith.constant 128 : i32
      %add3A_90 = arith.addi %mul3A_2, %add3A_89 : i32
      %dma_start3A_91 = tpu.memref_slice %arg3[%add3A_90] : memref<163840xi32, #tpu.memory_space<hbm>> -> memref<128xi32, #tpu.memory_space<hbm>>
      %dma_start3A_92 = tpu.memref_slice %arg3[%add3A_90] : memref<163840xi32, #tpu.memory_space<hbm>> -> memref<128xi32, #tpu.memory_space<hbm>>
      tpu.enqueue_dma source(%dma_start3A_92 : memref<128xi32, #tpu.memory_space<hbm>>) target(%arg12 : memref<128xi32, #tpu.memory_space<vmem>>) target_semaphore(%arg24 : memref<!tpu.dma_semaphore, #tpu.memory_space<semaphore_mem>>)
      %dma_start3A_93 = tpu.memref_slice %arg4[%add3A_90] : memref<163840xi32, #tpu.memory_space<hbm>> -> memref<128xi32, #tpu.memory_space<hbm>>
      %dma_start3A_94 = tpu.memref_slice %arg4[%add3A_90] : memref<163840xi32, #tpu.memory_space<hbm>> -> memref<128xi32, #tpu.memory_space<hbm>>
      tpu.enqueue_dma source(%dma_start3A_94 : memref<128xi32, #tpu.memory_space<hbm>>) target(%arg16 : memref<128xi32, #tpu.memory_space<vmem>>) target_semaphore(%arg24 : memref<!tpu.dma_semaphore, #tpu.memory_space<semaphore_mem>>)
      %scan3A_95 = arith.constant 0 : i32
      %scan3A_96 = arith.constant 0 : i32
      %scan3A_97 = arith.constant 20 : i32
      %scan3A_98 = arith.addi %scan3A_96, %scan3A_97 : i32
      %scan3A_99 = arith.constant 1 : i32
      %scan3A_100 = scf.for %scan3A_126 = %scan3A_96 to %scan3A_98 step %scan3A_99 iter_args(%scan3A_127 = %scan3A_95) -> (i32)  : i32 {
        %mul3A_128 = arith.constant 4 : i32
        %mul3A_129 = arith.muli %mul3A_128, %scan3A_126 : i32
        %add3A_130 = arith.constant 0 : i32
        %add3A_131 = arith.addi %mul3A_129, %add3A_130 : i32
        %gt3A = arith.constant 0 : i32
        %gt3A_132 = arith.cmpi sgt, %scan3A_126, %gt3A : i32
        %convert_element_type3A_133 = arith.extui %gt3A_132 : i1 to i32
        %cond3A_134 = arith.constant 0 : i32
        %cond3A_135 = arith.cmpi ne, %convert_element_type3A_133, %cond3A_134 : i32
        scf.if %cond3A_135 {
          %dma_wait3A_335 = arith.constant 0 : i32
          %dma_wait3A_336 = arith.constant 0 : i32
          %dma_wait3A_337 = tpu.memref_slice %arg22[%dma_wait3A_335, %dma_wait3A_336] : memref<10240x128xf32, #tpu.memory_space<vmem_shared>> -> memref<10240x128xf32, #tpu.memory_space<vmem_shared>>
          tpu.wait_indirect_dma semaphore(%arg29 : memref<!tpu.dma_semaphore, #tpu.memory_space<semaphore_mem>>) src(%arg19 : memref<128x128xf32, #tpu.memory_space<vmem>>) dst(%dma_wait3A_337 : memref<10240x128xf32, #tpu.memory_space<vmem_shared>>)
        } else {
        }
        %mul3A_136 = arith.constant 128 : i32
        %mul3A_137 = arith.muli %add3A_131, %mul3A_136 : i32
        %add3A_138 = arith.addi %mul3A_2, %mul3A_137 : i32
        %dma_wait3A_139 = tpu.memref_slice %arg3[%add3A_138] : memref<163840xi32, #tpu.memory_space<hbm>> -> memref<128xi32, #tpu.memory_space<hbm>>
        %dma_wait3A_140 = tpu.memref_slice %arg3[%add3A_138] : memref<163840xi32, #tpu.memory_space<hbm>> -> memref<128xi32, #tpu.memory_space<hbm>>
        tpu.wait_dma2 semaphore(%arg23 : memref<!tpu.dma_semaphore, #tpu.memory_space<semaphore_mem>>) src(%dma_wait3A_140 : memref<128xi32, #tpu.memory_space<hbm>>) dst(%arg11 : memref<128xi32, #tpu.memory_space<vmem>>)
        %dma_wait3A_141 = tpu.memref_slice %arg4[%add3A_138] : memref<163840xi32, #tpu.memory_space<hbm>> -> memref<128xi32, #tpu.memory_space<hbm>>
        %dma_wait3A_142 = tpu.memref_slice %arg4[%add3A_138] : memref<163840xi32, #tpu.memory_space<hbm>> -> memref<128xi32, #tpu.memory_space<hbm>>
        tpu.wait_dma2 semaphore(%arg23 : memref<!tpu.dma_semaphore, #tpu.memory_space<semaphore_mem>>) src(%dma_wait3A_142 : memref<128xi32, #tpu.memory_space<hbm>>) dst(%arg15 : memref<128xi32, #tpu.memory_space<vmem>>)
        %dma_start3A_143 = arith.constant 0 : i32
        %dma_start3A_144 = arith.constant 0 : i32
        %dma_start3A_145 = tpu.memref_slice %arg19[%dma_start3A_143, %dma_start3A_144] : memref<128x128xf32, #tpu.memory_space<vmem>> -> memref<64x128xf32, #tpu.memory_space<vmem>>
        %dma_start3A_146 = arith.constant 0 : i32
        %dma_start3A_147 = tpu.memref_slice %arg11[%dma_start3A_146] : memref<128xi32, #tpu.memory_space<vmem>> -> memref<64xi32, #tpu.memory_space<vmem>>
        %dma_start3A_148 = arith.constant 0 : i32
        %dma_start3A_149 = arith.constant 0 : i32
        %dma_start3A_150 = tpu.memref_slice %arg2[%dma_start3A_148, %dma_start3A_149] : memref<10000x128xf32, #tpu.memory_space<hbm>> -> memref<10000x128xf32, #tpu.memory_space<hbm>>
        tpu.enqueue_indirect_dma source(%dma_start3A_150 : memref<10000x128xf32, #tpu.memory_space<hbm>>) target(%dma_start3A_145 : memref<64x128xf32, #tpu.memory_space<vmem>>) offsets(%dma_start3A_147 : memref<64xi32, #tpu.memory_space<vmem>>) semaphore(%arg27 : memref<!tpu.dma_semaphore, #tpu.memory_space<semaphore_mem>>)
        %dma_start3A_151 = arith.constant 64 : i32
        %dma_start3A_152 = arith.constant 0 : i32
        %dma_start3A_153 = tpu.memref_slice %arg19[%dma_start3A_151, %dma_start3A_152] : memref<128x128xf32, #tpu.memory_space<vmem>> -> memref<64x128xf32, #tpu.memory_space<vmem>>
        %dma_start3A_154 = arith.constant 64 : i32
        %dma_start3A_155 = tpu.memref_slice %arg11[%dma_start3A_154] : memref<128xi32, #tpu.memory_space<vmem>> -> memref<64xi32, #tpu.memory_space<vmem>>
        %dma_start3A_156 = arith.constant 0 : i32
        %dma_start3A_157 = arith.constant 0 : i32
        %dma_start3A_158 = tpu.memref_slice %arg2[%dma_start3A_156, %dma_start3A_157] : memref<10000x128xf32, #tpu.memory_space<hbm>> -> memref<10000x128xf32, #tpu.memory_space<hbm>>
        tpu.enqueue_indirect_dma source(%dma_start3A_158 : memref<10000x128xf32, #tpu.memory_space<hbm>>) target(%dma_start3A_153 : memref<64x128xf32, #tpu.memory_space<vmem>>) offsets(%dma_start3A_155 : memref<64xi32, #tpu.memory_space<vmem>>) semaphore(%arg27 : memref<!tpu.dma_semaphore, #tpu.memory_space<semaphore_mem>>)
        %add3A_159 = arith.constant 2 : i32
        %add3A_160 = arith.addi %add3A_131, %add3A_159 : i32
        %mul3A_161 = arith.constant 128 : i32
        %mul3A_162 = arith.muli %add3A_160, %mul3A_161 : i32
        %add3A_163 = arith.addi %mul3A_2, %mul3A_162 : i32
        %dma_start3A_164 = tpu.memref_slice %arg3[%add3A_163] : memref<163840xi32, #tpu.memory_space<hbm>> -> memref<128xi32, #tpu.memory_space<hbm>>
        %dma_start3A_165 = tpu.memref_slice %arg3[%add3A_163] : memref<163840xi32, #tpu.memory_space<hbm>> -> memref<128xi32, #tpu.memory_space<hbm>>
        tpu.enqueue_dma source(%dma_start3A_165 : memref<128xi32, #tpu.memory_space<hbm>>) target(%arg13 : memref<128xi32, #tpu.memory_space<vmem>>) target_semaphore(%arg25 : memref<!tpu.dma_semaphore, #tpu.memory_space<semaphore_mem>>)
        %dma_start3A_166 = tpu.memref_slice %arg4[%add3A_163] : memref<163840xi32, #tpu.memory_space<hbm>> -> memref<128xi32, #tpu.memory_space<hbm>>
        %dma_start3A_167 = tpu.memref_slice %arg4[%add3A_163] : memref<163840xi32, #tpu.memory_space<hbm>> -> memref<128xi32, #tpu.memory_space<hbm>>
        tpu.enqueue_dma source(%dma_start3A_167 : memref<128xi32, #tpu.memory_space<hbm>>) target(%arg17 : memref<128xi32, #tpu.memory_space<vmem>>) target_semaphore(%arg25 : memref<!tpu.dma_semaphore, #tpu.memory_space<semaphore_mem>>)
        %gt3A_168 = arith.constant 0 : i32
        %gt3A_169 = arith.cmpi sgt, %scan3A_126, %gt3A_168 : i32
        %convert_element_type3A_170 = arith.extui %gt3A_169 : i1 to i32
        %cond3A_171 = arith.constant 0 : i32
        %cond3A_172 = arith.cmpi ne, %convert_element_type3A_170, %cond3A_171 : i32
        scf.if %cond3A_172 {
          %dma_wait3A_335 = arith.constant 0 : i32
          %dma_wait3A_336 = arith.constant 0 : i32
          %dma_wait3A_337 = tpu.memref_slice %arg20[%dma_wait3A_335, %dma_wait3A_336] : memref<128x128xf32, #tpu.memory_space<vmem>> -> memref<64x128xf32, #tpu.memory_space<vmem>>
          %dma_wait3A_338 = arith.constant 0 : i32
          %dma_wait3A_339 = tpu.memref_slice %arg14[%dma_wait3A_338] : memref<128xi32, #tpu.memory_space<vmem>> -> memref<64xi32, #tpu.memory_space<vmem>>
          %dma_wait3A_340 = arith.constant 0 : i32
          %dma_wait3A_341 = arith.constant 0 : i32
          %dma_wait3A_342 = tpu.memref_slice %arg2[%dma_wait3A_340, %dma_wait3A_341] : memref<10000x128xf32, #tpu.memory_space<hbm>> -> memref<10000x128xf32, #tpu.memory_space<hbm>>
          tpu.wait_indirect_dma semaphore(%arg28 : memref<!tpu.dma_semaphore, #tpu.memory_space<semaphore_mem>>) src(%dma_wait3A_342 : memref<10000x128xf32, #tpu.memory_space<hbm>>) dst(%dma_wait3A_337 : memref<64x128xf32, #tpu.memory_space<vmem>>)
          %dma_wait3A_343 = arith.constant 64 : i32
          %dma_wait3A_344 = arith.constant 0 : i32
          %dma_wait3A_345 = tpu.memref_slice %arg20[%dma_wait3A_343, %dma_wait3A_344] : memref<128x128xf32, #tpu.memory_space<vmem>> -> memref<64x128xf32, #tpu.memory_space<vmem>>
          %dma_wait3A_346 = arith.constant 64 : i32
          %dma_wait3A_347 = tpu.memref_slice %arg14[%dma_wait3A_346] : memref<128xi32, #tpu.memory_space<vmem>> -> memref<64xi32, #tpu.memory_space<vmem>>
          %dma_wait3A_348 = arith.constant 0 : i32
          %dma_wait3A_349 = arith.constant 0 : i32
          %dma_wait3A_350 = tpu.memref_slice %arg2[%dma_wait3A_348, %dma_wait3A_349] : memref<10000x128xf32, #tpu.memory_space<hbm>> -> memref<10000x128xf32, #tpu.memory_space<hbm>>
          tpu.wait_indirect_dma semaphore(%arg28 : memref<!tpu.dma_semaphore, #tpu.memory_space<semaphore_mem>>) src(%dma_wait3A_350 : memref<10000x128xf32, #tpu.memory_space<hbm>>) dst(%dma_wait3A_345 : memref<64x128xf32, #tpu.memory_space<vmem>>)
          %dma_start3A_351 = arith.constant 0 : i32
          %dma_start3A_352 = arith.constant 0 : i32
          %dma_start3A_353 = tpu.memref_slice %arg22[%dma_start3A_351, %dma_start3A_352] : memref<10240x128xf32, #tpu.memory_space<vmem_shared>> -> memref<10240x128xf32, #tpu.memory_space<vmem_shared>>
          tpu.enqueue_indirect_dma source(%arg20 : memref<128x128xf32, #tpu.memory_space<vmem>>) target(%dma_start3A_353 : memref<10240x128xf32, #tpu.memory_space<vmem_shared>>) offsets(%arg18 : memref<128xi32, #tpu.memory_space<vmem>>) semaphore(%arg30 : memref<!tpu.dma_semaphore, #tpu.memory_space<semaphore_mem>>) {add = true}
        } else {
        }
        %add3A_173 = arith.constant 1 : i32
        %add3A_174 = arith.addi %mul3A_129, %add3A_173 : i32
        %gt3A_175 = arith.constant 0 : i32
        %gt3A_176 = arith.cmpi sgt, %scan3A_126, %gt3A_175 : i32
        %convert_element_type3A_177 = arith.extui %gt3A_176 : i1 to i32
        %cond3A_178 = arith.constant 0 : i32
        %cond3A_179 = arith.cmpi ne, %convert_element_type3A_177, %cond3A_178 : i32
        scf.if %cond3A_179 {
          %dma_wait3A_335 = arith.constant 0 : i32
          %dma_wait3A_336 = arith.constant 0 : i32
          %dma_wait3A_337 = tpu.memref_slice %arg22[%dma_wait3A_335, %dma_wait3A_336] : memref<10240x128xf32, #tpu.memory_space<vmem_shared>> -> memref<10240x128xf32, #tpu.memory_space<vmem_shared>>
          tpu.wait_indirect_dma semaphore(%arg30 : memref<!tpu.dma_semaphore, #tpu.memory_space<semaphore_mem>>) src(%arg20 : memref<128x128xf32, #tpu.memory_space<vmem>>) dst(%dma_wait3A_337 : memref<10240x128xf32, #tpu.memory_space<vmem_shared>>)
        } else {
        }
        %mul3A_180 = arith.constant 128 : i32
        %mul3A_181 = arith.muli %add3A_174, %mul3A_180 : i32
        %add3A_182 = arith.addi %mul3A_2, %mul3A_181 : i32
        %dma_wait3A_183 = tpu.memref_slice %arg3[%add3A_182] : memref<163840xi32, #tpu.memory_space<hbm>> -> memref<128xi32, #tpu.memory_space<hbm>>
        %dma_wait3A_184 = tpu.memref_slice %arg3[%add3A_182] : memref<163840xi32, #tpu.memory_space<hbm>> -> memref<128xi32, #tpu.memory_space<hbm>>
        tpu.wait_dma2 semaphore(%arg24 : memref<!tpu.dma_semaphore, #tpu.memory_space<semaphore_mem>>) src(%dma_wait3A_184 : memref<128xi32, #tpu.memory_space<hbm>>) dst(%arg12 : memref<128xi32, #tpu.memory_space<vmem>>)
        %dma_wait3A_185 = tpu.memref_slice %arg4[%add3A_182] : memref<163840xi32, #tpu.memory_space<hbm>> -> memref<128xi32, #tpu.memory_space<hbm>>
        %dma_wait3A_186 = tpu.memref_slice %arg4[%add3A_182] : memref<163840xi32, #tpu.memory_space<hbm>> -> memref<128xi32, #tpu.memory_space<hbm>>
        tpu.wait_dma2 semaphore(%arg24 : memref<!tpu.dma_semaphore, #tpu.memory_space<semaphore_mem>>) src(%dma_wait3A_186 : memref<128xi32, #tpu.memory_space<hbm>>) dst(%arg16 : memref<128xi32, #tpu.memory_space<vmem>>)
        %dma_start3A_187 = arith.constant 0 : i32
        %dma_start3A_188 = arith.constant 0 : i32
        %dma_start3A_189 = tpu.memref_slice %arg20[%dma_start3A_187, %dma_start3A_188] : memref<128x128xf32, #tpu.memory_space<vmem>> -> memref<64x128xf32, #tpu.memory_space<vmem>>
        %dma_start3A_190 = arith.constant 0 : i32
        %dma_start3A_191 = tpu.memref_slice %arg12[%dma_start3A_190] : memref<128xi32, #tpu.memory_space<vmem>> -> memref<64xi32, #tpu.memory_space<vmem>>
        %dma_start3A_192 = arith.constant 0 : i32
        %dma_start3A_193 = arith.constant 0 : i32
        %dma_start3A_194 = tpu.memref_slice %arg2[%dma_start3A_192, %dma_start3A_193] : memref<10000x128xf32, #tpu.memory_space<hbm>> -> memref<10000x128xf32, #tpu.memory_space<hbm>>
        tpu.enqueue_indirect_dma source(%dma_start3A_194 : memref<10000x128xf32, #tpu.memory_space<hbm>>) target(%dma_start3A_189 : memref<64x128xf32, #tpu.memory_space<vmem>>) offsets(%dma_start3A_191 : memref<64xi32, #tpu.memory_space<vmem>>) semaphore(%arg28 : memref<!tpu.dma_semaphore, #tpu.memory_space<semaphore_mem>>)
        %dma_start3A_195 = arith.constant 64 : i32
        %dma_start3A_196 = arith.constant 0 : i32
        %dma_start3A_197 = tpu.memref_slice %arg20[%dma_start3A_195, %dma_start3A_196] : memref<128x128xf32, #tpu.memory_space<vmem>> -> memref<64x128xf32, #tpu.memory_space<vmem>>
        %dma_start3A_198 = arith.constant 64 : i32
        %dma_start3A_199 = tpu.memref_slice %arg12[%dma_start3A_198] : memref<128xi32, #tpu.memory_space<vmem>> -> memref<64xi32, #tpu.memory_space<vmem>>
        %dma_start3A_200 = arith.constant 0 : i32
        %dma_start3A_201 = arith.constant 0 : i32
        %dma_start3A_202 = tpu.memref_slice %arg2[%dma_start3A_200, %dma_start3A_201] : memref<10000x128xf32, #tpu.memory_space<hbm>> -> memref<10000x128xf32, #tpu.memory_space<hbm>>
        tpu.enqueue_indirect_dma source(%dma_start3A_202 : memref<10000x128xf32, #tpu.memory_space<hbm>>) target(%dma_start3A_197 : memref<64x128xf32, #tpu.memory_space<vmem>>) offsets(%dma_start3A_199 : memref<64xi32, #tpu.memory_space<vmem>>) semaphore(%arg28 : memref<!tpu.dma_semaphore, #tpu.memory_space<semaphore_mem>>)
        %add3A_203 = arith.constant 2 : i32
        %add3A_204 = arith.addi %add3A_174, %add3A_203 : i32
        %mul3A_205 = arith.constant 128 : i32
        %mul3A_206 = arith.muli %add3A_204, %mul3A_205 : i32
        %add3A_207 = arith.addi %mul3A_2, %mul3A_206 : i32
        %dma_start3A_208 = tpu.memref_slice %arg3[%add3A_207] : memref<163840xi32, #tpu.memory_space<hbm>> -> memref<128xi32, #tpu.memory_space<hbm>>
        %dma_start3A_209 = tpu.memref_slice %arg3[%add3A_207] : memref<163840xi32, #tpu.memory_space<hbm>> -> memref<128xi32, #tpu.memory_space<hbm>>
        tpu.enqueue_dma source(%dma_start3A_209 : memref<128xi32, #tpu.memory_space<hbm>>) target(%arg14 : memref<128xi32, #tpu.memory_space<vmem>>) target_semaphore(%arg26 : memref<!tpu.dma_semaphore, #tpu.memory_space<semaphore_mem>>)
        %dma_start3A_210 = tpu.memref_slice %arg4[%add3A_207] : memref<163840xi32, #tpu.memory_space<hbm>> -> memref<128xi32, #tpu.memory_space<hbm>>
        %dma_start3A_211 = tpu.memref_slice %arg4[%add3A_207] : memref<163840xi32, #tpu.memory_space<hbm>> -> memref<128xi32, #tpu.memory_space<hbm>>
        tpu.enqueue_dma source(%dma_start3A_211 : memref<128xi32, #tpu.memory_space<hbm>>) target(%arg18 : memref<128xi32, #tpu.memory_space<vmem>>) target_semaphore(%arg26 : memref<!tpu.dma_semaphore, #tpu.memory_space<semaphore_mem>>)
        %dma_wait3A_212 = arith.constant 0 : i32
        %dma_wait3A_213 = arith.constant 0 : i32
        %dma_wait3A_214 = tpu.memref_slice %arg19[%dma_wait3A_212, %dma_wait3A_213] : memref<128x128xf32, #tpu.memory_space<vmem>> -> memref<64x128xf32, #tpu.memory_space<vmem>>
        %dma_wait3A_215 = arith.constant 0 : i32
        %dma_wait3A_216 = tpu.memref_slice %arg11[%dma_wait3A_215] : memref<128xi32, #tpu.memory_space<vmem>> -> memref<64xi32, #tpu.memory_space<vmem>>
        %dma_wait3A_217 = arith.constant 0 : i32
        %dma_wait3A_218 = arith.constant 0 : i32
        %dma_wait3A_219 = tpu.memref_slice %arg2[%dma_wait3A_217, %dma_wait3A_218] : memref<10000x128xf32, #tpu.memory_space<hbm>> -> memref<10000x128xf32, #tpu.memory_space<hbm>>
        tpu.wait_indirect_dma semaphore(%arg27 : memref<!tpu.dma_semaphore, #tpu.memory_space<semaphore_mem>>) src(%dma_wait3A_219 : memref<10000x128xf32, #tpu.memory_space<hbm>>) dst(%dma_wait3A_214 : memref<64x128xf32, #tpu.memory_space<vmem>>)
        %dma_wait3A_220 = arith.constant 64 : i32
        %dma_wait3A_221 = arith.constant 0 : i32
        %dma_wait3A_222 = tpu.memref_slice %arg19[%dma_wait3A_220, %dma_wait3A_221] : memref<128x128xf32, #tpu.memory_space<vmem>> -> memref<64x128xf32, #tpu.memory_space<vmem>>
        %dma_wait3A_223 = arith.constant 64 : i32
        %dma_wait3A_224 = tpu.memref_slice %arg11[%dma_wait3A_223] : memref<128xi32, #tpu.memory_space<vmem>> -> memref<64xi32, #tpu.memory_space<vmem>>
        %dma_wait3A_225 = arith.constant 0 : i32
        %dma_wait3A_226 = arith.constant 0 : i32
        %dma_wait3A_227 = tpu.memref_slice %arg2[%dma_wait3A_225, %dma_wait3A_226] : memref<10000x128xf32, #tpu.memory_space<hbm>> -> memref<10000x128xf32, #tpu.memory_space<hbm>>
        tpu.wait_indirect_dma semaphore(%arg27 : memref<!tpu.dma_semaphore, #tpu.memory_space<semaphore_mem>>) src(%dma_wait3A_227 : memref<10000x128xf32, #tpu.memory_space<hbm>>) dst(%dma_wait3A_222 : memref<64x128xf32, #tpu.memory_space<vmem>>)
        %dma_start3A_228 = arith.constant 0 : i32
        %dma_start3A_229 = arith.constant 0 : i32
        %dma_start3A_230 = tpu.memref_slice %arg22[%dma_start3A_228, %dma_start3A_229] : memref<10240x128xf32, #tpu.memory_space<vmem_shared>> -> memref<10240x128xf32, #tpu.memory_space<vmem_shared>>
        tpu.enqueue_indirect_dma source(%arg19 : memref<128x128xf32, #tpu.memory_space<vmem>>) target(%dma_start3A_230 : memref<10240x128xf32, #tpu.memory_space<vmem_shared>>) offsets(%arg15 : memref<128xi32, #tpu.memory_space<vmem>>) semaphore(%arg29 : memref<!tpu.dma_semaphore, #tpu.memory_space<semaphore_mem>>) {add = true}
        %add3A_231 = arith.constant 2 : i32
        %add3A_232 = arith.addi %mul3A_129, %add3A_231 : i32
        %dma_wait3A_233 = arith.constant 0 : i32
        %dma_wait3A_234 = arith.constant 0 : i32
        %dma_wait3A_235 = tpu.memref_slice %arg22[%dma_wait3A_233, %dma_wait3A_234] : memref<10240x128xf32, #tpu.memory_space<vmem_shared>> -> memref<10240x128xf32, #tpu.memory_space<vmem_shared>>
        tpu.wait_indirect_dma semaphore(%arg29 : memref<!tpu.dma_semaphore, #tpu.memory_space<semaphore_mem>>) src(%arg19 : memref<128x128xf32, #tpu.memory_space<vmem>>) dst(%dma_wait3A_235 : memref<10240x128xf32, #tpu.memory_space<vmem_shared>>)
        %mul3A_236 = arith.constant 128 : i32
        %mul3A_237 = arith.muli %add3A_232, %mul3A_236 : i32
        %add3A_238 = arith.addi %mul3A_2, %mul3A_237 : i32
        %dma_wait3A_239 = tpu.memref_slice %arg3[%add3A_238] : memref<163840xi32, #tpu.memory_space<hbm>> -> memref<128xi32, #tpu.memory_space<hbm>>
        %dma_wait3A_240 = tpu.memref_slice %arg3[%add3A_238] : memref<163840xi32, #tpu.memory_space<hbm>> -> memref<128xi32, #tpu.memory_space<hbm>>
        tpu.wait_dma2 semaphore(%arg25 : memref<!tpu.dma_semaphore, #tpu.memory_space<semaphore_mem>>) src(%dma_wait3A_240 : memref<128xi32, #tpu.memory_space<hbm>>) dst(%arg13 : memref<128xi32, #tpu.memory_space<vmem>>)
        %dma_wait3A_241 = tpu.memref_slice %arg4[%add3A_238] : memref<163840xi32, #tpu.memory_space<hbm>> -> memref<128xi32, #tpu.memory_space<hbm>>
        %dma_wait3A_242 = tpu.memref_slice %arg4[%add3A_238] : memref<163840xi32, #tpu.memory_space<hbm>> -> memref<128xi32, #tpu.memory_space<hbm>>
        tpu.wait_dma2 semaphore(%arg25 : memref<!tpu.dma_semaphore, #tpu.memory_space<semaphore_mem>>) src(%dma_wait3A_242 : memref<128xi32, #tpu.memory_space<hbm>>) dst(%arg17 : memref<128xi32, #tpu.memory_space<vmem>>)
        %dma_start3A_243 = arith.constant 0 : i32
        %dma_start3A_244 = arith.constant 0 : i32
        %dma_start3A_245 = tpu.memref_slice %arg19[%dma_start3A_243, %dma_start3A_244] : memref<128x128xf32, #tpu.memory_space<vmem>> -> memref<64x128xf32, #tpu.memory_space<vmem>>
        %dma_start3A_246 = arith.constant 0 : i32
        %dma_start3A_247 = tpu.memref_slice %arg13[%dma_start3A_246] : memref<128xi32, #tpu.memory_space<vmem>> -> memref<64xi32, #tpu.memory_space<vmem>>
        %dma_start3A_248 = arith.constant 0 : i32
        %dma_start3A_249 = arith.constant 0 : i32
        %dma_start3A_250 = tpu.memref_slice %arg2[%dma_start3A_248, %dma_start3A_249] : memref<10000x128xf32, #tpu.memory_space<hbm>> -> memref<10000x128xf32, #tpu.memory_space<hbm>>
        tpu.enqueue_indirect_dma source(%dma_start3A_250 : memref<10000x128xf32, #tpu.memory_space<hbm>>) target(%dma_start3A_245 : memref<64x128xf32, #tpu.memory_space<vmem>>) offsets(%dma_start3A_247 : memref<64xi32, #tpu.memory_space<vmem>>) semaphore(%arg27 : memref<!tpu.dma_semaphore, #tpu.memory_space<semaphore_mem>>)
        %dma_start3A_251 = arith.constant 64 : i32
        %dma_start3A_252 = arith.constant 0 : i32
        %dma_start3A_253 = tpu.memref_slice %arg19[%dma_start3A_251, %dma_start3A_252] : memref<128x128xf32, #tpu.memory_space<vmem>> -> memref<64x128xf32, #tpu.memory_space<vmem>>
        %dma_start3A_254 = arith.constant 64 : i32
        %dma_start3A_255 = tpu.memref_slice %arg13[%dma_start3A_254] : memref<128xi32, #tpu.memory_space<vmem>> -> memref<64xi32, #tpu.memory_space<vmem>>
        %dma_start3A_256 = arith.constant 0 : i32
        %dma_start3A_257 = arith.constant 0 : i32
        %dma_start3A_258 = tpu.memref_slice %arg2[%dma_start3A_256, %dma_start3A_257] : memref<10000x128xf32, #tpu.memory_space<hbm>> -> memref<10000x128xf32, #tpu.memory_space<hbm>>
        tpu.enqueue_indirect_dma source(%dma_start3A_258 : memref<10000x128xf32, #tpu.memory_space<hbm>>) target(%dma_start3A_253 : memref<64x128xf32, #tpu.memory_space<vmem>>) offsets(%dma_start3A_255 : memref<64xi32, #tpu.memory_space<vmem>>) semaphore(%arg27 : memref<!tpu.dma_semaphore, #tpu.memory_space<semaphore_mem>>)
        %lt3A = arith.constant 19 : i32
        %lt3A_259 = arith.cmpi slt, %scan3A_126, %lt3A : i32
        %convert_element_type3A_260 = arith.extui %lt3A_259 : i1 to i32
        %cond3A_261 = arith.constant 0 : i32
        %cond3A_262 = arith.cmpi ne, %convert_element_type3A_260, %cond3A_261 : i32
        scf.if %cond3A_262 {
          %add3A_335 = arith.constant 2 : i32
          %add3A_336 = arith.addi %add3A_232, %add3A_335 : i32
          %mul3A_337 = arith.constant 128 : i32
          %mul3A_338 = arith.muli %add3A_336, %mul3A_337 : i32
          %add3A_339 = arith.addi %mul3A_2, %mul3A_338 : i32
          %dma_start3A_340 = tpu.memref_slice %arg3[%add3A_339] : memref<163840xi32, #tpu.memory_space<hbm>> -> memref<128xi32, #tpu.memory_space<hbm>>
          %dma_start3A_341 = tpu.memref_slice %arg3[%add3A_339] : memref<163840xi32, #tpu.memory_space<hbm>> -> memref<128xi32, #tpu.memory_space<hbm>>
          tpu.enqueue_dma source(%dma_start3A_341 : memref<128xi32, #tpu.memory_space<hbm>>) target(%arg11 : memref<128xi32, #tpu.memory_space<vmem>>) target_semaphore(%arg23 : memref<!tpu.dma_semaphore, #tpu.memory_space<semaphore_mem>>)
          %dma_start3A_342 = tpu.memref_slice %arg4[%add3A_339] : memref<163840xi32, #tpu.memory_space<hbm>> -> memref<128xi32, #tpu.memory_space<hbm>>
          %dma_start3A_343 = tpu.memref_slice %arg4[%add3A_339] : memref<163840xi32, #tpu.memory_space<hbm>> -> memref<128xi32, #tpu.memory_space<hbm>>
          tpu.enqueue_dma source(%dma_start3A_343 : memref<128xi32, #tpu.memory_space<hbm>>) target(%arg15 : memref<128xi32, #tpu.memory_space<vmem>>) target_semaphore(%arg23 : memref<!tpu.dma_semaphore, #tpu.memory_space<semaphore_mem>>)
        } else {
        }
        %dma_wait3A_263 = arith.constant 0 : i32
        %dma_wait3A_264 = arith.constant 0 : i32
        %dma_wait3A_265 = tpu.memref_slice %arg20[%dma_wait3A_263, %dma_wait3A_264] : memref<128x128xf32, #tpu.memory_space<vmem>> -> memref<64x128xf32, #tpu.memory_space<vmem>>
        %dma_wait3A_266 = arith.constant 0 : i32
        %dma_wait3A_267 = tpu.memref_slice %arg12[%dma_wait3A_266] : memref<128xi32, #tpu.memory_space<vmem>> -> memref<64xi32, #tpu.memory_space<vmem>>
        %dma_wait3A_268 = arith.constant 0 : i32
        %dma_wait3A_269 = arith.constant 0 : i32
        %dma_wait3A_270 = tpu.memref_slice %arg2[%dma_wait3A_268, %dma_wait3A_269] : memref<10000x128xf32, #tpu.memory_space<hbm>> -> memref<10000x128xf32, #tpu.memory_space<hbm>>
        tpu.wait_indirect_dma semaphore(%arg28 : memref<!tpu.dma_semaphore, #tpu.memory_space<semaphore_mem>>) src(%dma_wait3A_270 : memref<10000x128xf32, #tpu.memory_space<hbm>>) dst(%dma_wait3A_265 : memref<64x128xf32, #tpu.memory_space<vmem>>)
        %dma_wait3A_271 = arith.constant 64 : i32
        %dma_wait3A_272 = arith.constant 0 : i32
        %dma_wait3A_273 = tpu.memref_slice %arg20[%dma_wait3A_271, %dma_wait3A_272] : memref<128x128xf32, #tpu.memory_space<vmem>> -> memref<64x128xf32, #tpu.memory_space<vmem>>
        %dma_wait3A_274 = arith.constant 64 : i32
        %dma_wait3A_275 = tpu.memref_slice %arg12[%dma_wait3A_274] : memref<128xi32, #tpu.memory_space<vmem>> -> memref<64xi32, #tpu.memory_space<vmem>>
        %dma_wait3A_276 = arith.constant 0 : i32
        %dma_wait3A_277 = arith.constant 0 : i32
        %dma_wait3A_278 = tpu.memref_slice %arg2[%dma_wait3A_276, %dma_wait3A_277] : memref<10000x128xf32, #tpu.memory_space<hbm>> -> memref<10000x128xf32, #tpu.memory_space<hbm>>
        tpu.wait_indirect_dma semaphore(%arg28 : memref<!tpu.dma_semaphore, #tpu.memory_space<semaphore_mem>>) src(%dma_wait3A_278 : memref<10000x128xf32, #tpu.memory_space<hbm>>) dst(%dma_wait3A_273 : memref<64x128xf32, #tpu.memory_space<vmem>>)
        %dma_start3A_279 = arith.constant 0 : i32
        %dma_start3A_280 = arith.constant 0 : i32
        %dma_start3A_281 = tpu.memref_slice %arg22[%dma_start3A_279, %dma_start3A_280] : memref<10240x128xf32, #tpu.memory_space<vmem_shared>> -> memref<10240x128xf32, #tpu.memory_space<vmem_shared>>
        tpu.enqueue_indirect_dma source(%arg20 : memref<128x128xf32, #tpu.memory_space<vmem>>) target(%dma_start3A_281 : memref<10240x128xf32, #tpu.memory_space<vmem_shared>>) offsets(%arg16 : memref<128xi32, #tpu.memory_space<vmem>>) semaphore(%arg30 : memref<!tpu.dma_semaphore, #tpu.memory_space<semaphore_mem>>) {add = true}
        %add3A_282 = arith.constant 3 : i32
        %add3A_283 = arith.addi %mul3A_129, %add3A_282 : i32
        %dma_wait3A_284 = arith.constant 0 : i32
        %dma_wait3A_285 = arith.constant 0 : i32
        %dma_wait3A_286 = tpu.memref_slice %arg22[%dma_wait3A_284, %dma_wait3A_285] : memref<10240x128xf32, #tpu.memory_space<vmem_shared>> -> memref<10240x128xf32, #tpu.memory_space<vmem_shared>>
        tpu.wait_indirect_dma semaphore(%arg30 : memref<!tpu.dma_semaphore, #tpu.memory_space<semaphore_mem>>) src(%arg20 : memref<128x128xf32, #tpu.memory_space<vmem>>) dst(%dma_wait3A_286 : memref<10240x128xf32, #tpu.memory_space<vmem_shared>>)
        %mul3A_287 = arith.constant 128 : i32
        %mul3A_288 = arith.muli %add3A_283, %mul3A_287 : i32
        %add3A_289 = arith.addi %mul3A_2, %mul3A_288 : i32
        %dma_wait3A_290 = tpu.memref_slice %arg3[%add3A_289] : memref<163840xi32, #tpu.memory_space<hbm>> -> memref<128xi32, #tpu.memory_space<hbm>>
        %dma_wait3A_291 = tpu.memref_slice %arg3[%add3A_289] : memref<163840xi32, #tpu.memory_space<hbm>> -> memref<128xi32, #tpu.memory_space<hbm>>
        tpu.wait_dma2 semaphore(%arg26 : memref<!tpu.dma_semaphore, #tpu.memory_space<semaphore_mem>>) src(%dma_wait3A_291 : memref<128xi32, #tpu.memory_space<hbm>>) dst(%arg14 : memref<128xi32, #tpu.memory_space<vmem>>)
        %dma_wait3A_292 = tpu.memref_slice %arg4[%add3A_289] : memref<163840xi32, #tpu.memory_space<hbm>> -> memref<128xi32, #tpu.memory_space<hbm>>
        %dma_wait3A_293 = tpu.memref_slice %arg4[%add3A_289] : memref<163840xi32, #tpu.memory_space<hbm>> -> memref<128xi32, #tpu.memory_space<hbm>>
        tpu.wait_dma2 semaphore(%arg26 : memref<!tpu.dma_semaphore, #tpu.memory_space<semaphore_mem>>) src(%dma_wait3A_293 : memref<128xi32, #tpu.memory_space<hbm>>) dst(%arg18 : memref<128xi32, #tpu.memory_space<vmem>>)
        %dma_start3A_294 = arith.constant 0 : i32
        %dma_start3A_295 = arith.constant 0 : i32
        %dma_start3A_296 = tpu.memref_slice %arg20[%dma_start3A_294, %dma_start3A_295] : memref<128x128xf32, #tpu.memory_space<vmem>> -> memref<64x128xf32, #tpu.memory_space<vmem>>
        %dma_start3A_297 = arith.constant 0 : i32
        %dma_start3A_298 = tpu.memref_slice %arg14[%dma_start3A_297] : memref<128xi32, #tpu.memory_space<vmem>> -> memref<64xi32, #tpu.memory_space<vmem>>
        %dma_start3A_299 = arith.constant 0 : i32
        %dma_start3A_300 = arith.constant 0 : i32
        %dma_start3A_301 = tpu.memref_slice %arg2[%dma_start3A_299, %dma_start3A_300] : memref<10000x128xf32, #tpu.memory_space<hbm>> -> memref<10000x128xf32, #tpu.memory_space<hbm>>
        tpu.enqueue_indirect_dma source(%dma_start3A_301 : memref<10000x128xf32, #tpu.memory_space<hbm>>) target(%dma_start3A_296 : memref<64x128xf32, #tpu.memory_space<vmem>>) offsets(%dma_start3A_298 : memref<64xi32, #tpu.memory_space<vmem>>) semaphore(%arg28 : memref<!tpu.dma_semaphore, #tpu.memory_space<semaphore_mem>>)
        %dma_start3A_302 = arith.constant 64 : i32
        %dma_start3A_303 = arith.constant 0 : i32
        %dma_start3A_304 = tpu.memref_slice %arg20[%dma_start3A_302, %dma_start3A_303] : memref<128x128xf32, #tpu.memory_space<vmem>> -> memref<64x128xf32, #tpu.memory_space<vmem>>
        %dma_start3A_305 = arith.constant 64 : i32
        %dma_start3A_306 = tpu.memref_slice %arg14[%dma_start3A_305] : memref<128xi32, #tpu.memory_space<vmem>> -> memref<64xi32, #tpu.memory_space<vmem>>
        %dma_start3A_307 = arith.constant 0 : i32
        %dma_start3A_308 = arith.constant 0 : i32
        %dma_start3A_309 = tpu.memref_slice %arg2[%dma_start3A_307, %dma_start3A_308] : memref<10000x128xf32, #tpu.memory_space<hbm>> -> memref<10000x128xf32, #tpu.memory_space<hbm>>
        tpu.enqueue_indirect_dma source(%dma_start3A_309 : memref<10000x128xf32, #tpu.memory_space<hbm>>) target(%dma_start3A_304 : memref<64x128xf32, #tpu.memory_space<vmem>>) offsets(%dma_start3A_306 : memref<64xi32, #tpu.memory_space<vmem>>) semaphore(%arg28 : memref<!tpu.dma_semaphore, #tpu.memory_space<semaphore_mem>>)
        %lt3A_310 = arith.constant 19 : i32
        %lt3A_311 = arith.cmpi slt, %scan3A_126, %lt3A_310 : i32
        %convert_element_type3A_312 = arith.extui %lt3A_311 : i1 to i32
        %cond3A_313 = arith.constant 0 : i32
        %cond3A_314 = arith.cmpi ne, %convert_element_type3A_312, %cond3A_313 : i32
        scf.if %cond3A_314 {
          %add3A_335 = arith.constant 2 : i32
          %add3A_336 = arith.addi %add3A_283, %add3A_335 : i32
          %mul3A_337 = arith.constant 128 : i32
          %mul3A_338 = arith.muli %add3A_336, %mul3A_337 : i32
          %add3A_339 = arith.addi %mul3A_2, %mul3A_338 : i32
          %dma_start3A_340 = tpu.memref_slice %arg3[%add3A_339] : memref<163840xi32, #tpu.memory_space<hbm>> -> memref<128xi32, #tpu.memory_space<hbm>>
          %dma_start3A_341 = tpu.memref_slice %arg3[%add3A_339] : memref<163840xi32, #tpu.memory_space<hbm>> -> memref<128xi32, #tpu.memory_space<hbm>>
          tpu.enqueue_dma source(%dma_start3A_341 : memref<128xi32, #tpu.memory_space<hbm>>) target(%arg12 : memref<128xi32, #tpu.memory_space<vmem>>) target_semaphore(%arg24 : memref<!tpu.dma_semaphore, #tpu.memory_space<semaphore_mem>>)
          %dma_start3A_342 = tpu.memref_slice %arg4[%add3A_339] : memref<163840xi32, #tpu.memory_space<hbm>> -> memref<128xi32, #tpu.memory_space<hbm>>
          %dma_start3A_343 = tpu.memref_slice %arg4[%add3A_339] : memref<163840xi32, #tpu.memory_space<hbm>> -> memref<128xi32, #tpu.memory_space<hbm>>
          tpu.enqueue_dma source(%dma_start3A_343 : memref<128xi32, #tpu.memory_space<hbm>>) target(%arg16 : memref<128xi32, #tpu.memory_space<vmem>>) target_semaphore(%arg24 : memref<!tpu.dma_semaphore, #tpu.memory_space<semaphore_mem>>)
        } else {
        }
        %dma_wait3A_315 = arith.constant 0 : i32
        %dma_wait3A_316 = arith.constant 0 : i32
        %dma_wait3A_317 = tpu.memref_slice %arg19[%dma_wait3A_315, %dma_wait3A_316] : memref<128x128xf32, #tpu.memory_space<vmem>> -> memref<64x128xf32, #tpu.memory_space<vmem>>
        %dma_wait3A_318 = arith.constant 0 : i32
        %dma_wait3A_319 = tpu.memref_slice %arg13[%dma_wait3A_318] : memref<128xi32, #tpu.memory_space<vmem>> -> memref<64xi32, #tpu.memory_space<vmem>>
        %dma_wait3A_320 = arith.constant 0 : i32
        %dma_wait3A_321 = arith.constant 0 : i32
        %dma_wait3A_322 = tpu.memref_slice %arg2[%dma_wait3A_320, %dma_wait3A_321] : memref<10000x128xf32, #tpu.memory_space<hbm>> -> memref<10000x128xf32, #tpu.memory_space<hbm>>
        tpu.wait_indirect_dma semaphore(%arg27 : memref<!tpu.dma_semaphore, #tpu.memory_space<semaphore_mem>>) src(%dma_wait3A_322 : memref<10000x128xf32, #tpu.memory_space<hbm>>) dst(%dma_wait3A_317 : memref<64x128xf32, #tpu.memory_space<vmem>>)
        %dma_wait3A_323 = arith.constant 64 : i32
        %dma_wait3A_324 = arith.constant 0 : i32
        %dma_wait3A_325 = tpu.memref_slice %arg19[%dma_wait3A_323, %dma_wait3A_324] : memref<128x128xf32, #tpu.memory_space<vmem>> -> memref<64x128xf32, #tpu.memory_space<vmem>>
        %dma_wait3A_326 = arith.constant 64 : i32
        %dma_wait3A_327 = tpu.memref_slice %arg13[%dma_wait3A_326] : memref<128xi32, #tpu.memory_space<vmem>> -> memref<64xi32, #tpu.memory_space<vmem>>
        %dma_wait3A_328 = arith.constant 0 : i32
        %dma_wait3A_329 = arith.constant 0 : i32
        %dma_wait3A_330 = tpu.memref_slice %arg2[%dma_wait3A_328, %dma_wait3A_329] : memref<10000x128xf32, #tpu.memory_space<hbm>> -> memref<10000x128xf32, #tpu.memory_space<hbm>>
        tpu.wait_indirect_dma semaphore(%arg27 : memref<!tpu.dma_semaphore, #tpu.memory_space<semaphore_mem>>) src(%dma_wait3A_330 : memref<10000x128xf32, #tpu.memory_space<hbm>>) dst(%dma_wait3A_325 : memref<64x128xf32, #tpu.memory_space<vmem>>)
        %dma_start3A_331 = arith.constant 0 : i32
        %dma_start3A_332 = arith.constant 0 : i32
        %dma_start3A_333 = tpu.memref_slice %arg22[%dma_start3A_331, %dma_start3A_332] : memref<10240x128xf32, #tpu.memory_space<vmem_shared>> -> memref<10240x128xf32, #tpu.memory_space<vmem_shared>>
        tpu.enqueue_indirect_dma source(%arg19 : memref<128x128xf32, #tpu.memory_space<vmem>>) target(%dma_start3A_333 : memref<10240x128xf32, #tpu.memory_space<vmem_shared>>) offsets(%arg17 : memref<128xi32, #tpu.memory_space<vmem>>) semaphore(%arg29 : memref<!tpu.dma_semaphore, #tpu.memory_space<semaphore_mem>>) {add = true}
        %scan3A_334 = arith.constant 0 : i32
        scf.yield %scan3A_334 : i32
      }
      %scan3A_101 = arith.constant 20 : i32
      %dma_wait3A = arith.constant 0 : i32
      %dma_wait3A_102 = arith.constant 0 : i32
      %dma_wait3A_103 = tpu.memref_slice %arg20[%dma_wait3A, %dma_wait3A_102] : memref<128x128xf32, #tpu.memory_space<vmem>> -> memref<64x128xf32, #tpu.memory_space<vmem>>
      %dma_wait3A_104 = arith.constant 0 : i32
      %dma_wait3A_105 = tpu.memref_slice %arg14[%dma_wait3A_104] : memref<128xi32, #tpu.memory_space<vmem>> -> memref<64xi32, #tpu.memory_space<vmem>>
      %dma_wait3A_106 = arith.constant 0 : i32
      %dma_wait3A_107 = arith.constant 0 : i32
      %dma_wait3A_108 = tpu.memref_slice %arg2[%dma_wait3A_106, %dma_wait3A_107] : memref<10000x128xf32, #tpu.memory_space<hbm>> -> memref<10000x128xf32, #tpu.memory_space<hbm>>
      tpu.wait_indirect_dma semaphore(%arg28 : memref<!tpu.dma_semaphore, #tpu.memory_space<semaphore_mem>>) src(%dma_wait3A_108 : memref<10000x128xf32, #tpu.memory_space<hbm>>) dst(%dma_wait3A_103 : memref<64x128xf32, #tpu.memory_space<vmem>>)
      %dma_wait3A_109 = arith.constant 64 : i32
      %dma_wait3A_110 = arith.constant 0 : i32
      %dma_wait3A_111 = tpu.memref_slice %arg20[%dma_wait3A_109, %dma_wait3A_110] : memref<128x128xf32, #tpu.memory_space<vmem>> -> memref<64x128xf32, #tpu.memory_space<vmem>>
      %dma_wait3A_112 = arith.constant 64 : i32
      %dma_wait3A_113 = tpu.memref_slice %arg14[%dma_wait3A_112] : memref<128xi32, #tpu.memory_space<vmem>> -> memref<64xi32, #tpu.memory_space<vmem>>
      %dma_wait3A_114 = arith.constant 0 : i32
      %dma_wait3A_115 = arith.constant 0 : i32
      %dma_wait3A_116 = tpu.memref_slice %arg2[%dma_wait3A_114, %dma_wait3A_115] : memref<10000x128xf32, #tpu.memory_space<hbm>> -> memref<10000x128xf32, #tpu.memory_space<hbm>>
      tpu.wait_indirect_dma semaphore(%arg28 : memref<!tpu.dma_semaphore, #tpu.memory_space<semaphore_mem>>) src(%dma_wait3A_116 : memref<10000x128xf32, #tpu.memory_space<hbm>>) dst(%dma_wait3A_111 : memref<64x128xf32, #tpu.memory_space<vmem>>)
      %dma_start3A_117 = arith.constant 0 : i32
      %dma_start3A_118 = arith.constant 0 : i32
      %dma_start3A_119 = tpu.memref_slice %arg22[%dma_start3A_117, %dma_start3A_118] : memref<10240x128xf32, #tpu.memory_space<vmem_shared>> -> memref<10240x128xf32, #tpu.memory_space<vmem_shared>>
      tpu.enqueue_indirect_dma source(%arg20 : memref<128x128xf32, #tpu.memory_space<vmem>>) target(%dma_start3A_119 : memref<10240x128xf32, #tpu.memory_space<vmem_shared>>) offsets(%arg18 : memref<128xi32, #tpu.memory_space<vmem>>) semaphore(%arg30 : memref<!tpu.dma_semaphore, #tpu.memory_space<semaphore_mem>>) {add = true}
      %dma_wait3A_120 = arith.constant 0 : i32
      %dma_wait3A_121 = arith.constant 0 : i32
      %dma_wait3A_122 = tpu.memref_slice %arg22[%dma_wait3A_120, %dma_wait3A_121] : memref<10240x128xf32, #tpu.memory_space<vmem_shared>> -> memref<10240x128xf32, #tpu.memory_space<vmem_shared>>
      tpu.wait_indirect_dma semaphore(%arg29 : memref<!tpu.dma_semaphore, #tpu.memory_space<semaphore_mem>>) src(%arg19 : memref<128x128xf32, #tpu.memory_space<vmem>>) dst(%dma_wait3A_122 : memref<10240x128xf32, #tpu.memory_space<vmem_shared>>)
      %dma_wait3A_123 = arith.constant 0 : i32
      %dma_wait3A_124 = arith.constant 0 : i32
      %dma_wait3A_125 = tpu.memref_slice %arg22[%dma_wait3A_123, %dma_wait3A_124] : memref<10240x128xf32, #tpu.memory_space<vmem_shared>> -> memref<10240x128xf32, #tpu.memory_space<vmem_shared>>
      tpu.wait_indirect_dma semaphore(%arg30 : memref<!tpu.dma_semaphore, #tpu.memory_space<semaphore_mem>>) src(%arg20 : memref<128x128xf32, #tpu.memory_space<vmem>>) dst(%dma_wait3A_125 : memref<10240x128xf32, #tpu.memory_space<vmem_shared>>)
    } else {
    }
    %eq3A_25 = arith.constant 1 : i32
    %eq3A_26 = arith.cmpi eq, %arg0, %eq3A_25 : i32
    %convert_element_type3A_27 = arith.extui %eq3A_26 : i1 to i32
    %cond3A_28 = arith.constant 0 : i32
    %cond3A_29 = arith.cmpi ne, %convert_element_type3A_27, %cond3A_28 : i32
    scf.if %cond3A_29 {
      %add3A = arith.constant 0 : i32
      %add3A_85 = arith.addi %mul3A_2, %add3A : i32
      %dma_start3A = tpu.memref_slice %arg5[%add3A_85] : memref<163840xi32, #tpu.memory_space<hbm>> -> memref<128xi32, #tpu.memory_space<hbm>>
      %dma_start3A_86 = tpu.memref_slice %arg5[%add3A_85] : memref<163840xi32, #tpu.memory_space<hbm>> -> memref<128xi32, #tpu.memory_space<hbm>>
      tpu.enqueue_dma source(%dma_start3A_86 : memref<128xi32, #tpu.memory_space<hbm>>) target(%arg11 : memref<128xi32, #tpu.memory_space<vmem>>) target_semaphore(%arg23 : memref<!tpu.dma_semaphore, #tpu.memory_space<semaphore_mem>>)
      %dma_start3A_87 = tpu.memref_slice %arg6[%add3A_85] : memref<163840xi32, #tpu.memory_space<hbm>> -> memref<128xi32, #tpu.memory_space<hbm>>
      %dma_start3A_88 = tpu.memref_slice %arg6[%add3A_85] : memref<163840xi32, #tpu.memory_space<hbm>> -> memref<128xi32, #tpu.memory_space<hbm>>
      tpu.enqueue_dma source(%dma_start3A_88 : memref<128xi32, #tpu.memory_space<hbm>>) target(%arg15 : memref<128xi32, #tpu.memory_space<vmem>>) target_semaphore(%arg23 : memref<!tpu.dma_semaphore, #tpu.memory_space<semaphore_mem>>)
      %add3A_89 = arith.constant 128 : i32
      %add3A_90 = arith.addi %mul3A_2, %add3A_89 : i32
      %dma_start3A_91 = tpu.memref_slice %arg5[%add3A_90] : memref<163840xi32, #tpu.memory_space<hbm>> -> memref<128xi32, #tpu.memory_space<hbm>>
      %dma_start3A_92 = tpu.memref_slice %arg5[%add3A_90] : memref<163840xi32, #tpu.memory_space<hbm>> -> memref<128xi32, #tpu.memory_space<hbm>>
      tpu.enqueue_dma source(%dma_start3A_92 : memref<128xi32, #tpu.memory_space<hbm>>) target(%arg12 : memref<128xi32, #tpu.memory_space<vmem>>) target_semaphore(%arg24 : memref<!tpu.dma_semaphore, #tpu.memory_space<semaphore_mem>>)
      %dma_start3A_93 = tpu.memref_slice %arg6[%add3A_90] : memref<163840xi32, #tpu.memory_space<hbm>> -> memref<128xi32, #tpu.memory_space<hbm>>
      %dma_start3A_94 = tpu.memref_slice %arg6[%add3A_90] : memref<163840xi32, #tpu.memory_space<hbm>> -> memref<128xi32, #tpu.memory_space<hbm>>
      tpu.enqueue_dma source(%dma_start3A_94 : memref<128xi32, #tpu.memory_space<hbm>>) target(%arg16 : memref<128xi32, #tpu.memory_space<vmem>>) target_semaphore(%arg24 : memref<!tpu.dma_semaphore, #tpu.memory_space<semaphore_mem>>)
      %scan3A_95 = arith.constant 0 : i32
      %scan3A_96 = arith.constant 0 : i32
      %scan3A_97 = arith.constant 20 : i32
      %scan3A_98 = arith.addi %scan3A_96, %scan3A_97 : i32
      %scan3A_99 = arith.constant 1 : i32
      %scan3A_100 = scf.for %scan3A_126 = %scan3A_96 to %scan3A_98 step %scan3A_99 iter_args(%scan3A_127 = %scan3A_95) -> (i32)  : i32 {
        %mul3A_128 = arith.constant 4 : i32
        %mul3A_129 = arith.muli %mul3A_128, %scan3A_126 : i32
        %add3A_130 = arith.constant 0 : i32
        %add3A_131 = arith.addi %mul3A_129, %add3A_130 : i32
        %gt3A = arith.constant 0 : i32
        %gt3A_132 = arith.cmpi sgt, %scan3A_126, %gt3A : i32
        %convert_element_type3A_133 = arith.extui %gt3A_132 : i1 to i32
        %cond3A_134 = arith.constant 0 : i32
        %cond3A_135 = arith.cmpi ne, %convert_element_type3A_133, %cond3A_134 : i32
        scf.if %cond3A_135 {
          %dma_wait3A_335 = arith.constant 0 : i32
          %dma_wait3A_336 = arith.constant 0 : i32
          %dma_wait3A_337 = tpu.memref_slice %arg22[%dma_wait3A_335, %dma_wait3A_336] : memref<10240x128xf32, #tpu.memory_space<vmem_shared>> -> memref<10240x128xf32, #tpu.memory_space<vmem_shared>>
          tpu.wait_indirect_dma semaphore(%arg29 : memref<!tpu.dma_semaphore, #tpu.memory_space<semaphore_mem>>) src(%arg19 : memref<128x128xf32, #tpu.memory_space<vmem>>) dst(%dma_wait3A_337 : memref<10240x128xf32, #tpu.memory_space<vmem_shared>>)
        } else {
        }
        %mul3A_136 = arith.constant 128 : i32
        %mul3A_137 = arith.muli %add3A_131, %mul3A_136 : i32
        %add3A_138 = arith.addi %mul3A_2, %mul3A_137 : i32
        %dma_wait3A_139 = tpu.memref_slice %arg5[%add3A_138] : memref<163840xi32, #tpu.memory_space<hbm>> -> memref<128xi32, #tpu.memory_space<hbm>>
        %dma_wait3A_140 = tpu.memref_slice %arg5[%add3A_138] : memref<163840xi32, #tpu.memory_space<hbm>> -> memref<128xi32, #tpu.memory_space<hbm>>
        tpu.wait_dma2 semaphore(%arg23 : memref<!tpu.dma_semaphore, #tpu.memory_space<semaphore_mem>>) src(%dma_wait3A_140 : memref<128xi32, #tpu.memory_space<hbm>>) dst(%arg11 : memref<128xi32, #tpu.memory_space<vmem>>)
        %dma_wait3A_141 = tpu.memref_slice %arg6[%add3A_138] : memref<163840xi32, #tpu.memory_space<hbm>> -> memref<128xi32, #tpu.memory_space<hbm>>
        %dma_wait3A_142 = tpu.memref_slice %arg6[%add3A_138] : memref<163840xi32, #tpu.memory_space<hbm>> -> memref<128xi32, #tpu.memory_space<hbm>>
        tpu.wait_dma2 semaphore(%arg23 : memref<!tpu.dma_semaphore, #tpu.memory_space<semaphore_mem>>) src(%dma_wait3A_142 : memref<128xi32, #tpu.memory_space<hbm>>) dst(%arg15 : memref<128xi32, #tpu.memory_space<vmem>>)
        %dma_start3A_143 = arith.constant 0 : i32
        %dma_start3A_144 = arith.constant 0 : i32
        %dma_start3A_145 = tpu.memref_slice %arg19[%dma_start3A_143, %dma_start3A_144] : memref<128x128xf32, #tpu.memory_space<vmem>> -> memref<64x128xf32, #tpu.memory_space<vmem>>
        %dma_start3A_146 = arith.constant 0 : i32
        %dma_start3A_147 = tpu.memref_slice %arg11[%dma_start3A_146] : memref<128xi32, #tpu.memory_space<vmem>> -> memref<64xi32, #tpu.memory_space<vmem>>
        %dma_start3A_148 = arith.constant 0 : i32
        %dma_start3A_149 = arith.constant 0 : i32
        %dma_start3A_150 = tpu.memref_slice %arg2[%dma_start3A_148, %dma_start3A_149] : memref<10000x128xf32, #tpu.memory_space<hbm>> -> memref<10000x128xf32, #tpu.memory_space<hbm>>
        tpu.enqueue_indirect_dma source(%dma_start3A_150 : memref<10000x128xf32, #tpu.memory_space<hbm>>) target(%dma_start3A_145 : memref<64x128xf32, #tpu.memory_space<vmem>>) offsets(%dma_start3A_147 : memref<64xi32, #tpu.memory_space<vmem>>) semaphore(%arg27 : memref<!tpu.dma_semaphore, #tpu.memory_space<semaphore_mem>>)
        %dma_start3A_151 = arith.constant 64 : i32
        %dma_start3A_152 = arith.constant 0 : i32
        %dma_start3A_153 = tpu.memref_slice %arg19[%dma_start3A_151, %dma_start3A_152] : memref<128x128xf32, #tpu.memory_space<vmem>> -> memref<64x128xf32, #tpu.memory_space<vmem>>
        %dma_start3A_154 = arith.constant 64 : i32
        %dma_start3A_155 = tpu.memref_slice %arg11[%dma_start3A_154] : memref<128xi32, #tpu.memory_space<vmem>> -> memref<64xi32, #tpu.memory_space<vmem>>
        %dma_start3A_156 = arith.constant 0 : i32
        %dma_start3A_157 = arith.constant 0 : i32
        %dma_start3A_158 = tpu.memref_slice %arg2[%dma_start3A_156, %dma_start3A_157] : memref<10000x128xf32, #tpu.memory_space<hbm>> -> memref<10000x128xf32, #tpu.memory_space<hbm>>
        tpu.enqueue_indirect_dma source(%dma_start3A_158 : memref<10000x128xf32, #tpu.memory_space<hbm>>) target(%dma_start3A_153 : memref<64x128xf32, #tpu.memory_space<vmem>>) offsets(%dma_start3A_155 : memref<64xi32, #tpu.memory_space<vmem>>) semaphore(%arg27 : memref<!tpu.dma_semaphore, #tpu.memory_space<semaphore_mem>>)
        %add3A_159 = arith.constant 2 : i32
        %add3A_160 = arith.addi %add3A_131, %add3A_159 : i32
        %mul3A_161 = arith.constant 128 : i32
        %mul3A_162 = arith.muli %add3A_160, %mul3A_161 : i32
        %add3A_163 = arith.addi %mul3A_2, %mul3A_162 : i32
        %dma_start3A_164 = tpu.memref_slice %arg5[%add3A_163] : memref<163840xi32, #tpu.memory_space<hbm>> -> memref<128xi32, #tpu.memory_space<hbm>>
        %dma_start3A_165 = tpu.memref_slice %arg5[%add3A_163] : memref<163840xi32, #tpu.memory_space<hbm>> -> memref<128xi32, #tpu.memory_space<hbm>>
        tpu.enqueue_dma source(%dma_start3A_165 : memref<128xi32, #tpu.memory_space<hbm>>) target(%arg13 : memref<128xi32, #tpu.memory_space<vmem>>) target_semaphore(%arg25 : memref<!tpu.dma_semaphore, #tpu.memory_space<semaphore_mem>>)
        %dma_start3A_166 = tpu.memref_slice %arg6[%add3A_163] : memref<163840xi32, #tpu.memory_space<hbm>> -> memref<128xi32, #tpu.memory_space<hbm>>
        %dma_start3A_167 = tpu.memref_slice %arg6[%add3A_163] : memref<163840xi32, #tpu.memory_space<hbm>> -> memref<128xi32, #tpu.memory_space<hbm>>
        tpu.enqueue_dma source(%dma_start3A_167 : memref<128xi32, #tpu.memory_space<hbm>>) target(%arg17 : memref<128xi32, #tpu.memory_space<vmem>>) target_semaphore(%arg25 : memref<!tpu.dma_semaphore, #tpu.memory_space<semaphore_mem>>)
        %gt3A_168 = arith.constant 0 : i32
        %gt3A_169 = arith.cmpi sgt, %scan3A_126, %gt3A_168 : i32
        %convert_element_type3A_170 = arith.extui %gt3A_169 : i1 to i32
        %cond3A_171 = arith.constant 0 : i32
        %cond3A_172 = arith.cmpi ne, %convert_element_type3A_170, %cond3A_171 : i32
        scf.if %cond3A_172 {
          %dma_wait3A_335 = arith.constant 0 : i32
          %dma_wait3A_336 = arith.constant 0 : i32
          %dma_wait3A_337 = tpu.memref_slice %arg20[%dma_wait3A_335, %dma_wait3A_336] : memref<128x128xf32, #tpu.memory_space<vmem>> -> memref<64x128xf32, #tpu.memory_space<vmem>>
          %dma_wait3A_338 = arith.constant 0 : i32
          %dma_wait3A_339 = tpu.memref_slice %arg14[%dma_wait3A_338] : memref<128xi32, #tpu.memory_space<vmem>> -> memref<64xi32, #tpu.memory_space<vmem>>
          %dma_wait3A_340 = arith.constant 0 : i32
          %dma_wait3A_341 = arith.constant 0 : i32
          %dma_wait3A_342 = tpu.memref_slice %arg2[%dma_wait3A_340, %dma_wait3A_341] : memref<10000x128xf32, #tpu.memory_space<hbm>> -> memref<10000x128xf32, #tpu.memory_space<hbm>>
          tpu.wait_indirect_dma semaphore(%arg28 : memref<!tpu.dma_semaphore, #tpu.memory_space<semaphore_mem>>) src(%dma_wait3A_342 : memref<10000x128xf32, #tpu.memory_space<hbm>>) dst(%dma_wait3A_337 : memref<64x128xf32, #tpu.memory_space<vmem>>)
          %dma_wait3A_343 = arith.constant 64 : i32
          %dma_wait3A_344 = arith.constant 0 : i32
          %dma_wait3A_345 = tpu.memref_slice %arg20[%dma_wait3A_343, %dma_wait3A_344] : memref<128x128xf32, #tpu.memory_space<vmem>> -> memref<64x128xf32, #tpu.memory_space<vmem>>
          %dma_wait3A_346 = arith.constant 64 : i32
          %dma_wait3A_347 = tpu.memref_slice %arg14[%dma_wait3A_346] : memref<128xi32, #tpu.memory_space<vmem>> -> memref<64xi32, #tpu.memory_space<vmem>>
          %dma_wait3A_348 = arith.constant 0 : i32
          %dma_wait3A_349 = arith.constant 0 : i32
          %dma_wait3A_350 = tpu.memref_slice %arg2[%dma_wait3A_348, %dma_wait3A_349] : memref<10000x128xf32, #tpu.memory_space<hbm>> -> memref<10000x128xf32, #tpu.memory_space<hbm>>
          tpu.wait_indirect_dma semaphore(%arg28 : memref<!tpu.dma_semaphore, #tpu.memory_space<semaphore_mem>>) src(%dma_wait3A_350 : memref<10000x128xf32, #tpu.memory_space<hbm>>) dst(%dma_wait3A_345 : memref<64x128xf32, #tpu.memory_space<vmem>>)
          %dma_start3A_351 = arith.constant 0 : i32
          %dma_start3A_352 = arith.constant 0 : i32
          %dma_start3A_353 = tpu.memref_slice %arg22[%dma_start3A_351, %dma_start3A_352] : memref<10240x128xf32, #tpu.memory_space<vmem_shared>> -> memref<10240x128xf32, #tpu.memory_space<vmem_shared>>
          tpu.enqueue_indirect_dma source(%arg20 : memref<128x128xf32, #tpu.memory_space<vmem>>) target(%dma_start3A_353 : memref<10240x128xf32, #tpu.memory_space<vmem_shared>>) offsets(%arg18 : memref<128xi32, #tpu.memory_space<vmem>>) semaphore(%arg30 : memref<!tpu.dma_semaphore, #tpu.memory_space<semaphore_mem>>) {add = true}
        } else {
        }
        %add3A_173 = arith.constant 1 : i32
        %add3A_174 = arith.addi %mul3A_129, %add3A_173 : i32
        %gt3A_175 = arith.constant 0 : i32
        %gt3A_176 = arith.cmpi sgt, %scan3A_126, %gt3A_175 : i32
        %convert_element_type3A_177 = arith.extui %gt3A_176 : i1 to i32
        %cond3A_178 = arith.constant 0 : i32
        %cond3A_179 = arith.cmpi ne, %convert_element_type3A_177, %cond3A_178 : i32
        scf.if %cond3A_179 {
          %dma_wait3A_335 = arith.constant 0 : i32
          %dma_wait3A_336 = arith.constant 0 : i32
          %dma_wait3A_337 = tpu.memref_slice %arg22[%dma_wait3A_335, %dma_wait3A_336] : memref<10240x128xf32, #tpu.memory_space<vmem_shared>> -> memref<10240x128xf32, #tpu.memory_space<vmem_shared>>
          tpu.wait_indirect_dma semaphore(%arg30 : memref<!tpu.dma_semaphore, #tpu.memory_space<semaphore_mem>>) src(%arg20 : memref<128x128xf32, #tpu.memory_space<vmem>>) dst(%dma_wait3A_337 : memref<10240x128xf32, #tpu.memory_space<vmem_shared>>)
        } else {
        }
        %mul3A_180 = arith.constant 128 : i32
        %mul3A_181 = arith.muli %add3A_174, %mul3A_180 : i32
        %add3A_182 = arith.addi %mul3A_2, %mul3A_181 : i32
        %dma_wait3A_183 = tpu.memref_slice %arg5[%add3A_182] : memref<163840xi32, #tpu.memory_space<hbm>> -> memref<128xi32, #tpu.memory_space<hbm>>
        %dma_wait3A_184 = tpu.memref_slice %arg5[%add3A_182] : memref<163840xi32, #tpu.memory_space<hbm>> -> memref<128xi32, #tpu.memory_space<hbm>>
        tpu.wait_dma2 semaphore(%arg24 : memref<!tpu.dma_semaphore, #tpu.memory_space<semaphore_mem>>) src(%dma_wait3A_184 : memref<128xi32, #tpu.memory_space<hbm>>) dst(%arg12 : memref<128xi32, #tpu.memory_space<vmem>>)
        %dma_wait3A_185 = tpu.memref_slice %arg6[%add3A_182] : memref<163840xi32, #tpu.memory_space<hbm>> -> memref<128xi32, #tpu.memory_space<hbm>>
        %dma_wait3A_186 = tpu.memref_slice %arg6[%add3A_182] : memref<163840xi32, #tpu.memory_space<hbm>> -> memref<128xi32, #tpu.memory_space<hbm>>
        tpu.wait_dma2 semaphore(%arg24 : memref<!tpu.dma_semaphore, #tpu.memory_space<semaphore_mem>>) src(%dma_wait3A_186 : memref<128xi32, #tpu.memory_space<hbm>>) dst(%arg16 : memref<128xi32, #tpu.memory_space<vmem>>)
        %dma_start3A_187 = arith.constant 0 : i32
        %dma_start3A_188 = arith.constant 0 : i32
        %dma_start3A_189 = tpu.memref_slice %arg20[%dma_start3A_187, %dma_start3A_188] : memref<128x128xf32, #tpu.memory_space<vmem>> -> memref<64x128xf32, #tpu.memory_space<vmem>>
        %dma_start3A_190 = arith.constant 0 : i32
        %dma_start3A_191 = tpu.memref_slice %arg12[%dma_start3A_190] : memref<128xi32, #tpu.memory_space<vmem>> -> memref<64xi32, #tpu.memory_space<vmem>>
        %dma_start3A_192 = arith.constant 0 : i32
        %dma_start3A_193 = arith.constant 0 : i32
        %dma_start3A_194 = tpu.memref_slice %arg2[%dma_start3A_192, %dma_start3A_193] : memref<10000x128xf32, #tpu.memory_space<hbm>> -> memref<10000x128xf32, #tpu.memory_space<hbm>>
        tpu.enqueue_indirect_dma source(%dma_start3A_194 : memref<10000x128xf32, #tpu.memory_space<hbm>>) target(%dma_start3A_189 : memref<64x128xf32, #tpu.memory_space<vmem>>) offsets(%dma_start3A_191 : memref<64xi32, #tpu.memory_space<vmem>>) semaphore(%arg28 : memref<!tpu.dma_semaphore, #tpu.memory_space<semaphore_mem>>)
        %dma_start3A_195 = arith.constant 64 : i32
        %dma_start3A_196 = arith.constant 0 : i32
        %dma_start3A_197 = tpu.memref_slice %arg20[%dma_start3A_195, %dma_start3A_196] : memref<128x128xf32, #tpu.memory_space<vmem>> -> memref<64x128xf32, #tpu.memory_space<vmem>>
        %dma_start3A_198 = arith.constant 64 : i32
        %dma_start3A_199 = tpu.memref_slice %arg12[%dma_start3A_198] : memref<128xi32, #tpu.memory_space<vmem>> -> memref<64xi32, #tpu.memory_space<vmem>>
        %dma_start3A_200 = arith.constant 0 : i32
        %dma_start3A_201 = arith.constant 0 : i32
        %dma_start3A_202 = tpu.memref_slice %arg2[%dma_start3A_200, %dma_start3A_201] : memref<10000x128xf32, #tpu.memory_space<hbm>> -> memref<10000x128xf32, #tpu.memory_space<hbm>>
        tpu.enqueue_indirect_dma source(%dma_start3A_202 : memref<10000x128xf32, #tpu.memory_space<hbm>>) target(%dma_start3A_197 : memref<64x128xf32, #tpu.memory_space<vmem>>) offsets(%dma_start3A_199 : memref<64xi32, #tpu.memory_space<vmem>>) semaphore(%arg28 : memref<!tpu.dma_semaphore, #tpu.memory_space<semaphore_mem>>)
        %add3A_203 = arith.constant 2 : i32
        %add3A_204 = arith.addi %add3A_174, %add3A_203 : i32
        %mul3A_205 = arith.constant 128 : i32
        %mul3A_206 = arith.muli %add3A_204, %mul3A_205 : i32
        %add3A_207 = arith.addi %mul3A_2, %mul3A_206 : i32
        %dma_start3A_208 = tpu.memref_slice %arg5[%add3A_207] : memref<163840xi32, #tpu.memory_space<hbm>> -> memref<128xi32, #tpu.memory_space<hbm>>
        %dma_start3A_209 = tpu.memref_slice %arg5[%add3A_207] : memref<163840xi32, #tpu.memory_space<hbm>> -> memref<128xi32, #tpu.memory_space<hbm>>
        tpu.enqueue_dma source(%dma_start3A_209 : memref<128xi32, #tpu.memory_space<hbm>>) target(%arg14 : memref<128xi32, #tpu.memory_space<vmem>>) target_semaphore(%arg26 : memref<!tpu.dma_semaphore, #tpu.memory_space<semaphore_mem>>)
        %dma_start3A_210 = tpu.memref_slice %arg6[%add3A_207] : memref<163840xi32, #tpu.memory_space<hbm>> -> memref<128xi32, #tpu.memory_space<hbm>>
        %dma_start3A_211 = tpu.memref_slice %arg6[%add3A_207] : memref<163840xi32, #tpu.memory_space<hbm>> -> memref<128xi32, #tpu.memory_space<hbm>>
        tpu.enqueue_dma source(%dma_start3A_211 : memref<128xi32, #tpu.memory_space<hbm>>) target(%arg18 : memref<128xi32, #tpu.memory_space<vmem>>) target_semaphore(%arg26 : memref<!tpu.dma_semaphore, #tpu.memory_space<semaphore_mem>>)
        %dma_wait3A_212 = arith.constant 0 : i32
        %dma_wait3A_213 = arith.constant 0 : i32
        %dma_wait3A_214 = tpu.memref_slice %arg19[%dma_wait3A_212, %dma_wait3A_213] : memref<128x128xf32, #tpu.memory_space<vmem>> -> memref<64x128xf32, #tpu.memory_space<vmem>>
        %dma_wait3A_215 = arith.constant 0 : i32
        %dma_wait3A_216 = tpu.memref_slice %arg11[%dma_wait3A_215] : memref<128xi32, #tpu.memory_space<vmem>> -> memref<64xi32, #tpu.memory_space<vmem>>
        %dma_wait3A_217 = arith.constant 0 : i32
        %dma_wait3A_218 = arith.constant 0 : i32
        %dma_wait3A_219 = tpu.memref_slice %arg2[%dma_wait3A_217, %dma_wait3A_218] : memref<10000x128xf32, #tpu.memory_space<hbm>> -> memref<10000x128xf32, #tpu.memory_space<hbm>>
        tpu.wait_indirect_dma semaphore(%arg27 : memref<!tpu.dma_semaphore, #tpu.memory_space<semaphore_mem>>) src(%dma_wait3A_219 : memref<10000x128xf32, #tpu.memory_space<hbm>>) dst(%dma_wait3A_214 : memref<64x128xf32, #tpu.memory_space<vmem>>)
        %dma_wait3A_220 = arith.constant 64 : i32
        %dma_wait3A_221 = arith.constant 0 : i32
        %dma_wait3A_222 = tpu.memref_slice %arg19[%dma_wait3A_220, %dma_wait3A_221] : memref<128x128xf32, #tpu.memory_space<vmem>> -> memref<64x128xf32, #tpu.memory_space<vmem>>
        %dma_wait3A_223 = arith.constant 64 : i32
        %dma_wait3A_224 = tpu.memref_slice %arg11[%dma_wait3A_223] : memref<128xi32, #tpu.memory_space<vmem>> -> memref<64xi32, #tpu.memory_space<vmem>>
        %dma_wait3A_225 = arith.constant 0 : i32
        %dma_wait3A_226 = arith.constant 0 : i32
        %dma_wait3A_227 = tpu.memref_slice %arg2[%dma_wait3A_225, %dma_wait3A_226] : memref<10000x128xf32, #tpu.memory_space<hbm>> -> memref<10000x128xf32, #tpu.memory_space<hbm>>
        tpu.wait_indirect_dma semaphore(%arg27 : memref<!tpu.dma_semaphore, #tpu.memory_space<semaphore_mem>>) src(%dma_wait3A_227 : memref<10000x128xf32, #tpu.memory_space<hbm>>) dst(%dma_wait3A_222 : memref<64x128xf32, #tpu.memory_space<vmem>>)
        %dma_start3A_228 = arith.constant 0 : i32
        %dma_start3A_229 = arith.constant 0 : i32
        %dma_start3A_230 = tpu.memref_slice %arg22[%dma_start3A_228, %dma_start3A_229] : memref<10240x128xf32, #tpu.memory_space<vmem_shared>> -> memref<10240x128xf32, #tpu.memory_space<vmem_shared>>
        tpu.enqueue_indirect_dma source(%arg19 : memref<128x128xf32, #tpu.memory_space<vmem>>) target(%dma_start3A_230 : memref<10240x128xf32, #tpu.memory_space<vmem_shared>>) offsets(%arg15 : memref<128xi32, #tpu.memory_space<vmem>>) semaphore(%arg29 : memref<!tpu.dma_semaphore, #tpu.memory_space<semaphore_mem>>) {add = true}
        %add3A_231 = arith.constant 2 : i32
        %add3A_232 = arith.addi %mul3A_129, %add3A_231 : i32
        %dma_wait3A_233 = arith.constant 0 : i32
        %dma_wait3A_234 = arith.constant 0 : i32
        %dma_wait3A_235 = tpu.memref_slice %arg22[%dma_wait3A_233, %dma_wait3A_234] : memref<10240x128xf32, #tpu.memory_space<vmem_shared>> -> memref<10240x128xf32, #tpu.memory_space<vmem_shared>>
        tpu.wait_indirect_dma semaphore(%arg29 : memref<!tpu.dma_semaphore, #tpu.memory_space<semaphore_mem>>) src(%arg19 : memref<128x128xf32, #tpu.memory_space<vmem>>) dst(%dma_wait3A_235 : memref<10240x128xf32, #tpu.memory_space<vmem_shared>>)
        %mul3A_236 = arith.constant 128 : i32
        %mul3A_237 = arith.muli %add3A_232, %mul3A_236 : i32
        %add3A_238 = arith.addi %mul3A_2, %mul3A_237 : i32
        %dma_wait3A_239 = tpu.memref_slice %arg5[%add3A_238] : memref<163840xi32, #tpu.memory_space<hbm>> -> memref<128xi32, #tpu.memory_space<hbm>>
        %dma_wait3A_240 = tpu.memref_slice %arg5[%add3A_238] : memref<163840xi32, #tpu.memory_space<hbm>> -> memref<128xi32, #tpu.memory_space<hbm>>
        tpu.wait_dma2 semaphore(%arg25 : memref<!tpu.dma_semaphore, #tpu.memory_space<semaphore_mem>>) src(%dma_wait3A_240 : memref<128xi32, #tpu.memory_space<hbm>>) dst(%arg13 : memref<128xi32, #tpu.memory_space<vmem>>)
        %dma_wait3A_241 = tpu.memref_slice %arg6[%add3A_238] : memref<163840xi32, #tpu.memory_space<hbm>> -> memref<128xi32, #tpu.memory_space<hbm>>
        %dma_wait3A_242 = tpu.memref_slice %arg6[%add3A_238] : memref<163840xi32, #tpu.memory_space<hbm>> -> memref<128xi32, #tpu.memory_space<hbm>>
        tpu.wait_dma2 semaphore(%arg25 : memref<!tpu.dma_semaphore, #tpu.memory_space<semaphore_mem>>) src(%dma_wait3A_242 : memref<128xi32, #tpu.memory_space<hbm>>) dst(%arg17 : memref<128xi32, #tpu.memory_space<vmem>>)
        %dma_start3A_243 = arith.constant 0 : i32
        %dma_start3A_244 = arith.constant 0 : i32
        %dma_start3A_245 = tpu.memref_slice %arg19[%dma_start3A_243, %dma_start3A_244] : memref<128x128xf32, #tpu.memory_space<vmem>> -> memref<64x128xf32, #tpu.memory_space<vmem>>
        %dma_start3A_246 = arith.constant 0 : i32
        %dma_start3A_247 = tpu.memref_slice %arg13[%dma_start3A_246] : memref<128xi32, #tpu.memory_space<vmem>> -> memref<64xi32, #tpu.memory_space<vmem>>
        %dma_start3A_248 = arith.constant 0 : i32
        %dma_start3A_249 = arith.constant 0 : i32
        %dma_start3A_250 = tpu.memref_slice %arg2[%dma_start3A_248, %dma_start3A_249] : memref<10000x128xf32, #tpu.memory_space<hbm>> -> memref<10000x128xf32, #tpu.memory_space<hbm>>
        tpu.enqueue_indirect_dma source(%dma_start3A_250 : memref<10000x128xf32, #tpu.memory_space<hbm>>) target(%dma_start3A_245 : memref<64x128xf32, #tpu.memory_space<vmem>>) offsets(%dma_start3A_247 : memref<64xi32, #tpu.memory_space<vmem>>) semaphore(%arg27 : memref<!tpu.dma_semaphore, #tpu.memory_space<semaphore_mem>>)
        %dma_start3A_251 = arith.constant 64 : i32
        %dma_start3A_252 = arith.constant 0 : i32
        %dma_start3A_253 = tpu.memref_slice %arg19[%dma_start3A_251, %dma_start3A_252] : memref<128x128xf32, #tpu.memory_space<vmem>> -> memref<64x128xf32, #tpu.memory_space<vmem>>
        %dma_start3A_254 = arith.constant 64 : i32
        %dma_start3A_255 = tpu.memref_slice %arg13[%dma_start3A_254] : memref<128xi32, #tpu.memory_space<vmem>> -> memref<64xi32, #tpu.memory_space<vmem>>
        %dma_start3A_256 = arith.constant 0 : i32
        %dma_start3A_257 = arith.constant 0 : i32
        %dma_start3A_258 = tpu.memref_slice %arg2[%dma_start3A_256, %dma_start3A_257] : memref<10000x128xf32, #tpu.memory_space<hbm>> -> memref<10000x128xf32, #tpu.memory_space<hbm>>
        tpu.enqueue_indirect_dma source(%dma_start3A_258 : memref<10000x128xf32, #tpu.memory_space<hbm>>) target(%dma_start3A_253 : memref<64x128xf32, #tpu.memory_space<vmem>>) offsets(%dma_start3A_255 : memref<64xi32, #tpu.memory_space<vmem>>) semaphore(%arg27 : memref<!tpu.dma_semaphore, #tpu.memory_space<semaphore_mem>>)
        %lt3A = arith.constant 19 : i32
        %lt3A_259 = arith.cmpi slt, %scan3A_126, %lt3A : i32
        %convert_element_type3A_260 = arith.extui %lt3A_259 : i1 to i32
        %cond3A_261 = arith.constant 0 : i32
        %cond3A_262 = arith.cmpi ne, %convert_element_type3A_260, %cond3A_261 : i32
        scf.if %cond3A_262 {
          %add3A_335 = arith.constant 2 : i32
          %add3A_336 = arith.addi %add3A_232, %add3A_335 : i32
          %mul3A_337 = arith.constant 128 : i32
          %mul3A_338 = arith.muli %add3A_336, %mul3A_337 : i32
          %add3A_339 = arith.addi %mul3A_2, %mul3A_338 : i32
          %dma_start3A_340 = tpu.memref_slice %arg5[%add3A_339] : memref<163840xi32, #tpu.memory_space<hbm>> -> memref<128xi32, #tpu.memory_space<hbm>>
          %dma_start3A_341 = tpu.memref_slice %arg5[%add3A_339] : memref<163840xi32, #tpu.memory_space<hbm>> -> memref<128xi32, #tpu.memory_space<hbm>>
          tpu.enqueue_dma source(%dma_start3A_341 : memref<128xi32, #tpu.memory_space<hbm>>) target(%arg11 : memref<128xi32, #tpu.memory_space<vmem>>) target_semaphore(%arg23 : memref<!tpu.dma_semaphore, #tpu.memory_space<semaphore_mem>>)
          %dma_start3A_342 = tpu.memref_slice %arg6[%add3A_339] : memref<163840xi32, #tpu.memory_space<hbm>> -> memref<128xi32, #tpu.memory_space<hbm>>
          %dma_start3A_343 = tpu.memref_slice %arg6[%add3A_339] : memref<163840xi32, #tpu.memory_space<hbm>> -> memref<128xi32, #tpu.memory_space<hbm>>
          tpu.enqueue_dma source(%dma_start3A_343 : memref<128xi32, #tpu.memory_space<hbm>>) target(%arg15 : memref<128xi32, #tpu.memory_space<vmem>>) target_semaphore(%arg23 : memref<!tpu.dma_semaphore, #tpu.memory_space<semaphore_mem>>)
        } else {
        }
        %dma_wait3A_263 = arith.constant 0 : i32
        %dma_wait3A_264 = arith.constant 0 : i32
        %dma_wait3A_265 = tpu.memref_slice %arg20[%dma_wait3A_263, %dma_wait3A_264] : memref<128x128xf32, #tpu.memory_space<vmem>> -> memref<64x128xf32, #tpu.memory_space<vmem>>
        %dma_wait3A_266 = arith.constant 0 : i32
        %dma_wait3A_267 = tpu.memref_slice %arg12[%dma_wait3A_266] : memref<128xi32, #tpu.memory_space<vmem>> -> memref<64xi32, #tpu.memory_space<vmem>>
        %dma_wait3A_268 = arith.constant 0 : i32
        %dma_wait3A_269 = arith.constant 0 : i32
        %dma_wait3A_270 = tpu.memref_slice %arg2[%dma_wait3A_268, %dma_wait3A_269] : memref<10000x128xf32, #tpu.memory_space<hbm>> -> memref<10000x128xf32, #tpu.memory_space<hbm>>
        tpu.wait_indirect_dma semaphore(%arg28 : memref<!tpu.dma_semaphore, #tpu.memory_space<semaphore_mem>>) src(%dma_wait3A_270 : memref<10000x128xf32, #tpu.memory_space<hbm>>) dst(%dma_wait3A_265 : memref<64x128xf32, #tpu.memory_space<vmem>>)
        %dma_wait3A_271 = arith.constant 64 : i32
        %dma_wait3A_272 = arith.constant 0 : i32
        %dma_wait3A_273 = tpu.memref_slice %arg20[%dma_wait3A_271, %dma_wait3A_272] : memref<128x128xf32, #tpu.memory_space<vmem>> -> memref<64x128xf32, #tpu.memory_space<vmem>>
        %dma_wait3A_274 = arith.constant 64 : i32
        %dma_wait3A_275 = tpu.memref_slice %arg12[%dma_wait3A_274] : memref<128xi32, #tpu.memory_space<vmem>> -> memref<64xi32, #tpu.memory_space<vmem>>
        %dma_wait3A_276 = arith.constant 0 : i32
        %dma_wait3A_277 = arith.constant 0 : i32
        %dma_wait3A_278 = tpu.memref_slice %arg2[%dma_wait3A_276, %dma_wait3A_277] : memref<10000x128xf32, #tpu.memory_space<hbm>> -> memref<10000x128xf32, #tpu.memory_space<hbm>>
        tpu.wait_indirect_dma semaphore(%arg28 : memref<!tpu.dma_semaphore, #tpu.memory_space<semaphore_mem>>) src(%dma_wait3A_278 : memref<10000x128xf32, #tpu.memory_space<hbm>>) dst(%dma_wait3A_273 : memref<64x128xf32, #tpu.memory_space<vmem>>)
        %dma_start3A_279 = arith.constant 0 : i32
        %dma_start3A_280 = arith.constant 0 : i32
        %dma_start3A_281 = tpu.memref_slice %arg22[%dma_start3A_279, %dma_start3A_280] : memref<10240x128xf32, #tpu.memory_space<vmem_shared>> -> memref<10240x128xf32, #tpu.memory_space<vmem_shared>>
        tpu.enqueue_indirect_dma source(%arg20 : memref<128x128xf32, #tpu.memory_space<vmem>>) target(%dma_start3A_281 : memref<10240x128xf32, #tpu.memory_space<vmem_shared>>) offsets(%arg16 : memref<128xi32, #tpu.memory_space<vmem>>) semaphore(%arg30 : memref<!tpu.dma_semaphore, #tpu.memory_space<semaphore_mem>>) {add = true}
        %add3A_282 = arith.constant 3 : i32
        %add3A_283 = arith.addi %mul3A_129, %add3A_282 : i32
        %dma_wait3A_284 = arith.constant 0 : i32
        %dma_wait3A_285 = arith.constant 0 : i32
        %dma_wait3A_286 = tpu.memref_slice %arg22[%dma_wait3A_284, %dma_wait3A_285] : memref<10240x128xf32, #tpu.memory_space<vmem_shared>> -> memref<10240x128xf32, #tpu.memory_space<vmem_shared>>
        tpu.wait_indirect_dma semaphore(%arg30 : memref<!tpu.dma_semaphore, #tpu.memory_space<semaphore_mem>>) src(%arg20 : memref<128x128xf32, #tpu.memory_space<vmem>>) dst(%dma_wait3A_286 : memref<10240x128xf32, #tpu.memory_space<vmem_shared>>)
        %mul3A_287 = arith.constant 128 : i32
        %mul3A_288 = arith.muli %add3A_283, %mul3A_287 : i32
        %add3A_289 = arith.addi %mul3A_2, %mul3A_288 : i32
        %dma_wait3A_290 = tpu.memref_slice %arg5[%add3A_289] : memref<163840xi32, #tpu.memory_space<hbm>> -> memref<128xi32, #tpu.memory_space<hbm>>
        %dma_wait3A_291 = tpu.memref_slice %arg5[%add3A_289] : memref<163840xi32, #tpu.memory_space<hbm>> -> memref<128xi32, #tpu.memory_space<hbm>>
        tpu.wait_dma2 semaphore(%arg26 : memref<!tpu.dma_semaphore, #tpu.memory_space<semaphore_mem>>) src(%dma_wait3A_291 : memref<128xi32, #tpu.memory_space<hbm>>) dst(%arg14 : memref<128xi32, #tpu.memory_space<vmem>>)
        %dma_wait3A_292 = tpu.memref_slice %arg6[%add3A_289] : memref<163840xi32, #tpu.memory_space<hbm>> -> memref<128xi32, #tpu.memory_space<hbm>>
        %dma_wait3A_293 = tpu.memref_slice %arg6[%add3A_289] : memref<163840xi32, #tpu.memory_space<hbm>> -> memref<128xi32, #tpu.memory_space<hbm>>
        tpu.wait_dma2 semaphore(%arg26 : memref<!tpu.dma_semaphore, #tpu.memory_space<semaphore_mem>>) src(%dma_wait3A_293 : memref<128xi32, #tpu.memory_space<hbm>>) dst(%arg18 : memref<128xi32, #tpu.memory_space<vmem>>)
        %dma_start3A_294 = arith.constant 0 : i32
        %dma_start3A_295 = arith.constant 0 : i32
        %dma_start3A_296 = tpu.memref_slice %arg20[%dma_start3A_294, %dma_start3A_295] : memref<128x128xf32, #tpu.memory_space<vmem>> -> memref<64x128xf32, #tpu.memory_space<vmem>>
        %dma_start3A_297 = arith.constant 0 : i32
        %dma_start3A_298 = tpu.memref_slice %arg14[%dma_start3A_297] : memref<128xi32, #tpu.memory_space<vmem>> -> memref<64xi32, #tpu.memory_space<vmem>>
        %dma_start3A_299 = arith.constant 0 : i32
        %dma_start3A_300 = arith.constant 0 : i32
        %dma_start3A_301 = tpu.memref_slice %arg2[%dma_start3A_299, %dma_start3A_300] : memref<10000x128xf32, #tpu.memory_space<hbm>> -> memref<10000x128xf32, #tpu.memory_space<hbm>>
        tpu.enqueue_indirect_dma source(%dma_start3A_301 : memref<10000x128xf32, #tpu.memory_space<hbm>>) target(%dma_start3A_296 : memref<64x128xf32, #tpu.memory_space<vmem>>) offsets(%dma_start3A_298 : memref<64xi32, #tpu.memory_space<vmem>>) semaphore(%arg28 : memref<!tpu.dma_semaphore, #tpu.memory_space<semaphore_mem>>)
        %dma_start3A_302 = arith.constant 64 : i32
        %dma_start3A_303 = arith.constant 0 : i32
        %dma_start3A_304 = tpu.memref_slice %arg20[%dma_start3A_302, %dma_start3A_303] : memref<128x128xf32, #tpu.memory_space<vmem>> -> memref<64x128xf32, #tpu.memory_space<vmem>>
        %dma_start3A_305 = arith.constant 64 : i32
        %dma_start3A_306 = tpu.memref_slice %arg14[%dma_start3A_305] : memref<128xi32, #tpu.memory_space<vmem>> -> memref<64xi32, #tpu.memory_space<vmem>>
        %dma_start3A_307 = arith.constant 0 : i32
        %dma_start3A_308 = arith.constant 0 : i32
        %dma_start3A_309 = tpu.memref_slice %arg2[%dma_start3A_307, %dma_start3A_308] : memref<10000x128xf32, #tpu.memory_space<hbm>> -> memref<10000x128xf32, #tpu.memory_space<hbm>>
        tpu.enqueue_indirect_dma source(%dma_start3A_309 : memref<10000x128xf32, #tpu.memory_space<hbm>>) target(%dma_start3A_304 : memref<64x128xf32, #tpu.memory_space<vmem>>) offsets(%dma_start3A_306 : memref<64xi32, #tpu.memory_space<vmem>>) semaphore(%arg28 : memref<!tpu.dma_semaphore, #tpu.memory_space<semaphore_mem>>)
        %lt3A_310 = arith.constant 19 : i32
        %lt3A_311 = arith.cmpi slt, %scan3A_126, %lt3A_310 : i32
        %convert_element_type3A_312 = arith.extui %lt3A_311 : i1 to i32
        %cond3A_313 = arith.constant 0 : i32
        %cond3A_314 = arith.cmpi ne, %convert_element_type3A_312, %cond3A_313 : i32
        scf.if %cond3A_314 {
          %add3A_335 = arith.constant 2 : i32
          %add3A_336 = arith.addi %add3A_283, %add3A_335 : i32
          %mul3A_337 = arith.constant 128 : i32
          %mul3A_338 = arith.muli %add3A_336, %mul3A_337 : i32
          %add3A_339 = arith.addi %mul3A_2, %mul3A_338 : i32
          %dma_start3A_340 = tpu.memref_slice %arg5[%add3A_339] : memref<163840xi32, #tpu.memory_space<hbm>> -> memref<128xi32, #tpu.memory_space<hbm>>
          %dma_start3A_341 = tpu.memref_slice %arg5[%add3A_339] : memref<163840xi32, #tpu.memory_space<hbm>> -> memref<128xi32, #tpu.memory_space<hbm>>
          tpu.enqueue_dma source(%dma_start3A_341 : memref<128xi32, #tpu.memory_space<hbm>>) target(%arg12 : memref<128xi32, #tpu.memory_space<vmem>>) target_semaphore(%arg24 : memref<!tpu.dma_semaphore, #tpu.memory_space<semaphore_mem>>)
          %dma_start3A_342 = tpu.memref_slice %arg6[%add3A_339] : memref<163840xi32, #tpu.memory_space<hbm>> -> memref<128xi32, #tpu.memory_space<hbm>>
          %dma_start3A_343 = tpu.memref_slice %arg6[%add3A_339] : memref<163840xi32, #tpu.memory_space<hbm>> -> memref<128xi32, #tpu.memory_space<hbm>>
          tpu.enqueue_dma source(%dma_start3A_343 : memref<128xi32, #tpu.memory_space<hbm>>) target(%arg16 : memref<128xi32, #tpu.memory_space<vmem>>) target_semaphore(%arg24 : memref<!tpu.dma_semaphore, #tpu.memory_space<semaphore_mem>>)
        } else {
        }
        %dma_wait3A_315 = arith.constant 0 : i32
        %dma_wait3A_316 = arith.constant 0 : i32
        %dma_wait3A_317 = tpu.memref_slice %arg19[%dma_wait3A_315, %dma_wait3A_316] : memref<128x128xf32, #tpu.memory_space<vmem>> -> memref<64x128xf32, #tpu.memory_space<vmem>>
        %dma_wait3A_318 = arith.constant 0 : i32
        %dma_wait3A_319 = tpu.memref_slice %arg13[%dma_wait3A_318] : memref<128xi32, #tpu.memory_space<vmem>> -> memref<64xi32, #tpu.memory_space<vmem>>
        %dma_wait3A_320 = arith.constant 0 : i32
        %dma_wait3A_321 = arith.constant 0 : i32
        %dma_wait3A_322 = tpu.memref_slice %arg2[%dma_wait3A_320, %dma_wait3A_321] : memref<10000x128xf32, #tpu.memory_space<hbm>> -> memref<10000x128xf32, #tpu.memory_space<hbm>>
        tpu.wait_indirect_dma semaphore(%arg27 : memref<!tpu.dma_semaphore, #tpu.memory_space<semaphore_mem>>) src(%dma_wait3A_322 : memref<10000x128xf32, #tpu.memory_space<hbm>>) dst(%dma_wait3A_317 : memref<64x128xf32, #tpu.memory_space<vmem>>)
        %dma_wait3A_323 = arith.constant 64 : i32
        %dma_wait3A_324 = arith.constant 0 : i32
        %dma_wait3A_325 = tpu.memref_slice %arg19[%dma_wait3A_323, %dma_wait3A_324] : memref<128x128xf32, #tpu.memory_space<vmem>> -> memref<64x128xf32, #tpu.memory_space<vmem>>
        %dma_wait3A_326 = arith.constant 64 : i32
        %dma_wait3A_327 = tpu.memref_slice %arg13[%dma_wait3A_326] : memref<128xi32, #tpu.memory_space<vmem>> -> memref<64xi32, #tpu.memory_space<vmem>>
        %dma_wait3A_328 = arith.constant 0 : i32
        %dma_wait3A_329 = arith.constant 0 : i32
        %dma_wait3A_330 = tpu.memref_slice %arg2[%dma_wait3A_328, %dma_wait3A_329] : memref<10000x128xf32, #tpu.memory_space<hbm>> -> memref<10000x128xf32, #tpu.memory_space<hbm>>
        tpu.wait_indirect_dma semaphore(%arg27 : memref<!tpu.dma_semaphore, #tpu.memory_space<semaphore_mem>>) src(%dma_wait3A_330 : memref<10000x128xf32, #tpu.memory_space<hbm>>) dst(%dma_wait3A_325 : memref<64x128xf32, #tpu.memory_space<vmem>>)
        %dma_start3A_331 = arith.constant 0 : i32
        %dma_start3A_332 = arith.constant 0 : i32
        %dma_start3A_333 = tpu.memref_slice %arg22[%dma_start3A_331, %dma_start3A_332] : memref<10240x128xf32, #tpu.memory_space<vmem_shared>> -> memref<10240x128xf32, #tpu.memory_space<vmem_shared>>
        tpu.enqueue_indirect_dma source(%arg19 : memref<128x128xf32, #tpu.memory_space<vmem>>) target(%dma_start3A_333 : memref<10240x128xf32, #tpu.memory_space<vmem_shared>>) offsets(%arg17 : memref<128xi32, #tpu.memory_space<vmem>>) semaphore(%arg29 : memref<!tpu.dma_semaphore, #tpu.memory_space<semaphore_mem>>) {add = true}
        %scan3A_334 = arith.constant 0 : i32
        scf.yield %scan3A_334 : i32
      }
      %scan3A_101 = arith.constant 20 : i32
      %dma_wait3A = arith.constant 0 : i32
      %dma_wait3A_102 = arith.constant 0 : i32
      %dma_wait3A_103 = tpu.memref_slice %arg20[%dma_wait3A, %dma_wait3A_102] : memref<128x128xf32, #tpu.memory_space<vmem>> -> memref<64x128xf32, #tpu.memory_space<vmem>>
      %dma_wait3A_104 = arith.constant 0 : i32
      %dma_wait3A_105 = tpu.memref_slice %arg14[%dma_wait3A_104] : memref<128xi32, #tpu.memory_space<vmem>> -> memref<64xi32, #tpu.memory_space<vmem>>
      %dma_wait3A_106 = arith.constant 0 : i32
      %dma_wait3A_107 = arith.constant 0 : i32
      %dma_wait3A_108 = tpu.memref_slice %arg2[%dma_wait3A_106, %dma_wait3A_107] : memref<10000x128xf32, #tpu.memory_space<hbm>> -> memref<10000x128xf32, #tpu.memory_space<hbm>>
      tpu.wait_indirect_dma semaphore(%arg28 : memref<!tpu.dma_semaphore, #tpu.memory_space<semaphore_mem>>) src(%dma_wait3A_108 : memref<10000x128xf32, #tpu.memory_space<hbm>>) dst(%dma_wait3A_103 : memref<64x128xf32, #tpu.memory_space<vmem>>)
      %dma_wait3A_109 = arith.constant 64 : i32
      %dma_wait3A_110 = arith.constant 0 : i32
      %dma_wait3A_111 = tpu.memref_slice %arg20[%dma_wait3A_109, %dma_wait3A_110] : memref<128x128xf32, #tpu.memory_space<vmem>> -> memref<64x128xf32, #tpu.memory_space<vmem>>
      %dma_wait3A_112 = arith.constant 64 : i32
      %dma_wait3A_113 = tpu.memref_slice %arg14[%dma_wait3A_112] : memref<128xi32, #tpu.memory_space<vmem>> -> memref<64xi32, #tpu.memory_space<vmem>>
      %dma_wait3A_114 = arith.constant 0 : i32
      %dma_wait3A_115 = arith.constant 0 : i32
      %dma_wait3A_116 = tpu.memref_slice %arg2[%dma_wait3A_114, %dma_wait3A_115] : memref<10000x128xf32, #tpu.memory_space<hbm>> -> memref<10000x128xf32, #tpu.memory_space<hbm>>
      tpu.wait_indirect_dma semaphore(%arg28 : memref<!tpu.dma_semaphore, #tpu.memory_space<semaphore_mem>>) src(%dma_wait3A_116 : memref<10000x128xf32, #tpu.memory_space<hbm>>) dst(%dma_wait3A_111 : memref<64x128xf32, #tpu.memory_space<vmem>>)
      %dma_start3A_117 = arith.constant 0 : i32
      %dma_start3A_118 = arith.constant 0 : i32
      %dma_start3A_119 = tpu.memref_slice %arg22[%dma_start3A_117, %dma_start3A_118] : memref<10240x128xf32, #tpu.memory_space<vmem_shared>> -> memref<10240x128xf32, #tpu.memory_space<vmem_shared>>
      tpu.enqueue_indirect_dma source(%arg20 : memref<128x128xf32, #tpu.memory_space<vmem>>) target(%dma_start3A_119 : memref<10240x128xf32, #tpu.memory_space<vmem_shared>>) offsets(%arg18 : memref<128xi32, #tpu.memory_space<vmem>>) semaphore(%arg30 : memref<!tpu.dma_semaphore, #tpu.memory_space<semaphore_mem>>) {add = true}
      %dma_wait3A_120 = arith.constant 0 : i32
      %dma_wait3A_121 = arith.constant 0 : i32
      %dma_wait3A_122 = tpu.memref_slice %arg22[%dma_wait3A_120, %dma_wait3A_121] : memref<10240x128xf32, #tpu.memory_space<vmem_shared>> -> memref<10240x128xf32, #tpu.memory_space<vmem_shared>>
      tpu.wait_indirect_dma semaphore(%arg29 : memref<!tpu.dma_semaphore, #tpu.memory_space<semaphore_mem>>) src(%arg19 : memref<128x128xf32, #tpu.memory_space<vmem>>) dst(%dma_wait3A_122 : memref<10240x128xf32, #tpu.memory_space<vmem_shared>>)
      %dma_wait3A_123 = arith.constant 0 : i32
      %dma_wait3A_124 = arith.constant 0 : i32
      %dma_wait3A_125 = tpu.memref_slice %arg22[%dma_wait3A_123, %dma_wait3A_124] : memref<10240x128xf32, #tpu.memory_space<vmem_shared>> -> memref<10240x128xf32, #tpu.memory_space<vmem_shared>>
      tpu.wait_indirect_dma semaphore(%arg30 : memref<!tpu.dma_semaphore, #tpu.memory_space<semaphore_mem>>) src(%arg20 : memref<128x128xf32, #tpu.memory_space<vmem>>) dst(%dma_wait3A_125 : memref<10240x128xf32, #tpu.memory_space<vmem_shared>>)
    } else {
    }
    %barrier3A_30 = arith.constant 0 : index
    tpu.barrier barrier_id(%barrier3A_30)
    %eq3A_31 = arith.constant 0 : i32
    %eq3A_32 = arith.cmpi eq, %arg0, %eq3A_31 : i32
    %convert_element_type3A_33 = arith.extui %eq3A_32 : i1 to i32
    %cond3A_34 = arith.constant 0 : i32
    %cond3A_35 = arith.cmpi ne, %convert_element_type3A_33, %cond3A_34 : i32
    scf.if %cond3A_35 {
      %add3A = arith.constant 0 : i32
      %add3A_85 = arith.addi %mul3A_0, %add3A : i32
      "tpu.region"() ({
        %run_scoped3A = tpu.sem_alloc : memref<!tpu.dma_semaphore, #tpu.memory_space<semaphore_mem>>
        %dma_start3A_142 = arith.constant 0 : i32
        %dma_start3A_143 = tpu.memref_slice %arg22[%add3A_85, %dma_start3A_142] : memref<10240x128xf32, #tpu.memory_space<vmem_shared>> -> memref<128x128xf32, #tpu.memory_space<vmem_shared>>
        %dma_start3A_144 = arith.constant 0 : i32
        %dma_start3A_145 = tpu.memref_slice %arg22[%add3A_85, %dma_start3A_144] : memref<10240x128xf32, #tpu.memory_space<vmem_shared>> -> memref<128x128xf32, #tpu.memory_space<vmem_shared>>
        tpu.enqueue_dma source(%dma_start3A_145 : memref<128x128xf32, #tpu.memory_space<vmem_shared>>) target(%arg19 : memref<128x128xf32, #tpu.memory_space<vmem>>) target_semaphore(%run_scoped3A : memref<!tpu.dma_semaphore, #tpu.memory_space<semaphore_mem>>)
        %dma_wait3A_146 = arith.constant 0 : i32
        %dma_wait3A_147 = tpu.memref_slice %arg22[%add3A_85, %dma_wait3A_146] : memref<10240x128xf32, #tpu.memory_space<vmem_shared>> -> memref<128x128xf32, #tpu.memory_space<vmem_shared>>
        %dma_wait3A_148 = arith.constant 0 : i32
        %dma_wait3A_149 = tpu.memref_slice %arg22[%add3A_85, %dma_wait3A_148] : memref<10240x128xf32, #tpu.memory_space<vmem_shared>> -> memref<128x128xf32, #tpu.memory_space<vmem_shared>>
        tpu.wait_dma2 semaphore(%run_scoped3A : memref<!tpu.dma_semaphore, #tpu.memory_space<semaphore_mem>>) src(%dma_wait3A_149 : memref<128x128xf32, #tpu.memory_space<vmem_shared>>) dst(%arg19 : memref<128x128xf32, #tpu.memory_space<vmem>>)
        tpu.yield
      }) : () -> ()
      %dma_start3A = arith.constant 0 : i32
      %dma_start3A_86 = tpu.memref_slice %arg7[%add3A_85, %dma_start3A] : memref<10240x128xf32, #tpu.memory_space<hbm>> -> memref<128x128xf32, #tpu.memory_space<hbm>>
      %dma_start3A_87 = arith.constant 0 : i32
      %dma_start3A_88 = tpu.memref_slice %arg7[%add3A_85, %dma_start3A_87] : memref<10240x128xf32, #tpu.memory_space<hbm>> -> memref<128x128xf32, #tpu.memory_space<hbm>>
      tpu.enqueue_dma source(%arg19 : memref<128x128xf32, #tpu.memory_space<vmem>>) target(%dma_start3A_88 : memref<128x128xf32, #tpu.memory_space<hbm>>) target_semaphore(%arg27 : memref<!tpu.dma_semaphore, #tpu.memory_space<semaphore_mem>>)
      %add3A_89 = arith.constant 128 : i32
      %add3A_90 = arith.addi %mul3A_0, %add3A_89 : i32
      "tpu.region"() ({
        %run_scoped3A = tpu.sem_alloc : memref<!tpu.dma_semaphore, #tpu.memory_space<semaphore_mem>>
        %dma_start3A_142 = arith.constant 0 : i32
        %dma_start3A_143 = tpu.memref_slice %arg22[%add3A_90, %dma_start3A_142] : memref<10240x128xf32, #tpu.memory_space<vmem_shared>> -> memref<128x128xf32, #tpu.memory_space<vmem_shared>>
        %dma_start3A_144 = arith.constant 0 : i32
        %dma_start3A_145 = tpu.memref_slice %arg22[%add3A_90, %dma_start3A_144] : memref<10240x128xf32, #tpu.memory_space<vmem_shared>> -> memref<128x128xf32, #tpu.memory_space<vmem_shared>>
        tpu.enqueue_dma source(%dma_start3A_145 : memref<128x128xf32, #tpu.memory_space<vmem_shared>>) target(%arg20 : memref<128x128xf32, #tpu.memory_space<vmem>>) target_semaphore(%run_scoped3A : memref<!tpu.dma_semaphore, #tpu.memory_space<semaphore_mem>>)
        %dma_wait3A_146 = arith.constant 0 : i32
        %dma_wait3A_147 = tpu.memref_slice %arg22[%add3A_90, %dma_wait3A_146] : memref<10240x128xf32, #tpu.memory_space<vmem_shared>> -> memref<128x128xf32, #tpu.memory_space<vmem_shared>>
        %dma_wait3A_148 = arith.constant 0 : i32
        %dma_wait3A_149 = tpu.memref_slice %arg22[%add3A_90, %dma_wait3A_148] : memref<10240x128xf32, #tpu.memory_space<vmem_shared>> -> memref<128x128xf32, #tpu.memory_space<vmem_shared>>
        tpu.wait_dma2 semaphore(%run_scoped3A : memref<!tpu.dma_semaphore, #tpu.memory_space<semaphore_mem>>) src(%dma_wait3A_149 : memref<128x128xf32, #tpu.memory_space<vmem_shared>>) dst(%arg20 : memref<128x128xf32, #tpu.memory_space<vmem>>)
        tpu.yield
      }) : () -> ()
      %dma_start3A_91 = arith.constant 0 : i32
      %dma_start3A_92 = tpu.memref_slice %arg7[%add3A_90, %dma_start3A_91] : memref<10240x128xf32, #tpu.memory_space<hbm>> -> memref<128x128xf32, #tpu.memory_space<hbm>>
      %dma_start3A_93 = arith.constant 0 : i32
      %dma_start3A_94 = tpu.memref_slice %arg7[%add3A_90, %dma_start3A_93] : memref<10240x128xf32, #tpu.memory_space<hbm>> -> memref<128x128xf32, #tpu.memory_space<hbm>>
      tpu.enqueue_dma source(%arg20 : memref<128x128xf32, #tpu.memory_space<vmem>>) target(%dma_start3A_94 : memref<128x128xf32, #tpu.memory_space<hbm>>) target_semaphore(%arg28 : memref<!tpu.dma_semaphore, #tpu.memory_space<semaphore_mem>>)
      %add3A_95 = arith.constant 256 : i32
      %add3A_96 = arith.addi %mul3A_0, %add3A_95 : i32
      %add3A_97 = arith.constant 0 : i32
      %add3A_98 = arith.addi %mul3A_0, %add3A_97 : i32
      %dma_wait3A = arith.constant 0 : i32
      %dma_wait3A_99 = tpu.memref_slice %arg7[%add3A_98, %dma_wait3A] : memref<10240x128xf32, #tpu.memory_space<hbm>> -> memref<128x128xf32, #tpu.memory_space<hbm>>
      %dma_wait3A_100 = arith.constant 0 : i32
      %dma_wait3A_101 = tpu.memref_slice %arg7[%add3A_98, %dma_wait3A_100] : memref<10240x128xf32, #tpu.memory_space<hbm>> -> memref<128x128xf32, #tpu.memory_space<hbm>>
      tpu.wait_dma2 semaphore(%arg27 : memref<!tpu.dma_semaphore, #tpu.memory_space<semaphore_mem>>) src(%arg19 : memref<128x128xf32, #tpu.memory_space<vmem>>) dst(%dma_wait3A_101 : memref<128x128xf32, #tpu.memory_space<hbm>>)
      "tpu.region"() ({
        %run_scoped3A = tpu.sem_alloc : memref<!tpu.dma_semaphore, #tpu.memory_space<semaphore_mem>>
        %dma_start3A_142 = arith.constant 0 : i32
        %dma_start3A_143 = tpu.memref_slice %arg22[%add3A_96, %dma_start3A_142] : memref<10240x128xf32, #tpu.memory_space<vmem_shared>> -> memref<128x128xf32, #tpu.memory_space<vmem_shared>>
        %dma_start3A_144 = arith.constant 0 : i32
        %dma_start3A_145 = tpu.memref_slice %arg22[%add3A_96, %dma_start3A_144] : memref<10240x128xf32, #tpu.memory_space<vmem_shared>> -> memref<128x128xf32, #tpu.memory_space<vmem_shared>>
        tpu.enqueue_dma source(%dma_start3A_145 : memref<128x128xf32, #tpu.memory_space<vmem_shared>>) target(%arg19 : memref<128x128xf32, #tpu.memory_space<vmem>>) target_semaphore(%run_scoped3A : memref<!tpu.dma_semaphore, #tpu.memory_space<semaphore_mem>>)
        %dma_wait3A_146 = arith.constant 0 : i32
        %dma_wait3A_147 = tpu.memref_slice %arg22[%add3A_96, %dma_wait3A_146] : memref<10240x128xf32, #tpu.memory_space<vmem_shared>> -> memref<128x128xf32, #tpu.memory_space<vmem_shared>>
        %dma_wait3A_148 = arith.constant 0 : i32
        %dma_wait3A_149 = tpu.memref_slice %arg22[%add3A_96, %dma_wait3A_148] : memref<10240x128xf32, #tpu.memory_space<vmem_shared>> -> memref<128x128xf32, #tpu.memory_space<vmem_shared>>
        tpu.wait_dma2 semaphore(%run_scoped3A : memref<!tpu.dma_semaphore, #tpu.memory_space<semaphore_mem>>) src(%dma_wait3A_149 : memref<128x128xf32, #tpu.memory_space<vmem_shared>>) dst(%arg19 : memref<128x128xf32, #tpu.memory_space<vmem>>)
        tpu.yield
      }) : () -> ()
      %dma_start3A_102 = arith.constant 0 : i32
      %dma_start3A_103 = tpu.memref_slice %arg7[%add3A_96, %dma_start3A_102] : memref<10240x128xf32, #tpu.memory_space<hbm>> -> memref<128x128xf32, #tpu.memory_space<hbm>>
      %dma_start3A_104 = arith.constant 0 : i32
      %dma_start3A_105 = tpu.memref_slice %arg7[%add3A_96, %dma_start3A_104] : memref<10240x128xf32, #tpu.memory_space<hbm>> -> memref<128x128xf32, #tpu.memory_space<hbm>>
      tpu.enqueue_dma source(%arg19 : memref<128x128xf32, #tpu.memory_space<vmem>>) target(%dma_start3A_105 : memref<128x128xf32, #tpu.memory_space<hbm>>) target_semaphore(%arg27 : memref<!tpu.dma_semaphore, #tpu.memory_space<semaphore_mem>>)
      %add3A_106 = arith.constant 384 : i32
      %add3A_107 = arith.addi %mul3A_0, %add3A_106 : i32
      %add3A_108 = arith.constant 128 : i32
      %add3A_109 = arith.addi %mul3A_0, %add3A_108 : i32
      %dma_wait3A_110 = arith.constant 0 : i32
      %dma_wait3A_111 = tpu.memref_slice %arg7[%add3A_109, %dma_wait3A_110] : memref<10240x128xf32, #tpu.memory_space<hbm>> -> memref<128x128xf32, #tpu.memory_space<hbm>>
      %dma_wait3A_112 = arith.constant 0 : i32
      %dma_wait3A_113 = tpu.memref_slice %arg7[%add3A_109, %dma_wait3A_112] : memref<10240x128xf32, #tpu.memory_space<hbm>> -> memref<128x128xf32, #tpu.memory_space<hbm>>
      tpu.wait_dma2 semaphore(%arg28 : memref<!tpu.dma_semaphore, #tpu.memory_space<semaphore_mem>>) src(%arg20 : memref<128x128xf32, #tpu.memory_space<vmem>>) dst(%dma_wait3A_113 : memref<128x128xf32, #tpu.memory_space<hbm>>)
      "tpu.region"() ({
        %run_scoped3A = tpu.sem_alloc : memref<!tpu.dma_semaphore, #tpu.memory_space<semaphore_mem>>
        %dma_start3A_142 = arith.constant 0 : i32
        %dma_start3A_143 = tpu.memref_slice %arg22[%add3A_107, %dma_start3A_142] : memref<10240x128xf32, #tpu.memory_space<vmem_shared>> -> memref<128x128xf32, #tpu.memory_space<vmem_shared>>
        %dma_start3A_144 = arith.constant 0 : i32
        %dma_start3A_145 = tpu.memref_slice %arg22[%add3A_107, %dma_start3A_144] : memref<10240x128xf32, #tpu.memory_space<vmem_shared>> -> memref<128x128xf32, #tpu.memory_space<vmem_shared>>
        tpu.enqueue_dma source(%dma_start3A_145 : memref<128x128xf32, #tpu.memory_space<vmem_shared>>) target(%arg20 : memref<128x128xf32, #tpu.memory_space<vmem>>) target_semaphore(%run_scoped3A : memref<!tpu.dma_semaphore, #tpu.memory_space<semaphore_mem>>)
        %dma_wait3A_146 = arith.constant 0 : i32
        %dma_wait3A_147 = tpu.memref_slice %arg22[%add3A_107, %dma_wait3A_146] : memref<10240x128xf32, #tpu.memory_space<vmem_shared>> -> memref<128x128xf32, #tpu.memory_space<vmem_shared>>
        %dma_wait3A_148 = arith.constant 0 : i32
        %dma_wait3A_149 = tpu.memref_slice %arg22[%add3A_107, %dma_wait3A_148] : memref<10240x128xf32, #tpu.memory_space<vmem_shared>> -> memref<128x128xf32, #tpu.memory_space<vmem_shared>>
        tpu.wait_dma2 semaphore(%run_scoped3A : memref<!tpu.dma_semaphore, #tpu.memory_space<semaphore_mem>>) src(%dma_wait3A_149 : memref<128x128xf32, #tpu.memory_space<vmem_shared>>) dst(%arg20 : memref<128x128xf32, #tpu.memory_space<vmem>>)
        tpu.yield
      }) : () -> ()
      %dma_start3A_114 = arith.constant 0 : i32
      %dma_start3A_115 = tpu.memref_slice %arg7[%add3A_107, %dma_start3A_114] : memref<10240x128xf32, #tpu.memory_space<hbm>> -> memref<128x128xf32, #tpu.memory_space<hbm>>
      %dma_start3A_116 = arith.constant 0 : i32
      %dma_start3A_117 = tpu.memref_slice %arg7[%add3A_107, %dma_start3A_116] : memref<10240x128xf32, #tpu.memory_space<hbm>> -> memref<128x128xf32, #tpu.memory_space<hbm>>
      tpu.enqueue_dma source(%arg20 : memref<128x128xf32, #tpu.memory_space<vmem>>) target(%dma_start3A_117 : memref<128x128xf32, #tpu.memory_space<hbm>>) target_semaphore(%arg28 : memref<!tpu.dma_semaphore, #tpu.memory_space<semaphore_mem>>)
      %add3A_118 = arith.constant 512 : i32
      %add3A_119 = arith.addi %mul3A_0, %add3A_118 : i32
      %add3A_120 = arith.constant 256 : i32
      %add3A_121 = arith.addi %mul3A_0, %add3A_120 : i32
      %dma_wait3A_122 = arith.constant 0 : i32
      %dma_wait3A_123 = tpu.memref_slice %arg7[%add3A_121, %dma_wait3A_122] : memref<10240x128xf32, #tpu.memory_space<hbm>> -> memref<128x128xf32, #tpu.memory_space<hbm>>
      %dma_wait3A_124 = arith.constant 0 : i32
      %dma_wait3A_125 = tpu.memref_slice %arg7[%add3A_121, %dma_wait3A_124] : memref<10240x128xf32, #tpu.memory_space<hbm>> -> memref<128x128xf32, #tpu.memory_space<hbm>>
      tpu.wait_dma2 semaphore(%arg27 : memref<!tpu.dma_semaphore, #tpu.memory_space<semaphore_mem>>) src(%arg19 : memref<128x128xf32, #tpu.memory_space<vmem>>) dst(%dma_wait3A_125 : memref<128x128xf32, #tpu.memory_space<hbm>>)
      "tpu.region"() ({
        %run_scoped3A = tpu.sem_alloc : memref<!tpu.dma_semaphore, #tpu.memory_space<semaphore_mem>>
        %dma_start3A_142 = arith.constant 0 : i32
        %dma_start3A_143 = tpu.memref_slice %arg22[%add3A_119, %dma_start3A_142] : memref<10240x128xf32, #tpu.memory_space<vmem_shared>> -> memref<128x128xf32, #tpu.memory_space<vmem_shared>>
        %dma_start3A_144 = arith.constant 0 : i32
        %dma_start3A_145 = tpu.memref_slice %arg22[%add3A_119, %dma_start3A_144] : memref<10240x128xf32, #tpu.memory_space<vmem_shared>> -> memref<128x128xf32, #tpu.memory_space<vmem_shared>>
        tpu.enqueue_dma source(%dma_start3A_145 : memref<128x128xf32, #tpu.memory_space<vmem_shared>>) target(%arg19 : memref<128x128xf32, #tpu.memory_space<vmem>>) target_semaphore(%run_scoped3A : memref<!tpu.dma_semaphore, #tpu.memory_space<semaphore_mem>>)
        %dma_wait3A_146 = arith.constant 0 : i32
        %dma_wait3A_147 = tpu.memref_slice %arg22[%add3A_119, %dma_wait3A_146] : memref<10240x128xf32, #tpu.memory_space<vmem_shared>> -> memref<128x128xf32, #tpu.memory_space<vmem_shared>>
        %dma_wait3A_148 = arith.constant 0 : i32
        %dma_wait3A_149 = tpu.memref_slice %arg22[%add3A_119, %dma_wait3A_148] : memref<10240x128xf32, #tpu.memory_space<vmem_shared>> -> memref<128x128xf32, #tpu.memory_space<vmem_shared>>
        tpu.wait_dma2 semaphore(%run_scoped3A : memref<!tpu.dma_semaphore, #tpu.memory_space<semaphore_mem>>) src(%dma_wait3A_149 : memref<128x128xf32, #tpu.memory_space<vmem_shared>>) dst(%arg19 : memref<128x128xf32, #tpu.memory_space<vmem>>)
        tpu.yield
      }) : () -> ()
      %dma_start3A_126 = arith.constant 0 : i32
      %dma_start3A_127 = tpu.memref_slice %arg7[%add3A_119, %dma_start3A_126] : memref<10240x128xf32, #tpu.memory_space<hbm>> -> memref<128x128xf32, #tpu.memory_space<hbm>>
      %dma_start3A_128 = arith.constant 0 : i32
      %dma_start3A_129 = tpu.memref_slice %arg7[%add3A_119, %dma_start3A_128] : memref<10240x128xf32, #tpu.memory_space<hbm>> -> memref<128x128xf32, #tpu.memory_space<hbm>>
      tpu.enqueue_dma source(%arg19 : memref<128x128xf32, #tpu.memory_space<vmem>>) target(%dma_start3A_129 : memref<128x128xf32, #tpu.memory_space<hbm>>) target_semaphore(%arg27 : memref<!tpu.dma_semaphore, #tpu.memory_space<semaphore_mem>>)
      %add3A_130 = arith.constant 384 : i32
      %add3A_131 = arith.addi %mul3A_0, %add3A_130 : i32
      %dma_wait3A_132 = arith.constant 0 : i32
      %dma_wait3A_133 = tpu.memref_slice %arg7[%add3A_131, %dma_wait3A_132] : memref<10240x128xf32, #tpu.memory_space<hbm>> -> memref<128x128xf32, #tpu.memory_space<hbm>>
      %dma_wait3A_134 = arith.constant 0 : i32
      %dma_wait3A_135 = tpu.memref_slice %arg7[%add3A_131, %dma_wait3A_134] : memref<10240x128xf32, #tpu.memory_space<hbm>> -> memref<128x128xf32, #tpu.memory_space<hbm>>
      tpu.wait_dma2 semaphore(%arg28 : memref<!tpu.dma_semaphore, #tpu.memory_space<semaphore_mem>>) src(%arg20 : memref<128x128xf32, #tpu.memory_space<vmem>>) dst(%dma_wait3A_135 : memref<128x128xf32, #tpu.memory_space<hbm>>)
      %add3A_136 = arith.constant 512 : i32
      %add3A_137 = arith.addi %mul3A_0, %add3A_136 : i32
      %dma_wait3A_138 = arith.constant 0 : i32
      %dma_wait3A_139 = tpu.memref_slice %arg7[%add3A_137, %dma_wait3A_138] : memref<10240x128xf32, #tpu.memory_space<hbm>> -> memref<128x128xf32, #tpu.memory_space<hbm>>
      %dma_wait3A_140 = arith.constant 0 : i32
      %dma_wait3A_141 = tpu.memref_slice %arg7[%add3A_137, %dma_wait3A_140] : memref<10240x128xf32, #tpu.memory_space<hbm>> -> memref<128x128xf32, #tpu.memory_space<hbm>>
      tpu.wait_dma2 semaphore(%arg27 : memref<!tpu.dma_semaphore, #tpu.memory_space<semaphore_mem>>) src(%arg19 : memref<128x128xf32, #tpu.memory_space<vmem>>) dst(%dma_wait3A_141 : memref<128x128xf32, #tpu.memory_space<hbm>>)
    } else {
    }
    %eq3A_36 = arith.constant 1 : i32
    %eq3A_37 = arith.cmpi eq, %arg0, %eq3A_36 : i32
    %convert_element_type3A_38 = arith.extui %eq3A_37 : i1 to i32
    %cond3A_39 = arith.constant 0 : i32
    %cond3A_40 = arith.cmpi ne, %convert_element_type3A_38, %cond3A_39 : i32
    scf.if %cond3A_40 {
      %add3A = arith.constant 0 : i32
      %add3A_85 = arith.addi %mul3A_0, %add3A : i32
      "tpu.region"() ({
        %run_scoped3A = tpu.sem_alloc : memref<!tpu.dma_semaphore, #tpu.memory_space<semaphore_mem>>
        %dma_start3A_142 = arith.constant 0 : i32
        %dma_start3A_143 = tpu.memref_slice %arg22[%add3A_85, %dma_start3A_142] : memref<10240x128xf32, #tpu.memory_space<vmem_shared>> -> memref<128x128xf32, #tpu.memory_space<vmem_shared>>
        %dma_start3A_144 = arith.constant 0 : i32
        %dma_start3A_145 = tpu.memref_slice %arg22[%add3A_85, %dma_start3A_144] : memref<10240x128xf32, #tpu.memory_space<vmem_shared>> -> memref<128x128xf32, #tpu.memory_space<vmem_shared>>
        tpu.enqueue_dma source(%dma_start3A_145 : memref<128x128xf32, #tpu.memory_space<vmem_shared>>) target(%arg19 : memref<128x128xf32, #tpu.memory_space<vmem>>) target_semaphore(%run_scoped3A : memref<!tpu.dma_semaphore, #tpu.memory_space<semaphore_mem>>)
        %dma_wait3A_146 = arith.constant 0 : i32
        %dma_wait3A_147 = tpu.memref_slice %arg22[%add3A_85, %dma_wait3A_146] : memref<10240x128xf32, #tpu.memory_space<vmem_shared>> -> memref<128x128xf32, #tpu.memory_space<vmem_shared>>
        %dma_wait3A_148 = arith.constant 0 : i32
        %dma_wait3A_149 = tpu.memref_slice %arg22[%add3A_85, %dma_wait3A_148] : memref<10240x128xf32, #tpu.memory_space<vmem_shared>> -> memref<128x128xf32, #tpu.memory_space<vmem_shared>>
        tpu.wait_dma2 semaphore(%run_scoped3A : memref<!tpu.dma_semaphore, #tpu.memory_space<semaphore_mem>>) src(%dma_wait3A_149 : memref<128x128xf32, #tpu.memory_space<vmem_shared>>) dst(%arg19 : memref<128x128xf32, #tpu.memory_space<vmem>>)
        tpu.yield
      }) : () -> ()
      %dma_start3A = arith.constant 0 : i32
      %dma_start3A_86 = tpu.memref_slice %arg9[%add3A_85, %dma_start3A] : memref<10240x128xf32, #tpu.memory_space<hbm>> -> memref<128x128xf32, #tpu.memory_space<hbm>>
      %dma_start3A_87 = arith.constant 0 : i32
      %dma_start3A_88 = tpu.memref_slice %arg9[%add3A_85, %dma_start3A_87] : memref<10240x128xf32, #tpu.memory_space<hbm>> -> memref<128x128xf32, #tpu.memory_space<hbm>>
      tpu.enqueue_dma source(%arg19 : memref<128x128xf32, #tpu.memory_space<vmem>>) target(%dma_start3A_88 : memref<128x128xf32, #tpu.memory_space<hbm>>) target_semaphore(%arg27 : memref<!tpu.dma_semaphore, #tpu.memory_space<semaphore_mem>>)
      %add3A_89 = arith.constant 128 : i32
      %add3A_90 = arith.addi %mul3A_0, %add3A_89 : i32
      "tpu.region"() ({
        %run_scoped3A = tpu.sem_alloc : memref<!tpu.dma_semaphore, #tpu.memory_space<semaphore_mem>>
        %dma_start3A_142 = arith.constant 0 : i32
        %dma_start3A_143 = tpu.memref_slice %arg22[%add3A_90, %dma_start3A_142] : memref<10240x128xf32, #tpu.memory_space<vmem_shared>> -> memref<128x128xf32, #tpu.memory_space<vmem_shared>>
        %dma_start3A_144 = arith.constant 0 : i32
        %dma_start3A_145 = tpu.memref_slice %arg22[%add3A_90, %dma_start3A_144] : memref<10240x128xf32, #tpu.memory_space<vmem_shared>> -> memref<128x128xf32, #tpu.memory_space<vmem_shared>>
        tpu.enqueue_dma source(%dma_start3A_145 : memref<128x128xf32, #tpu.memory_space<vmem_shared>>) target(%arg20 : memref<128x128xf32, #tpu.memory_space<vmem>>) target_semaphore(%run_scoped3A : memref<!tpu.dma_semaphore, #tpu.memory_space<semaphore_mem>>)
        %dma_wait3A_146 = arith.constant 0 : i32
        %dma_wait3A_147 = tpu.memref_slice %arg22[%add3A_90, %dma_wait3A_146] : memref<10240x128xf32, #tpu.memory_space<vmem_shared>> -> memref<128x128xf32, #tpu.memory_space<vmem_shared>>
        %dma_wait3A_148 = arith.constant 0 : i32
        %dma_wait3A_149 = tpu.memref_slice %arg22[%add3A_90, %dma_wait3A_148] : memref<10240x128xf32, #tpu.memory_space<vmem_shared>> -> memref<128x128xf32, #tpu.memory_space<vmem_shared>>
        tpu.wait_dma2 semaphore(%run_scoped3A : memref<!tpu.dma_semaphore, #tpu.memory_space<semaphore_mem>>) src(%dma_wait3A_149 : memref<128x128xf32, #tpu.memory_space<vmem_shared>>) dst(%arg20 : memref<128x128xf32, #tpu.memory_space<vmem>>)
        tpu.yield
      }) : () -> ()
      %dma_start3A_91 = arith.constant 0 : i32
      %dma_start3A_92 = tpu.memref_slice %arg9[%add3A_90, %dma_start3A_91] : memref<10240x128xf32, #tpu.memory_space<hbm>> -> memref<128x128xf32, #tpu.memory_space<hbm>>
      %dma_start3A_93 = arith.constant 0 : i32
      %dma_start3A_94 = tpu.memref_slice %arg9[%add3A_90, %dma_start3A_93] : memref<10240x128xf32, #tpu.memory_space<hbm>> -> memref<128x128xf32, #tpu.memory_space<hbm>>
      tpu.enqueue_dma source(%arg20 : memref<128x128xf32, #tpu.memory_space<vmem>>) target(%dma_start3A_94 : memref<128x128xf32, #tpu.memory_space<hbm>>) target_semaphore(%arg28 : memref<!tpu.dma_semaphore, #tpu.memory_space<semaphore_mem>>)
      %add3A_95 = arith.constant 256 : i32
      %add3A_96 = arith.addi %mul3A_0, %add3A_95 : i32
      %add3A_97 = arith.constant 0 : i32
      %add3A_98 = arith.addi %mul3A_0, %add3A_97 : i32
      %dma_wait3A = arith.constant 0 : i32
      %dma_wait3A_99 = tpu.memref_slice %arg9[%add3A_98, %dma_wait3A] : memref<10240x128xf32, #tpu.memory_space<hbm>> -> memref<128x128xf32, #tpu.memory_space<hbm>>
      %dma_wait3A_100 = arith.constant 0 : i32
      %dma_wait3A_101 = tpu.memref_slice %arg9[%add3A_98, %dma_wait3A_100] : memref<10240x128xf32, #tpu.memory_space<hbm>> -> memref<128x128xf32, #tpu.memory_space<hbm>>
      tpu.wait_dma2 semaphore(%arg27 : memref<!tpu.dma_semaphore, #tpu.memory_space<semaphore_mem>>) src(%arg19 : memref<128x128xf32, #tpu.memory_space<vmem>>) dst(%dma_wait3A_101 : memref<128x128xf32, #tpu.memory_space<hbm>>)
      "tpu.region"() ({
        %run_scoped3A = tpu.sem_alloc : memref<!tpu.dma_semaphore, #tpu.memory_space<semaphore_mem>>
        %dma_start3A_142 = arith.constant 0 : i32
        %dma_start3A_143 = tpu.memref_slice %arg22[%add3A_96, %dma_start3A_142] : memref<10240x128xf32, #tpu.memory_space<vmem_shared>> -> memref<128x128xf32, #tpu.memory_space<vmem_shared>>
        %dma_start3A_144 = arith.constant 0 : i32
        %dma_start3A_145 = tpu.memref_slice %arg22[%add3A_96, %dma_start3A_144] : memref<10240x128xf32, #tpu.memory_space<vmem_shared>> -> memref<128x128xf32, #tpu.memory_space<vmem_shared>>
        tpu.enqueue_dma source(%dma_start3A_145 : memref<128x128xf32, #tpu.memory_space<vmem_shared>>) target(%arg19 : memref<128x128xf32, #tpu.memory_space<vmem>>) target_semaphore(%run_scoped3A : memref<!tpu.dma_semaphore, #tpu.memory_space<semaphore_mem>>)
        %dma_wait3A_146 = arith.constant 0 : i32
        %dma_wait3A_147 = tpu.memref_slice %arg22[%add3A_96, %dma_wait3A_146] : memref<10240x128xf32, #tpu.memory_space<vmem_shared>> -> memref<128x128xf32, #tpu.memory_space<vmem_shared>>
        %dma_wait3A_148 = arith.constant 0 : i32
        %dma_wait3A_149 = tpu.memref_slice %arg22[%add3A_96, %dma_wait3A_148] : memref<10240x128xf32, #tpu.memory_space<vmem_shared>> -> memref<128x128xf32, #tpu.memory_space<vmem_shared>>
        tpu.wait_dma2 semaphore(%run_scoped3A : memref<!tpu.dma_semaphore, #tpu.memory_space<semaphore_mem>>) src(%dma_wait3A_149 : memref<128x128xf32, #tpu.memory_space<vmem_shared>>) dst(%arg19 : memref<128x128xf32, #tpu.memory_space<vmem>>)
        tpu.yield
      }) : () -> ()
      %dma_start3A_102 = arith.constant 0 : i32
      %dma_start3A_103 = tpu.memref_slice %arg9[%add3A_96, %dma_start3A_102] : memref<10240x128xf32, #tpu.memory_space<hbm>> -> memref<128x128xf32, #tpu.memory_space<hbm>>
      %dma_start3A_104 = arith.constant 0 : i32
      %dma_start3A_105 = tpu.memref_slice %arg9[%add3A_96, %dma_start3A_104] : memref<10240x128xf32, #tpu.memory_space<hbm>> -> memref<128x128xf32, #tpu.memory_space<hbm>>
      tpu.enqueue_dma source(%arg19 : memref<128x128xf32, #tpu.memory_space<vmem>>) target(%dma_start3A_105 : memref<128x128xf32, #tpu.memory_space<hbm>>) target_semaphore(%arg27 : memref<!tpu.dma_semaphore, #tpu.memory_space<semaphore_mem>>)
      %add3A_106 = arith.constant 384 : i32
      %add3A_107 = arith.addi %mul3A_0, %add3A_106 : i32
      %add3A_108 = arith.constant 128 : i32
      %add3A_109 = arith.addi %mul3A_0, %add3A_108 : i32
      %dma_wait3A_110 = arith.constant 0 : i32
      %dma_wait3A_111 = tpu.memref_slice %arg9[%add3A_109, %dma_wait3A_110] : memref<10240x128xf32, #tpu.memory_space<hbm>> -> memref<128x128xf32, #tpu.memory_space<hbm>>
      %dma_wait3A_112 = arith.constant 0 : i32
      %dma_wait3A_113 = tpu.memref_slice %arg9[%add3A_109, %dma_wait3A_112] : memref<10240x128xf32, #tpu.memory_space<hbm>> -> memref<128x128xf32, #tpu.memory_space<hbm>>
      tpu.wait_dma2 semaphore(%arg28 : memref<!tpu.dma_semaphore, #tpu.memory_space<semaphore_mem>>) src(%arg20 : memref<128x128xf32, #tpu.memory_space<vmem>>) dst(%dma_wait3A_113 : memref<128x128xf32, #tpu.memory_space<hbm>>)
      "tpu.region"() ({
        %run_scoped3A = tpu.sem_alloc : memref<!tpu.dma_semaphore, #tpu.memory_space<semaphore_mem>>
        %dma_start3A_142 = arith.constant 0 : i32
        %dma_start3A_143 = tpu.memref_slice %arg22[%add3A_107, %dma_start3A_142] : memref<10240x128xf32, #tpu.memory_space<vmem_shared>> -> memref<128x128xf32, #tpu.memory_space<vmem_shared>>
        %dma_start3A_144 = arith.constant 0 : i32
        %dma_start3A_145 = tpu.memref_slice %arg22[%add3A_107, %dma_start3A_144] : memref<10240x128xf32, #tpu.memory_space<vmem_shared>> -> memref<128x128xf32, #tpu.memory_space<vmem_shared>>
        tpu.enqueue_dma source(%dma_start3A_145 : memref<128x128xf32, #tpu.memory_space<vmem_shared>>) target(%arg20 : memref<128x128xf32, #tpu.memory_space<vmem>>) target_semaphore(%run_scoped3A : memref<!tpu.dma_semaphore, #tpu.memory_space<semaphore_mem>>)
        %dma_wait3A_146 = arith.constant 0 : i32
        %dma_wait3A_147 = tpu.memref_slice %arg22[%add3A_107, %dma_wait3A_146] : memref<10240x128xf32, #tpu.memory_space<vmem_shared>> -> memref<128x128xf32, #tpu.memory_space<vmem_shared>>
        %dma_wait3A_148 = arith.constant 0 : i32
        %dma_wait3A_149 = tpu.memref_slice %arg22[%add3A_107, %dma_wait3A_148] : memref<10240x128xf32, #tpu.memory_space<vmem_shared>> -> memref<128x128xf32, #tpu.memory_space<vmem_shared>>
        tpu.wait_dma2 semaphore(%run_scoped3A : memref<!tpu.dma_semaphore, #tpu.memory_space<semaphore_mem>>) src(%dma_wait3A_149 : memref<128x128xf32, #tpu.memory_space<vmem_shared>>) dst(%arg20 : memref<128x128xf32, #tpu.memory_space<vmem>>)
        tpu.yield
      }) : () -> ()
      %dma_start3A_114 = arith.constant 0 : i32
      %dma_start3A_115 = tpu.memref_slice %arg9[%add3A_107, %dma_start3A_114] : memref<10240x128xf32, #tpu.memory_space<hbm>> -> memref<128x128xf32, #tpu.memory_space<hbm>>
      %dma_start3A_116 = arith.constant 0 : i32
      %dma_start3A_117 = tpu.memref_slice %arg9[%add3A_107, %dma_start3A_116] : memref<10240x128xf32, #tpu.memory_space<hbm>> -> memref<128x128xf32, #tpu.memory_space<hbm>>
      tpu.enqueue_dma source(%arg20 : memref<128x128xf32, #tpu.memory_space<vmem>>) target(%dma_start3A_117 : memref<128x128xf32, #tpu.memory_space<hbm>>) target_semaphore(%arg28 : memref<!tpu.dma_semaphore, #tpu.memory_space<semaphore_mem>>)
      %add3A_118 = arith.constant 512 : i32
      %add3A_119 = arith.addi %mul3A_0, %add3A_118 : i32
      %add3A_120 = arith.constant 256 : i32
      %add3A_121 = arith.addi %mul3A_0, %add3A_120 : i32
      %dma_wait3A_122 = arith.constant 0 : i32
      %dma_wait3A_123 = tpu.memref_slice %arg9[%add3A_121, %dma_wait3A_122] : memref<10240x128xf32, #tpu.memory_space<hbm>> -> memref<128x128xf32, #tpu.memory_space<hbm>>
      %dma_wait3A_124 = arith.constant 0 : i32
      %dma_wait3A_125 = tpu.memref_slice %arg9[%add3A_121, %dma_wait3A_124] : memref<10240x128xf32, #tpu.memory_space<hbm>> -> memref<128x128xf32, #tpu.memory_space<hbm>>
      tpu.wait_dma2 semaphore(%arg27 : memref<!tpu.dma_semaphore, #tpu.memory_space<semaphore_mem>>) src(%arg19 : memref<128x128xf32, #tpu.memory_space<vmem>>) dst(%dma_wait3A_125 : memref<128x128xf32, #tpu.memory_space<hbm>>)
      "tpu.region"() ({
        %run_scoped3A = tpu.sem_alloc : memref<!tpu.dma_semaphore, #tpu.memory_space<semaphore_mem>>
        %dma_start3A_142 = arith.constant 0 : i32
        %dma_start3A_143 = tpu.memref_slice %arg22[%add3A_119, %dma_start3A_142] : memref<10240x128xf32, #tpu.memory_space<vmem_shared>> -> memref<128x128xf32, #tpu.memory_space<vmem_shared>>
        %dma_start3A_144 = arith.constant 0 : i32
        %dma_start3A_145 = tpu.memref_slice %arg22[%add3A_119, %dma_start3A_144] : memref<10240x128xf32, #tpu.memory_space<vmem_shared>> -> memref<128x128xf32, #tpu.memory_space<vmem_shared>>
        tpu.enqueue_dma source(%dma_start3A_145 : memref<128x128xf32, #tpu.memory_space<vmem_shared>>) target(%arg19 : memref<128x128xf32, #tpu.memory_space<vmem>>) target_semaphore(%run_scoped3A : memref<!tpu.dma_semaphore, #tpu.memory_space<semaphore_mem>>)
        %dma_wait3A_146 = arith.constant 0 : i32
        %dma_wait3A_147 = tpu.memref_slice %arg22[%add3A_119, %dma_wait3A_146] : memref<10240x128xf32, #tpu.memory_space<vmem_shared>> -> memref<128x128xf32, #tpu.memory_space<vmem_shared>>
        %dma_wait3A_148 = arith.constant 0 : i32
        %dma_wait3A_149 = tpu.memref_slice %arg22[%add3A_119, %dma_wait3A_148] : memref<10240x128xf32, #tpu.memory_space<vmem_shared>> -> memref<128x128xf32, #tpu.memory_space<vmem_shared>>
        tpu.wait_dma2 semaphore(%run_scoped3A : memref<!tpu.dma_semaphore, #tpu.memory_space<semaphore_mem>>) src(%dma_wait3A_149 : memref<128x128xf32, #tpu.memory_space<vmem_shared>>) dst(%arg19 : memref<128x128xf32, #tpu.memory_space<vmem>>)
        tpu.yield
      }) : () -> ()
      %dma_start3A_126 = arith.constant 0 : i32
      %dma_start3A_127 = tpu.memref_slice %arg9[%add3A_119, %dma_start3A_126] : memref<10240x128xf32, #tpu.memory_space<hbm>> -> memref<128x128xf32, #tpu.memory_space<hbm>>
      %dma_start3A_128 = arith.constant 0 : i32
      %dma_start3A_129 = tpu.memref_slice %arg9[%add3A_119, %dma_start3A_128] : memref<10240x128xf32, #tpu.memory_space<hbm>> -> memref<128x128xf32, #tpu.memory_space<hbm>>
      tpu.enqueue_dma source(%arg19 : memref<128x128xf32, #tpu.memory_space<vmem>>) target(%dma_start3A_129 : memref<128x128xf32, #tpu.memory_space<hbm>>) target_semaphore(%arg27 : memref<!tpu.dma_semaphore, #tpu.memory_space<semaphore_mem>>)
      %add3A_130 = arith.constant 384 : i32
      %add3A_131 = arith.addi %mul3A_0, %add3A_130 : i32
      %dma_wait3A_132 = arith.constant 0 : i32
      %dma_wait3A_133 = tpu.memref_slice %arg9[%add3A_131, %dma_wait3A_132] : memref<10240x128xf32, #tpu.memory_space<hbm>> -> memref<128x128xf32, #tpu.memory_space<hbm>>
      %dma_wait3A_134 = arith.constant 0 : i32
      %dma_wait3A_135 = tpu.memref_slice %arg9[%add3A_131, %dma_wait3A_134] : memref<10240x128xf32, #tpu.memory_space<hbm>> -> memref<128x128xf32, #tpu.memory_space<hbm>>
      tpu.wait_dma2 semaphore(%arg28 : memref<!tpu.dma_semaphore, #tpu.memory_space<semaphore_mem>>) src(%arg20 : memref<128x128xf32, #tpu.memory_space<vmem>>) dst(%dma_wait3A_135 : memref<128x128xf32, #tpu.memory_space<hbm>>)
      %add3A_136 = arith.constant 512 : i32
      %add3A_137 = arith.addi %mul3A_0, %add3A_136 : i32
      %dma_wait3A_138 = arith.constant 0 : i32
      %dma_wait3A_139 = tpu.memref_slice %arg9[%add3A_137, %dma_wait3A_138] : memref<10240x128xf32, #tpu.memory_space<hbm>> -> memref<128x128xf32, #tpu.memory_space<hbm>>
      %dma_wait3A_140 = arith.constant 0 : i32
      %dma_wait3A_141 = tpu.memref_slice %arg9[%add3A_137, %dma_wait3A_140] : memref<10240x128xf32, #tpu.memory_space<hbm>> -> memref<128x128xf32, #tpu.memory_space<hbm>>
      tpu.wait_dma2 semaphore(%arg27 : memref<!tpu.dma_semaphore, #tpu.memory_space<semaphore_mem>>) src(%arg19 : memref<128x128xf32, #tpu.memory_space<vmem>>) dst(%dma_wait3A_141 : memref<128x128xf32, #tpu.memory_space<hbm>>)
    } else {
    }
    %barrier3A_41 = arith.constant 0 : index
    tpu.barrier barrier_id(%barrier3A_41)
    %scan3A_42 = arith.constant 0 : i32
    %scan3A_43 = arith.constant 0 : i32
    %scan3A_44 = arith.constant 40 : i32
    %scan3A_45 = arith.addi %scan3A_43, %scan3A_44 : i32
    %scan3A_46 = arith.constant 1 : i32
    %scan3A_47 = scf.for %scan3A_85 = %scan3A_43 to %scan3A_45 step %scan3A_46 iter_args(%scan3A_86 = %scan3A_42) -> (i32)  : i32 {
      %mul3A_87 = arith.constant 16 : i32
      %mul3A_88 = arith.muli %scan3A_85, %mul3A_87 : i32
      %add3A = arith.addi %mul3A_0, %mul3A_88 : i32
      %dma_start3A = arith.constant 0 : i32
      %dma_start3A_89 = tpu.memref_slice %arg22[%add3A, %dma_start3A] : memref<10240x128xf32, #tpu.memory_space<vmem_shared>> -> memref<16x128xf32, #tpu.memory_space<vmem_shared>>
      %dma_start3A_90 = arith.constant 0 : i32
      %dma_start3A_91 = tpu.memref_slice %arg22[%add3A, %dma_start3A_90] : memref<10240x128xf32, #tpu.memory_space<vmem_shared>> -> memref<16x128xf32, #tpu.memory_space<vmem_shared>>
      tpu.enqueue_dma source(%arg21 : memref<16x128xf32, #tpu.memory_space<vmem>>) target(%dma_start3A_91 : memref<16x128xf32, #tpu.memory_space<vmem_shared>>) target_semaphore(%arg23 : memref<!tpu.dma_semaphore, #tpu.memory_space<semaphore_mem>>)
      %scan3A_92 = arith.constant 0 : i32
      scf.yield %scan3A_92 : i32
    }
    %scan3A_48 = arith.constant 40 : i32
    %scan3A_49 = arith.constant 0 : i32
    %scan3A_50 = arith.constant 0 : i32
    %scan3A_51 = arith.constant 40 : i32
    %scan3A_52 = arith.addi %scan3A_50, %scan3A_51 : i32
    %scan3A_53 = arith.constant 1 : i32
    %scan3A_54 = scf.for %scan3A_85 = %scan3A_50 to %scan3A_52 step %scan3A_53 iter_args(%scan3A_86 = %scan3A_49) -> (i32)  : i32 {
      %mul3A_87 = arith.constant 16 : i32
      %mul3A_88 = arith.muli %scan3A_85, %mul3A_87 : i32
      %add3A = arith.addi %mul3A_0, %mul3A_88 : i32
      %dma_wait3A = arith.constant 0 : i32
      %dma_wait3A_89 = tpu.memref_slice %arg22[%add3A, %dma_wait3A] : memref<10240x128xf32, #tpu.memory_space<vmem_shared>> -> memref<16x128xf32, #tpu.memory_space<vmem_shared>>
      %dma_wait3A_90 = arith.constant 0 : i32
      %dma_wait3A_91 = tpu.memref_slice %arg22[%add3A, %dma_wait3A_90] : memref<10240x128xf32, #tpu.memory_space<vmem_shared>> -> memref<16x128xf32, #tpu.memory_space<vmem_shared>>
      tpu.wait_dma2 semaphore(%arg23 : memref<!tpu.dma_semaphore, #tpu.memory_space<semaphore_mem>>) src(%arg21 : memref<16x128xf32, #tpu.memory_space<vmem>>) dst(%dma_wait3A_91 : memref<16x128xf32, #tpu.memory_space<vmem_shared>>)
      %scan3A_92 = arith.constant 0 : i32
      scf.yield %scan3A_92 : i32
    }
    %scan3A_55 = arith.constant 40 : i32
    %scan3A_56 = arith.constant 0 : i32
    %scan3A_57 = arith.constant 0 : i32
    %scan3A_58 = arith.constant 128 : i32
    %scan3A_59 = arith.addi %scan3A_57, %scan3A_58 : i32
    %scan3A_60 = arith.constant 1 : i32
    %scan3A_61 = scf.for %scan3A_85 = %scan3A_57 to %scan3A_59 step %scan3A_60 iter_args(%scan3A_86 = %scan3A_56) -> (i32)  : i32 {
      %scan3A_87 = arith.constant 0 : i32
      %scan3A_88 = arith.constant 0 : i32
      %scan3A_89 = arith.constant 8 : i32
      %scan3A_90 = arith.addi %scan3A_88, %scan3A_89 : i32
      %scan3A_91 = arith.constant 1 : i32
      %scan3A_92 = scf.for %scan3A_94 = %scan3A_88 to %scan3A_90 step %scan3A_91 iter_args(%scan3A_95 = %scan3A_87) -> (i32)  : i32 {
        %broadcast_in_dim3A = arith.constant 1.000000e+00 : f32
        %broadcast_in_dim3A_96 = vector.broadcast %broadcast_in_dim3A : f32 to vector<16xf32>
        %mul3A_97 = arith.constant 16 : i32
        %mul3A_98 = arith.muli %scan3A_94, %mul3A_97 : i32
        %swap3A = arith.index_cast %scan3A_85 : i32 to index
        %swap3A_99 = arith.index_cast %mul3A_98 : i32 to index
        %swap3A_100 = tpu.vector_load %arg20[%swap3A, %swap3A_99] {strides = array<i32>} : memref<128x128xf32, #tpu.memory_space<vmem>>, vector<1x16xf32>,
        %swap3A_101 = vector.shape_cast %swap3A_100 : vector<1x16xf32> to vector<16xf32>
        %swap3A_102 = vector.shape_cast %broadcast_in_dim3A_96 : vector<16xf32> to vector<1x16xf32>
        tpu.vector_store %arg20[%swap3A, %swap3A_99], %swap3A_102 {strides = array<i32>} : memref<128x128xf32, #tpu.memory_space<vmem>>, vector<1x16xf32>,
        %scan3A_103 = arith.constant 0 : i32
        scf.yield %scan3A_103 : i32
      }
      %scan3A_93 = arith.constant 8 : i32
      scf.yield %scan3A_92 : i32
    }
    %scan3A_62 = arith.constant 128 : i32
    %barrier3A_63 = arith.constant 0 : index
    tpu.barrier barrier_id(%barrier3A_63)
    %eq3A_64 = arith.constant 0 : i32
    %eq3A_65 = arith.cmpi eq, %arg0, %eq3A_64 : i32
    %convert_element_type3A_66 = arith.extui %eq3A_65 : i1 to i32
    %cond3A_67 = arith.constant 0 : i32
    %cond3A_68 = arith.cmpi ne, %convert_element_type3A_66, %cond3A_67 : i32
    scf.if %cond3A_68 {
      %add3A = arith.constant 0 : i32
      %add3A_85 = arith.addi %mul3A_2, %add3A : i32
      %dma_start3A = tpu.memref_slice %arg4[%add3A_85] : memref<163840xi32, #tpu.memory_space<hbm>> -> memref<128xi32, #tpu.memory_space<hbm>>
      %dma_start3A_86 = tpu.memref_slice %arg4[%add3A_85] : memref<163840xi32, #tpu.memory_space<hbm>> -> memref<128xi32, #tpu.memory_space<hbm>>
      tpu.enqueue_dma source(%dma_start3A_86 : memref<128xi32, #tpu.memory_space<hbm>>) target(%arg15 : memref<128xi32, #tpu.memory_space<vmem>>) target_semaphore(%arg23 : memref<!tpu.dma_semaphore, #tpu.memory_space<semaphore_mem>>)
      %add3A_87 = arith.constant 128 : i32
      %add3A_88 = arith.addi %mul3A_2, %add3A_87 : i32
      %dma_start3A_89 = tpu.memref_slice %arg4[%add3A_88] : memref<163840xi32, #tpu.memory_space<hbm>> -> memref<128xi32, #tpu.memory_space<hbm>>
      %dma_start3A_90 = tpu.memref_slice %arg4[%add3A_88] : memref<163840xi32, #tpu.memory_space<hbm>> -> memref<128xi32, #tpu.memory_space<hbm>>
      tpu.enqueue_dma source(%dma_start3A_90 : memref<128xi32, #tpu.memory_space<hbm>>) target(%arg16 : memref<128xi32, #tpu.memory_space<vmem>>) target_semaphore(%arg24 : memref<!tpu.dma_semaphore, #tpu.memory_space<semaphore_mem>>)
      %scan3A_91 = arith.constant 0 : i32
      %scan3A_92 = arith.constant 0 : i32
      %scan3A_93 = arith.constant 20 : i32
      %scan3A_94 = arith.addi %scan3A_92, %scan3A_93 : i32
      %scan3A_95 = arith.constant 1 : i32
      %scan3A_96 = scf.for %scan3A_103 = %scan3A_92 to %scan3A_94 step %scan3A_95 iter_args(%scan3A_104 = %scan3A_91) -> (i32)  : i32 {
        %mul3A_105 = arith.constant 4 : i32
        %mul3A_106 = arith.muli %mul3A_105, %scan3A_103 : i32
        %add3A_107 = arith.constant 0 : i32
        %add3A_108 = arith.addi %mul3A_106, %add3A_107 : i32
        %gt3A = arith.constant 0 : i32
        %gt3A_109 = arith.cmpi sgt, %scan3A_103, %gt3A : i32
        %convert_element_type3A_110 = arith.extui %gt3A_109 : i1 to i32
        %cond3A_111 = arith.constant 0 : i32
        %cond3A_112 = arith.cmpi ne, %convert_element_type3A_110, %cond3A_111 : i32
        scf.if %cond3A_112 {
          %dma_wait3A_192 = arith.constant 0 : i32
          %dma_wait3A_193 = arith.constant 0 : i32
          %dma_wait3A_194 = tpu.memref_slice %arg22[%dma_wait3A_192, %dma_wait3A_193] : memref<10240x128xf32, #tpu.memory_space<vmem_shared>> -> memref<10240x128xf32, #tpu.memory_space<vmem_shared>>
          tpu.wait_indirect_dma semaphore(%arg29 : memref<!tpu.dma_semaphore, #tpu.memory_space<semaphore_mem>>) src(%arg20 : memref<128x128xf32, #tpu.memory_space<vmem>>) dst(%dma_wait3A_194 : memref<10240x128xf32, #tpu.memory_space<vmem_shared>>)
        } else {
        }
        %mul3A_113 = arith.constant 128 : i32
        %mul3A_114 = arith.muli %add3A_108, %mul3A_113 : i32
        %add3A_115 = arith.addi %mul3A_2, %mul3A_114 : i32
        %dma_wait3A_116 = tpu.memref_slice %arg4[%add3A_115] : memref<163840xi32, #tpu.memory_space<hbm>> -> memref<128xi32, #tpu.memory_space<hbm>>
        %dma_wait3A_117 = tpu.memref_slice %arg4[%add3A_115] : memref<163840xi32, #tpu.memory_space<hbm>> -> memref<128xi32, #tpu.memory_space<hbm>>
        tpu.wait_dma2 semaphore(%arg23 : memref<!tpu.dma_semaphore, #tpu.memory_space<semaphore_mem>>) src(%dma_wait3A_117 : memref<128xi32, #tpu.memory_space<hbm>>) dst(%arg15 : memref<128xi32, #tpu.memory_space<vmem>>)
        %dma_start3A_118 = arith.constant 0 : i32
        %dma_start3A_119 = arith.constant 0 : i32
        %dma_start3A_120 = tpu.memref_slice %arg22[%dma_start3A_118, %dma_start3A_119] : memref<10240x128xf32, #tpu.memory_space<vmem_shared>> -> memref<10240x128xf32, #tpu.memory_space<vmem_shared>>
        tpu.enqueue_indirect_dma source(%arg20 : memref<128x128xf32, #tpu.memory_space<vmem>>) target(%dma_start3A_120 : memref<10240x128xf32, #tpu.memory_space<vmem_shared>>) offsets(%arg15 : memref<128xi32, #tpu.memory_space<vmem>>) semaphore(%arg29 : memref<!tpu.dma_semaphore, #tpu.memory_space<semaphore_mem>>) {add = true}
        %add3A_121 = arith.constant 2 : i32
        %add3A_122 = arith.addi %add3A_108, %add3A_121 : i32
        %mul3A_123 = arith.constant 128 : i32
        %mul3A_124 = arith.muli %add3A_122, %mul3A_123 : i32
        %add3A_125 = arith.addi %mul3A_2, %mul3A_124 : i32
        %dma_start3A_126 = tpu.memref_slice %arg4[%add3A_125] : memref<163840xi32, #tpu.memory_space<hbm>> -> memref<128xi32, #tpu.memory_space<hbm>>
        %dma_start3A_127 = tpu.memref_slice %arg4[%add3A_125] : memref<163840xi32, #tpu.memory_space<hbm>> -> memref<128xi32, #tpu.memory_space<hbm>>
        tpu.enqueue_dma source(%dma_start3A_127 : memref<128xi32, #tpu.memory_space<hbm>>) target(%arg17 : memref<128xi32, #tpu.memory_space<vmem>>) target_semaphore(%arg25 : memref<!tpu.dma_semaphore, #tpu.memory_space<semaphore_mem>>)
        %mul3A_128 = arith.constant 4 : i32
        %mul3A_129 = arith.muli %mul3A_128, %scan3A_103 : i32
        %add3A_130 = arith.constant 1 : i32
        %add3A_131 = arith.addi %mul3A_129, %add3A_130 : i32
        %gt3A_132 = arith.constant 0 : i32
        %gt3A_133 = arith.cmpi sgt, %scan3A_103, %gt3A_132 : i32
        %convert_element_type3A_134 = arith.extui %gt3A_133 : i1 to i32
        %cond3A_135 = arith.constant 0 : i32
        %cond3A_136 = arith.cmpi ne, %convert_element_type3A_134, %cond3A_135 : i32
        scf.if %cond3A_136 {
          %dma_wait3A_192 = arith.constant 0 : i32
          %dma_wait3A_193 = arith.constant 0 : i32
          %dma_wait3A_194 = tpu.memref_slice %arg22[%dma_wait3A_192, %dma_wait3A_193] : memref<10240x128xf32, #tpu.memory_space<vmem_shared>> -> memref<10240x128xf32, #tpu.memory_space<vmem_shared>>
          tpu.wait_indirect_dma semaphore(%arg30 : memref<!tpu.dma_semaphore, #tpu.memory_space<semaphore_mem>>) src(%arg20 : memref<128x128xf32, #tpu.memory_space<vmem>>) dst(%dma_wait3A_194 : memref<10240x128xf32, #tpu.memory_space<vmem_shared>>)
        } else {
        }
        %mul3A_137 = arith.constant 128 : i32
        %mul3A_138 = arith.muli %add3A_131, %mul3A_137 : i32
        %add3A_139 = arith.addi %mul3A_2, %mul3A_138 : i32
        %dma_wait3A_140 = tpu.memref_slice %arg4[%add3A_139] : memref<163840xi32, #tpu.memory_space<hbm>> -> memref<128xi32, #tpu.memory_space<hbm>>
        %dma_wait3A_141 = tpu.memref_slice %arg4[%add3A_139] : memref<163840xi32, #tpu.memory_space<hbm>> -> memref<128xi32, #tpu.memory_space<hbm>>
        tpu.wait_dma2 semaphore(%arg24 : memref<!tpu.dma_semaphore, #tpu.memory_space<semaphore_mem>>) src(%dma_wait3A_141 : memref<128xi32, #tpu.memory_space<hbm>>) dst(%arg16 : memref<128xi32, #tpu.memory_space<vmem>>)
        %dma_start3A_142 = arith.constant 0 : i32
        %dma_start3A_143 = arith.constant 0 : i32
        %dma_start3A_144 = tpu.memref_slice %arg22[%dma_start3A_142, %dma_start3A_143] : memref<10240x128xf32, #tpu.memory_space<vmem_shared>> -> memref<10240x128xf32, #tpu.memory_space<vmem_shared>>
        tpu.enqueue_indirect_dma source(%arg20 : memref<128x128xf32, #tpu.memory_space<vmem>>) target(%dma_start3A_144 : memref<10240x128xf32, #tpu.memory_space<vmem_shared>>) offsets(%arg16 : memref<128xi32, #tpu.memory_space<vmem>>) semaphore(%arg30 : memref<!tpu.dma_semaphore, #tpu.memory_space<semaphore_mem>>) {add = true}
        %add3A_145 = arith.constant 2 : i32
        %add3A_146 = arith.addi %add3A_131, %add3A_145 : i32
        %mul3A_147 = arith.constant 128 : i32
        %mul3A_148 = arith.muli %add3A_146, %mul3A_147 : i32
        %add3A_149 = arith.addi %mul3A_2, %mul3A_148 : i32
        %dma_start3A_150 = tpu.memref_slice %arg4[%add3A_149] : memref<163840xi32, #tpu.memory_space<hbm>> -> memref<128xi32, #tpu.memory_space<hbm>>
        %dma_start3A_151 = tpu.memref_slice %arg4[%add3A_149] : memref<163840xi32, #tpu.memory_space<hbm>> -> memref<128xi32, #tpu.memory_space<hbm>>
        tpu.enqueue_dma source(%dma_start3A_151 : memref<128xi32, #tpu.memory_space<hbm>>) target(%arg18 : memref<128xi32, #tpu.memory_space<vmem>>) target_semaphore(%arg26 : memref<!tpu.dma_semaphore, #tpu.memory_space<semaphore_mem>>)
        %mul3A_152 = arith.constant 4 : i32
        %mul3A_153 = arith.muli %mul3A_152, %scan3A_103 : i32
        %add3A_154 = arith.constant 2 : i32
        %add3A_155 = arith.addi %mul3A_153, %add3A_154 : i32
        %dma_wait3A_156 = arith.constant 0 : i32
        %dma_wait3A_157 = arith.constant 0 : i32
        %dma_wait3A_158 = tpu.memref_slice %arg22[%dma_wait3A_156, %dma_wait3A_157] : memref<10240x128xf32, #tpu.memory_space<vmem_shared>> -> memref<10240x128xf32, #tpu.memory_space<vmem_shared>>
        tpu.wait_indirect_dma semaphore(%arg29 : memref<!tpu.dma_semaphore, #tpu.memory_space<semaphore_mem>>) src(%arg20 : memref<128x128xf32, #tpu.memory_space<vmem>>) dst(%dma_wait3A_158 : memref<10240x128xf32, #tpu.memory_space<vmem_shared>>)
        %mul3A_159 = arith.constant 128 : i32
        %mul3A_160 = arith.muli %add3A_155, %mul3A_159 : i32
        %add3A_161 = arith.addi %mul3A_2, %mul3A_160 : i32
        %dma_wait3A_162 = tpu.memref_slice %arg4[%add3A_161] : memref<163840xi32, #tpu.memory_space<hbm>> -> memref<128xi32, #tpu.memory_space<hbm>>
        %dma_wait3A_163 = tpu.memref_slice %arg4[%add3A_161] : memref<163840xi32, #tpu.memory_space<hbm>> -> memref<128xi32, #tpu.memory_space<hbm>>
        tpu.wait_dma2 semaphore(%arg25 : memref<!tpu.dma_semaphore, #tpu.memory_space<semaphore_mem>>) src(%dma_wait3A_163 : memref<128xi32, #tpu.memory_space<hbm>>) dst(%arg17 : memref<128xi32, #tpu.memory_space<vmem>>)
        %dma_start3A_164 = arith.constant 0 : i32
        %dma_start3A_165 = arith.constant 0 : i32
        %dma_start3A_166 = tpu.memref_slice %arg22[%dma_start3A_164, %dma_start3A_165] : memref<10240x128xf32, #tpu.memory_space<vmem_shared>> -> memref<10240x128xf32, #tpu.memory_space<vmem_shared>>
        tpu.enqueue_indirect_dma source(%arg20 : memref<128x128xf32, #tpu.memory_space<vmem>>) target(%dma_start3A_166 : memref<10240x128xf32, #tpu.memory_space<vmem_shared>>) offsets(%arg17 : memref<128xi32, #tpu.memory_space<vmem>>) semaphore(%arg29 : memref<!tpu.dma_semaphore, #tpu.memory_space<semaphore_mem>>) {add = true}
        %lt3A = arith.constant 19 : i32
        %lt3A_167 = arith.cmpi slt, %scan3A_103, %lt3A : i32
        %convert_element_type3A_168 = arith.extui %lt3A_167 : i1 to i32
        %cond3A_169 = arith.constant 0 : i32
        %cond3A_170 = arith.cmpi ne, %convert_element_type3A_168, %cond3A_169 : i32
        scf.if %cond3A_170 {
          %add3A_192 = arith.constant 2 : i32
          %add3A_193 = arith.addi %add3A_155, %add3A_192 : i32
          %mul3A_194 = arith.constant 128 : i32
          %mul3A_195 = arith.muli %add3A_193, %mul3A_194 : i32
          %add3A_196 = arith.addi %mul3A_2, %mul3A_195 : i32
          %dma_start3A_197 = tpu.memref_slice %arg4[%add3A_196] : memref<163840xi32, #tpu.memory_space<hbm>> -> memref<128xi32, #tpu.memory_space<hbm>>
          %dma_start3A_198 = tpu.memref_slice %arg4[%add3A_196] : memref<163840xi32, #tpu.memory_space<hbm>> -> memref<128xi32, #tpu.memory_space<hbm>>
          tpu.enqueue_dma source(%dma_start3A_198 : memref<128xi32, #tpu.memory_space<hbm>>) target(%arg15 : memref<128xi32, #tpu.memory_space<vmem>>) target_semaphore(%arg23 : memref<!tpu.dma_semaphore, #tpu.memory_space<semaphore_mem>>)
        } else {
        }
        %mul3A_171 = arith.constant 4 : i32
        %mul3A_172 = arith.muli %mul3A_171, %scan3A_103 : i32
        %add3A_173 = arith.constant 3 : i32
        %add3A_174 = arith.addi %mul3A_172, %add3A_173 : i32
        %dma_wait3A_175 = arith.constant 0 : i32
        %dma_wait3A_176 = arith.constant 0 : i32
        %dma_wait3A_177 = tpu.memref_slice %arg22[%dma_wait3A_175, %dma_wait3A_176] : memref<10240x128xf32, #tpu.memory_space<vmem_shared>> -> memref<10240x128xf32, #tpu.memory_space<vmem_shared>>
        tpu.wait_indirect_dma semaphore(%arg30 : memref<!tpu.dma_semaphore, #tpu.memory_space<semaphore_mem>>) src(%arg20 : memref<128x128xf32, #tpu.memory_space<vmem>>) dst(%dma_wait3A_177 : memref<10240x128xf32, #tpu.memory_space<vmem_shared>>)
        %mul3A_178 = arith.constant 128 : i32
        %mul3A_179 = arith.muli %add3A_174, %mul3A_178 : i32
        %add3A_180 = arith.addi %mul3A_2, %mul3A_179 : i32
        %dma_wait3A_181 = tpu.memref_slice %arg4[%add3A_180] : memref<163840xi32, #tpu.memory_space<hbm>> -> memref<128xi32, #tpu.memory_space<hbm>>
        %dma_wait3A_182 = tpu.memref_slice %arg4[%add3A_180] : memref<163840xi32, #tpu.memory_space<hbm>> -> memref<128xi32, #tpu.memory_space<hbm>>
        tpu.wait_dma2 semaphore(%arg26 : memref<!tpu.dma_semaphore, #tpu.memory_space<semaphore_mem>>) src(%dma_wait3A_182 : memref<128xi32, #tpu.memory_space<hbm>>) dst(%arg18 : memref<128xi32, #tpu.memory_space<vmem>>)
        %dma_start3A_183 = arith.constant 0 : i32
        %dma_start3A_184 = arith.constant 0 : i32
        %dma_start3A_185 = tpu.memref_slice %arg22[%dma_start3A_183, %dma_start3A_184] : memref<10240x128xf32, #tpu.memory_space<vmem_shared>> -> memref<10240x128xf32, #tpu.memory_space<vmem_shared>>
        tpu.enqueue_indirect_dma source(%arg20 : memref<128x128xf32, #tpu.memory_space<vmem>>) target(%dma_start3A_185 : memref<10240x128xf32, #tpu.memory_space<vmem_shared>>) offsets(%arg18 : memref<128xi32, #tpu.memory_space<vmem>>) semaphore(%arg30 : memref<!tpu.dma_semaphore, #tpu.memory_space<semaphore_mem>>) {add = true}
        %lt3A_186 = arith.constant 19 : i32
        %lt3A_187 = arith.cmpi slt, %scan3A_103, %lt3A_186 : i32
        %convert_element_type3A_188 = arith.extui %lt3A_187 : i1 to i32
        %cond3A_189 = arith.constant 0 : i32
        %cond3A_190 = arith.cmpi ne, %convert_element_type3A_188, %cond3A_189 : i32
        scf.if %cond3A_190 {
          %add3A_192 = arith.constant 2 : i32
          %add3A_193 = arith.addi %add3A_174, %add3A_192 : i32
          %mul3A_194 = arith.constant 128 : i32
          %mul3A_195 = arith.muli %add3A_193, %mul3A_194 : i32
          %add3A_196 = arith.addi %mul3A_2, %mul3A_195 : i32
          %dma_start3A_197 = tpu.memref_slice %arg4[%add3A_196] : memref<163840xi32, #tpu.memory_space<hbm>> -> memref<128xi32, #tpu.memory_space<hbm>>
          %dma_start3A_198 = tpu.memref_slice %arg4[%add3A_196] : memref<163840xi32, #tpu.memory_space<hbm>> -> memref<128xi32, #tpu.memory_space<hbm>>
          tpu.enqueue_dma source(%dma_start3A_198 : memref<128xi32, #tpu.memory_space<hbm>>) target(%arg16 : memref<128xi32, #tpu.memory_space<vmem>>) target_semaphore(%arg24 : memref<!tpu.dma_semaphore, #tpu.memory_space<semaphore_mem>>)
        } else {
        }
        %scan3A_191 = arith.constant 0 : i32
        scf.yield %scan3A_191 : i32
      }
      %scan3A_97 = arith.constant 20 : i32
      %dma_wait3A = arith.constant 0 : i32
      %dma_wait3A_98 = arith.constant 0 : i32
      %dma_wait3A_99 = tpu.memref_slice %arg22[%dma_wait3A, %dma_wait3A_98] : memref<10240x128xf32, #tpu.memory_space<vmem_shared>> -> memref<10240x128xf32, #tpu.memory_space<vmem_shared>>
      tpu.wait_indirect_dma semaphore(%arg29 : memref<!tpu.dma_semaphore, #tpu.memory_space<semaphore_mem>>) src(%arg20 : memref<128x128xf32, #tpu.memory_space<vmem>>) dst(%dma_wait3A_99 : memref<10240x128xf32, #tpu.memory_space<vmem_shared>>)
      %dma_wait3A_100 = arith.constant 0 : i32
      %dma_wait3A_101 = arith.constant 0 : i32
      %dma_wait3A_102 = tpu.memref_slice %arg22[%dma_wait3A_100, %dma_wait3A_101] : memref<10240x128xf32, #tpu.memory_space<vmem_shared>> -> memref<10240x128xf32, #tpu.memory_space<vmem_shared>>
      tpu.wait_indirect_dma semaphore(%arg30 : memref<!tpu.dma_semaphore, #tpu.memory_space<semaphore_mem>>) src(%arg20 : memref<128x128xf32, #tpu.memory_space<vmem>>) dst(%dma_wait3A_102 : memref<10240x128xf32, #tpu.memory_space<vmem_shared>>)
    } else {
    }
    %eq3A_69 = arith.constant 1 : i32
    %eq3A_70 = arith.cmpi eq, %arg0, %eq3A_69 : i32
    %convert_element_type3A_71 = arith.extui %eq3A_70 : i1 to i32
    %cond3A_72 = arith.constant 0 : i32
    %cond3A_73 = arith.cmpi ne, %convert_element_type3A_71, %cond3A_72 : i32
    scf.if %cond3A_73 {
      %add3A = arith.constant 0 : i32
      %add3A_85 = arith.addi %mul3A_2, %add3A : i32
      %dma_start3A = tpu.memref_slice %arg6[%add3A_85] : memref<163840xi32, #tpu.memory_space<hbm>> -> memref<128xi32, #tpu.memory_space<hbm>>
      %dma_start3A_86 = tpu.memref_slice %arg6[%add3A_85] : memref<163840xi32, #tpu.memory_space<hbm>> -> memref<128xi32, #tpu.memory_space<hbm>>
      tpu.enqueue_dma source(%dma_start3A_86 : memref<128xi32, #tpu.memory_space<hbm>>) target(%arg15 : memref<128xi32, #tpu.memory_space<vmem>>) target_semaphore(%arg23 : memref<!tpu.dma_semaphore, #tpu.memory_space<semaphore_mem>>)
      %add3A_87 = arith.constant 128 : i32
      %add3A_88 = arith.addi %mul3A_2, %add3A_87 : i32
      %dma_start3A_89 = tpu.memref_slice %arg6[%add3A_88] : memref<163840xi32, #tpu.memory_space<hbm>> -> memref<128xi32, #tpu.memory_space<hbm>>
      %dma_start3A_90 = tpu.memref_slice %arg6[%add3A_88] : memref<163840xi32, #tpu.memory_space<hbm>> -> memref<128xi32, #tpu.memory_space<hbm>>
      tpu.enqueue_dma source(%dma_start3A_90 : memref<128xi32, #tpu.memory_space<hbm>>) target(%arg16 : memref<128xi32, #tpu.memory_space<vmem>>) target_semaphore(%arg24 : memref<!tpu.dma_semaphore, #tpu.memory_space<semaphore_mem>>)
      %scan3A_91 = arith.constant 0 : i32
      %scan3A_92 = arith.constant 0 : i32
      %scan3A_93 = arith.constant 20 : i32
      %scan3A_94 = arith.addi %scan3A_92, %scan3A_93 : i32
      %scan3A_95 = arith.constant 1 : i32
      %scan3A_96 = scf.for %scan3A_103 = %scan3A_92 to %scan3A_94 step %scan3A_95 iter_args(%scan3A_104 = %scan3A_91) -> (i32)  : i32 {
        %mul3A_105 = arith.constant 4 : i32
        %mul3A_106 = arith.muli %mul3A_105, %scan3A_103 : i32
        %add3A_107 = arith.constant 0 : i32
        %add3A_108 = arith.addi %mul3A_106, %add3A_107 : i32
        %gt3A = arith.constant 0 : i32
        %gt3A_109 = arith.cmpi sgt, %scan3A_103, %gt3A : i32
        %convert_element_type3A_110 = arith.extui %gt3A_109 : i1 to i32
        %cond3A_111 = arith.constant 0 : i32
        %cond3A_112 = arith.cmpi ne, %convert_element_type3A_110, %cond3A_111 : i32
        scf.if %cond3A_112 {
          %dma_wait3A_192 = arith.constant 0 : i32
          %dma_wait3A_193 = arith.constant 0 : i32
          %dma_wait3A_194 = tpu.memref_slice %arg22[%dma_wait3A_192, %dma_wait3A_193] : memref<10240x128xf32, #tpu.memory_space<vmem_shared>> -> memref<10240x128xf32, #tpu.memory_space<vmem_shared>>
          tpu.wait_indirect_dma semaphore(%arg29 : memref<!tpu.dma_semaphore, #tpu.memory_space<semaphore_mem>>) src(%arg20 : memref<128x128xf32, #tpu.memory_space<vmem>>) dst(%dma_wait3A_194 : memref<10240x128xf32, #tpu.memory_space<vmem_shared>>)
        } else {
        }
        %mul3A_113 = arith.constant 128 : i32
        %mul3A_114 = arith.muli %add3A_108, %mul3A_113 : i32
        %add3A_115 = arith.addi %mul3A_2, %mul3A_114 : i32
        %dma_wait3A_116 = tpu.memref_slice %arg6[%add3A_115] : memref<163840xi32, #tpu.memory_space<hbm>> -> memref<128xi32, #tpu.memory_space<hbm>>
        %dma_wait3A_117 = tpu.memref_slice %arg6[%add3A_115] : memref<163840xi32, #tpu.memory_space<hbm>> -> memref<128xi32, #tpu.memory_space<hbm>>
        tpu.wait_dma2 semaphore(%arg23 : memref<!tpu.dma_semaphore, #tpu.memory_space<semaphore_mem>>) src(%dma_wait3A_117 : memref<128xi32, #tpu.memory_space<hbm>>) dst(%arg15 : memref<128xi32, #tpu.memory_space<vmem>>)
        %dma_start3A_118 = arith.constant 0 : i32
        %dma_start3A_119 = arith.constant 0 : i32
        %dma_start3A_120 = tpu.memref_slice %arg22[%dma_start3A_118, %dma_start3A_119] : memref<10240x128xf32, #tpu.memory_space<vmem_shared>> -> memref<10240x128xf32, #tpu.memory_space<vmem_shared>>
        tpu.enqueue_indirect_dma source(%arg20 : memref<128x128xf32, #tpu.memory_space<vmem>>) target(%dma_start3A_120 : memref<10240x128xf32, #tpu.memory_space<vmem_shared>>) offsets(%arg15 : memref<128xi32, #tpu.memory_space<vmem>>) semaphore(%arg29 : memref<!tpu.dma_semaphore, #tpu.memory_space<semaphore_mem>>) {add = true}
        %add3A_121 = arith.constant 2 : i32
        %add3A_122 = arith.addi %add3A_108, %add3A_121 : i32
        %mul3A_123 = arith.constant 128 : i32
        %mul3A_124 = arith.muli %add3A_122, %mul3A_123 : i32
        %add3A_125 = arith.addi %mul3A_2, %mul3A_124 : i32
        %dma_start3A_126 = tpu.memref_slice %arg6[%add3A_125] : memref<163840xi32, #tpu.memory_space<hbm>> -> memref<128xi32, #tpu.memory_space<hbm>>
        %dma_start3A_127 = tpu.memref_slice %arg6[%add3A_125] : memref<163840xi32, #tpu.memory_space<hbm>> -> memref<128xi32, #tpu.memory_space<hbm>>
        tpu.enqueue_dma source(%dma_start3A_127 : memref<128xi32, #tpu.memory_space<hbm>>) target(%arg17 : memref<128xi32, #tpu.memory_space<vmem>>) target_semaphore(%arg25 : memref<!tpu.dma_semaphore, #tpu.memory_space<semaphore_mem>>)
        %mul3A_128 = arith.constant 4 : i32
        %mul3A_129 = arith.muli %mul3A_128, %scan3A_103 : i32
        %add3A_130 = arith.constant 1 : i32
        %add3A_131 = arith.addi %mul3A_129, %add3A_130 : i32
        %gt3A_132 = arith.constant 0 : i32
        %gt3A_133 = arith.cmpi sgt, %scan3A_103, %gt3A_132 : i32
        %convert_element_type3A_134 = arith.extui %gt3A_133 : i1 to i32
        %cond3A_135 = arith.constant 0 : i32
        %cond3A_136 = arith.cmpi ne, %convert_element_type3A_134, %cond3A_135 : i32
        scf.if %cond3A_136 {
          %dma_wait3A_192 = arith.constant 0 : i32
          %dma_wait3A_193 = arith.constant 0 : i32
          %dma_wait3A_194 = tpu.memref_slice %arg22[%dma_wait3A_192, %dma_wait3A_193] : memref<10240x128xf32, #tpu.memory_space<vmem_shared>> -> memref<10240x128xf32, #tpu.memory_space<vmem_shared>>
          tpu.wait_indirect_dma semaphore(%arg30 : memref<!tpu.dma_semaphore, #tpu.memory_space<semaphore_mem>>) src(%arg20 : memref<128x128xf32, #tpu.memory_space<vmem>>) dst(%dma_wait3A_194 : memref<10240x128xf32, #tpu.memory_space<vmem_shared>>)
        } else {
        }
        %mul3A_137 = arith.constant 128 : i32
        %mul3A_138 = arith.muli %add3A_131, %mul3A_137 : i32
        %add3A_139 = arith.addi %mul3A_2, %mul3A_138 : i32
        %dma_wait3A_140 = tpu.memref_slice %arg6[%add3A_139] : memref<163840xi32, #tpu.memory_space<hbm>> -> memref<128xi32, #tpu.memory_space<hbm>>
        %dma_wait3A_141 = tpu.memref_slice %arg6[%add3A_139] : memref<163840xi32, #tpu.memory_space<hbm>> -> memref<128xi32, #tpu.memory_space<hbm>>
        tpu.wait_dma2 semaphore(%arg24 : memref<!tpu.dma_semaphore, #tpu.memory_space<semaphore_mem>>) src(%dma_wait3A_141 : memref<128xi32, #tpu.memory_space<hbm>>) dst(%arg16 : memref<128xi32, #tpu.memory_space<vmem>>)
        %dma_start3A_142 = arith.constant 0 : i32
        %dma_start3A_143 = arith.constant 0 : i32
        %dma_start3A_144 = tpu.memref_slice %arg22[%dma_start3A_142, %dma_start3A_143] : memref<10240x128xf32, #tpu.memory_space<vmem_shared>> -> memref<10240x128xf32, #tpu.memory_space<vmem_shared>>
        tpu.enqueue_indirect_dma source(%arg20 : memref<128x128xf32, #tpu.memory_space<vmem>>) target(%dma_start3A_144 : memref<10240x128xf32, #tpu.memory_space<vmem_shared>>) offsets(%arg16 : memref<128xi32, #tpu.memory_space<vmem>>) semaphore(%arg30 : memref<!tpu.dma_semaphore, #tpu.memory_space<semaphore_mem>>) {add = true}
        %add3A_145 = arith.constant 2 : i32
        %add3A_146 = arith.addi %add3A_131, %add3A_145 : i32
        %mul3A_147 = arith.constant 128 : i32
        %mul3A_148 = arith.muli %add3A_146, %mul3A_147 : i32
        %add3A_149 = arith.addi %mul3A_2, %mul3A_148 : i32
        %dma_start3A_150 = tpu.memref_slice %arg6[%add3A_149] : memref<163840xi32, #tpu.memory_space<hbm>> -> memref<128xi32, #tpu.memory_space<hbm>>
        %dma_start3A_151 = tpu.memref_slice %arg6[%add3A_149] : memref<163840xi32, #tpu.memory_space<hbm>> -> memref<128xi32, #tpu.memory_space<hbm>>
        tpu.enqueue_dma source(%dma_start3A_151 : memref<128xi32, #tpu.memory_space<hbm>>) target(%arg18 : memref<128xi32, #tpu.memory_space<vmem>>) target_semaphore(%arg26 : memref<!tpu.dma_semaphore, #tpu.memory_space<semaphore_mem>>)
        %mul3A_152 = arith.constant 4 : i32
        %mul3A_153 = arith.muli %mul3A_152, %scan3A_103 : i32
        %add3A_154 = arith.constant 2 : i32
        %add3A_155 = arith.addi %mul3A_153, %add3A_154 : i32
        %dma_wait3A_156 = arith.constant 0 : i32
        %dma_wait3A_157 = arith.constant 0 : i32
        %dma_wait3A_158 = tpu.memref_slice %arg22[%dma_wait3A_156, %dma_wait3A_157] : memref<10240x128xf32, #tpu.memory_space<vmem_shared>> -> memref<10240x128xf32, #tpu.memory_space<vmem_shared>>
        tpu.wait_indirect_dma semaphore(%arg29 : memref<!tpu.dma_semaphore, #tpu.memory_space<semaphore_mem>>) src(%arg20 : memref<128x128xf32, #tpu.memory_space<vmem>>) dst(%dma_wait3A_158 : memref<10240x128xf32, #tpu.memory_space<vmem_shared>>)
        %mul3A_159 = arith.constant 128 : i32
        %mul3A_160 = arith.muli %add3A_155, %mul3A_159 : i32
        %add3A_161 = arith.addi %mul3A_2, %mul3A_160 : i32
        %dma_wait3A_162 = tpu.memref_slice %arg6[%add3A_161] : memref<163840xi32, #tpu.memory_space<hbm>> -> memref<128xi32, #tpu.memory_space<hbm>>
        %dma_wait3A_163 = tpu.memref_slice %arg6[%add3A_161] : memref<163840xi32, #tpu.memory_space<hbm>> -> memref<128xi32, #tpu.memory_space<hbm>>
        tpu.wait_dma2 semaphore(%arg25 : memref<!tpu.dma_semaphore, #tpu.memory_space<semaphore_mem>>) src(%dma_wait3A_163 : memref<128xi32, #tpu.memory_space<hbm>>) dst(%arg17 : memref<128xi32, #tpu.memory_space<vmem>>)
        %dma_start3A_164 = arith.constant 0 : i32
        %dma_start3A_165 = arith.constant 0 : i32
        %dma_start3A_166 = tpu.memref_slice %arg22[%dma_start3A_164, %dma_start3A_165] : memref<10240x128xf32, #tpu.memory_space<vmem_shared>> -> memref<10240x128xf32, #tpu.memory_space<vmem_shared>>
        tpu.enqueue_indirect_dma source(%arg20 : memref<128x128xf32, #tpu.memory_space<vmem>>) target(%dma_start3A_166 : memref<10240x128xf32, #tpu.memory_space<vmem_shared>>) offsets(%arg17 : memref<128xi32, #tpu.memory_space<vmem>>) semaphore(%arg29 : memref<!tpu.dma_semaphore, #tpu.memory_space<semaphore_mem>>) {add = true}
        %lt3A = arith.constant 19 : i32
        %lt3A_167 = arith.cmpi slt, %scan3A_103, %lt3A : i32
        %convert_element_type3A_168 = arith.extui %lt3A_167 : i1 to i32
        %cond3A_169 = arith.constant 0 : i32
        %cond3A_170 = arith.cmpi ne, %convert_element_type3A_168, %cond3A_169 : i32
        scf.if %cond3A_170 {
          %add3A_192 = arith.constant 2 : i32
          %add3A_193 = arith.addi %add3A_155, %add3A_192 : i32
          %mul3A_194 = arith.constant 128 : i32
          %mul3A_195 = arith.muli %add3A_193, %mul3A_194 : i32
          %add3A_196 = arith.addi %mul3A_2, %mul3A_195 : i32
          %dma_start3A_197 = tpu.memref_slice %arg6[%add3A_196] : memref<163840xi32, #tpu.memory_space<hbm>> -> memref<128xi32, #tpu.memory_space<hbm>>
          %dma_start3A_198 = tpu.memref_slice %arg6[%add3A_196] : memref<163840xi32, #tpu.memory_space<hbm>> -> memref<128xi32, #tpu.memory_space<hbm>>
          tpu.enqueue_dma source(%dma_start3A_198 : memref<128xi32, #tpu.memory_space<hbm>>) target(%arg15 : memref<128xi32, #tpu.memory_space<vmem>>) target_semaphore(%arg23 : memref<!tpu.dma_semaphore, #tpu.memory_space<semaphore_mem>>)
        } else {
        }
        %mul3A_171 = arith.constant 4 : i32
        %mul3A_172 = arith.muli %mul3A_171, %scan3A_103 : i32
        %add3A_173 = arith.constant 3 : i32
        %add3A_174 = arith.addi %mul3A_172, %add3A_173 : i32
        %dma_wait3A_175 = arith.constant 0 : i32
        %dma_wait3A_176 = arith.constant 0 : i32
        %dma_wait3A_177 = tpu.memref_slice %arg22[%dma_wait3A_175, %dma_wait3A_176] : memref<10240x128xf32, #tpu.memory_space<vmem_shared>> -> memref<10240x128xf32, #tpu.memory_space<vmem_shared>>
        tpu.wait_indirect_dma semaphore(%arg30 : memref<!tpu.dma_semaphore, #tpu.memory_space<semaphore_mem>>) src(%arg20 : memref<128x128xf32, #tpu.memory_space<vmem>>) dst(%dma_wait3A_177 : memref<10240x128xf32, #tpu.memory_space<vmem_shared>>)
        %mul3A_178 = arith.constant 128 : i32
        %mul3A_179 = arith.muli %add3A_174, %mul3A_178 : i32
        %add3A_180 = arith.addi %mul3A_2, %mul3A_179 : i32
        %dma_wait3A_181 = tpu.memref_slice %arg6[%add3A_180] : memref<163840xi32, #tpu.memory_space<hbm>> -> memref<128xi32, #tpu.memory_space<hbm>>
        %dma_wait3A_182 = tpu.memref_slice %arg6[%add3A_180] : memref<163840xi32, #tpu.memory_space<hbm>> -> memref<128xi32, #tpu.memory_space<hbm>>
        tpu.wait_dma2 semaphore(%arg26 : memref<!tpu.dma_semaphore, #tpu.memory_space<semaphore_mem>>) src(%dma_wait3A_182 : memref<128xi32, #tpu.memory_space<hbm>>) dst(%arg18 : memref<128xi32, #tpu.memory_space<vmem>>)
        %dma_start3A_183 = arith.constant 0 : i32
        %dma_start3A_184 = arith.constant 0 : i32
        %dma_start3A_185 = tpu.memref_slice %arg22[%dma_start3A_183, %dma_start3A_184] : memref<10240x128xf32, #tpu.memory_space<vmem_shared>> -> memref<10240x128xf32, #tpu.memory_space<vmem_shared>>
        tpu.enqueue_indirect_dma source(%arg20 : memref<128x128xf32, #tpu.memory_space<vmem>>) target(%dma_start3A_185 : memref<10240x128xf32, #tpu.memory_space<vmem_shared>>) offsets(%arg18 : memref<128xi32, #tpu.memory_space<vmem>>) semaphore(%arg30 : memref<!tpu.dma_semaphore, #tpu.memory_space<semaphore_mem>>) {add = true}
        %lt3A_186 = arith.constant 19 : i32
        %lt3A_187 = arith.cmpi slt, %scan3A_103, %lt3A_186 : i32
        %convert_element_type3A_188 = arith.extui %lt3A_187 : i1 to i32
        %cond3A_189 = arith.constant 0 : i32
        %cond3A_190 = arith.cmpi ne, %convert_element_type3A_188, %cond3A_189 : i32
        scf.if %cond3A_190 {
          %add3A_192 = arith.constant 2 : i32
          %add3A_193 = arith.addi %add3A_174, %add3A_192 : i32
          %mul3A_194 = arith.constant 128 : i32
          %mul3A_195 = arith.muli %add3A_193, %mul3A_194 : i32
          %add3A_196 = arith.addi %mul3A_2, %mul3A_195 : i32
          %dma_start3A_197 = tpu.memref_slice %arg6[%add3A_196] : memref<163840xi32, #tpu.memory_space<hbm>> -> memref<128xi32, #tpu.memory_space<hbm>>
          %dma_start3A_198 = tpu.memref_slice %arg6[%add3A_196] : memref<163840xi32, #tpu.memory_space<hbm>> -> memref<128xi32, #tpu.memory_space<hbm>>
          tpu.enqueue_dma source(%dma_start3A_198 : memref<128xi32, #tpu.memory_space<hbm>>) target(%arg16 : memref<128xi32, #tpu.memory_space<vmem>>) target_semaphore(%arg24 : memref<!tpu.dma_semaphore, #tpu.memory_space<semaphore_mem>>)
        } else {
        }
        %scan3A_191 = arith.constant 0 : i32
        scf.yield %scan3A_191 : i32
      }
      %scan3A_97 = arith.constant 20 : i32
      %dma_wait3A = arith.constant 0 : i32
      %dma_wait3A_98 = arith.constant 0 : i32
      %dma_wait3A_99 = tpu.memref_slice %arg22[%dma_wait3A, %dma_wait3A_98] : memref<10240x128xf32, #tpu.memory_space<vmem_shared>> -> memref<10240x128xf32, #tpu.memory_space<vmem_shared>>
      tpu.wait_indirect_dma semaphore(%arg29 : memref<!tpu.dma_semaphore, #tpu.memory_space<semaphore_mem>>) src(%arg20 : memref<128x128xf32, #tpu.memory_space<vmem>>) dst(%dma_wait3A_99 : memref<10240x128xf32, #tpu.memory_space<vmem_shared>>)
      %dma_wait3A_100 = arith.constant 0 : i32
      %dma_wait3A_101 = arith.constant 0 : i32
      %dma_wait3A_102 = tpu.memref_slice %arg22[%dma_wait3A_100, %dma_wait3A_101] : memref<10240x128xf32, #tpu.memory_space<vmem_shared>> -> memref<10240x128xf32, #tpu.memory_space<vmem_shared>>
      tpu.wait_indirect_dma semaphore(%arg30 : memref<!tpu.dma_semaphore, #tpu.memory_space<semaphore_mem>>) src(%arg20 : memref<128x128xf32, #tpu.memory_space<vmem>>) dst(%dma_wait3A_102 : memref<10240x128xf32, #tpu.memory_space<vmem_shared>>)
    } else {
    }
    %barrier3A_74 = arith.constant 0 : index
    tpu.barrier barrier_id(%barrier3A_74)
    %eq3A_75 = arith.constant 0 : i32
    %eq3A_76 = arith.cmpi eq, %arg0, %eq3A_75 : i32
    %convert_element_type3A_77 = arith.extui %eq3A_76 : i1 to i32
    %cond3A_78 = arith.constant 0 : i32
    %cond3A_79 = arith.cmpi ne, %convert_element_type3A_77, %cond3A_78 : i32
    scf.if %cond3A_79 {
      %add3A = arith.constant 0 : i32
      %add3A_85 = arith.addi %mul3A_0, %add3A : i32
      "tpu.region"() ({
        %run_scoped3A = tpu.sem_alloc : memref<!tpu.dma_semaphore, #tpu.memory_space<semaphore_mem>>
        %dma_start3A_142 = arith.constant 0 : i32
        %dma_start3A_143 = tpu.memref_slice %arg22[%add3A_85, %dma_start3A_142] : memref<10240x128xf32, #tpu.memory_space<vmem_shared>> -> memref<128x128xf32, #tpu.memory_space<vmem_shared>>
        %dma_start3A_144 = arith.constant 0 : i32
        %dma_start3A_145 = tpu.memref_slice %arg22[%add3A_85, %dma_start3A_144] : memref<10240x128xf32, #tpu.memory_space<vmem_shared>> -> memref<128x128xf32, #tpu.memory_space<vmem_shared>>
        tpu.enqueue_dma source(%dma_start3A_145 : memref<128x128xf32, #tpu.memory_space<vmem_shared>>) target(%arg19 : memref<128x128xf32, #tpu.memory_space<vmem>>) target_semaphore(%run_scoped3A : memref<!tpu.dma_semaphore, #tpu.memory_space<semaphore_mem>>)
        %dma_wait3A_146 = arith.constant 0 : i32
        %dma_wait3A_147 = tpu.memref_slice %arg22[%add3A_85, %dma_wait3A_146] : memref<10240x128xf32, #tpu.memory_space<vmem_shared>> -> memref<128x128xf32, #tpu.memory_space<vmem_shared>>
        %dma_wait3A_148 = arith.constant 0 : i32
        %dma_wait3A_149 = tpu.memref_slice %arg22[%add3A_85, %dma_wait3A_148] : memref<10240x128xf32, #tpu.memory_space<vmem_shared>> -> memref<128x128xf32, #tpu.memory_space<vmem_shared>>
        tpu.wait_dma2 semaphore(%run_scoped3A : memref<!tpu.dma_semaphore, #tpu.memory_space<semaphore_mem>>) src(%dma_wait3A_149 : memref<128x128xf32, #tpu.memory_space<vmem_shared>>) dst(%arg19 : memref<128x128xf32, #tpu.memory_space<vmem>>)
        tpu.yield
      }) : () -> ()
      %dma_start3A = arith.constant 0 : i32
      %dma_start3A_86 = tpu.memref_slice %arg8[%add3A_85, %dma_start3A] : memref<10240x128xf32, #tpu.memory_space<hbm>> -> memref<128x128xf32, #tpu.memory_space<hbm>>
      %dma_start3A_87 = arith.constant 0 : i32
      %dma_start3A_88 = tpu.memref_slice %arg8[%add3A_85, %dma_start3A_87] : memref<10240x128xf32, #tpu.memory_space<hbm>> -> memref<128x128xf32, #tpu.memory_space<hbm>>
      tpu.enqueue_dma source(%arg19 : memref<128x128xf32, #tpu.memory_space<vmem>>) target(%dma_start3A_88 : memref<128x128xf32, #tpu.memory_space<hbm>>) target_semaphore(%arg27 : memref<!tpu.dma_semaphore, #tpu.memory_space<semaphore_mem>>)
      %add3A_89 = arith.constant 128 : i32
      %add3A_90 = arith.addi %mul3A_0, %add3A_89 : i32
      "tpu.region"() ({
        %run_scoped3A = tpu.sem_alloc : memref<!tpu.dma_semaphore, #tpu.memory_space<semaphore_mem>>
        %dma_start3A_142 = arith.constant 0 : i32
        %dma_start3A_143 = tpu.memref_slice %arg22[%add3A_90, %dma_start3A_142] : memref<10240x128xf32, #tpu.memory_space<vmem_shared>> -> memref<128x128xf32, #tpu.memory_space<vmem_shared>>
        %dma_start3A_144 = arith.constant 0 : i32
        %dma_start3A_145 = tpu.memref_slice %arg22[%add3A_90, %dma_start3A_144] : memref<10240x128xf32, #tpu.memory_space<vmem_shared>> -> memref<128x128xf32, #tpu.memory_space<vmem_shared>>
        tpu.enqueue_dma source(%dma_start3A_145 : memref<128x128xf32, #tpu.memory_space<vmem_shared>>) target(%arg20 : memref<128x128xf32, #tpu.memory_space<vmem>>) target_semaphore(%run_scoped3A : memref<!tpu.dma_semaphore, #tpu.memory_space<semaphore_mem>>)
        %dma_wait3A_146 = arith.constant 0 : i32
        %dma_wait3A_147 = tpu.memref_slice %arg22[%add3A_90, %dma_wait3A_146] : memref<10240x128xf32, #tpu.memory_space<vmem_shared>> -> memref<128x128xf32, #tpu.memory_space<vmem_shared>>
        %dma_wait3A_148 = arith.constant 0 : i32
        %dma_wait3A_149 = tpu.memref_slice %arg22[%add3A_90, %dma_wait3A_148] : memref<10240x128xf32, #tpu.memory_space<vmem_shared>> -> memref<128x128xf32, #tpu.memory_space<vmem_shared>>
        tpu.wait_dma2 semaphore(%run_scoped3A : memref<!tpu.dma_semaphore, #tpu.memory_space<semaphore_mem>>) src(%dma_wait3A_149 : memref<128x128xf32, #tpu.memory_space<vmem_shared>>) dst(%arg20 : memref<128x128xf32, #tpu.memory_space<vmem>>)
        tpu.yield
      }) : () -> ()
      %dma_start3A_91 = arith.constant 0 : i32
      %dma_start3A_92 = tpu.memref_slice %arg8[%add3A_90, %dma_start3A_91] : memref<10240x128xf32, #tpu.memory_space<hbm>> -> memref<128x128xf32, #tpu.memory_space<hbm>>
      %dma_start3A_93 = arith.constant 0 : i32
      %dma_start3A_94 = tpu.memref_slice %arg8[%add3A_90, %dma_start3A_93] : memref<10240x128xf32, #tpu.memory_space<hbm>> -> memref<128x128xf32, #tpu.memory_space<hbm>>
      tpu.enqueue_dma source(%arg20 : memref<128x128xf32, #tpu.memory_space<vmem>>) target(%dma_start3A_94 : memref<128x128xf32, #tpu.memory_space<hbm>>) target_semaphore(%arg28 : memref<!tpu.dma_semaphore, #tpu.memory_space<semaphore_mem>>)
      %add3A_95 = arith.constant 256 : i32
      %add3A_96 = arith.addi %mul3A_0, %add3A_95 : i32
      %add3A_97 = arith.constant 0 : i32
      %add3A_98 = arith.addi %mul3A_0, %add3A_97 : i32
      %dma_wait3A = arith.constant 0 : i32
      %dma_wait3A_99 = tpu.memref_slice %arg8[%add3A_98, %dma_wait3A] : memref<10240x128xf32, #tpu.memory_space<hbm>> -> memref<128x128xf32, #tpu.memory_space<hbm>>
      %dma_wait3A_100 = arith.constant 0 : i32
      %dma_wait3A_101 = tpu.memref_slice %arg8[%add3A_98, %dma_wait3A_100] : memref<10240x128xf32, #tpu.memory_space<hbm>> -> memref<128x128xf32, #tpu.memory_space<hbm>>
      tpu.wait_dma2 semaphore(%arg27 : memref<!tpu.dma_semaphore, #tpu.memory_space<semaphore_mem>>) src(%arg19 : memref<128x128xf32, #tpu.memory_space<vmem>>) dst(%dma_wait3A_101 : memref<128x128xf32, #tpu.memory_space<hbm>>)
      "tpu.region"() ({
        %run_scoped3A = tpu.sem_alloc : memref<!tpu.dma_semaphore, #tpu.memory_space<semaphore_mem>>
        %dma_start3A_142 = arith.constant 0 : i32
        %dma_start3A_143 = tpu.memref_slice %arg22[%add3A_96, %dma_start3A_142] : memref<10240x128xf32, #tpu.memory_space<vmem_shared>> -> memref<128x128xf32, #tpu.memory_space<vmem_shared>>
        %dma_start3A_144 = arith.constant 0 : i32
        %dma_start3A_145 = tpu.memref_slice %arg22[%add3A_96, %dma_start3A_144] : memref<10240x128xf32, #tpu.memory_space<vmem_shared>> -> memref<128x128xf32, #tpu.memory_space<vmem_shared>>
        tpu.enqueue_dma source(%dma_start3A_145 : memref<128x128xf32, #tpu.memory_space<vmem_shared>>) target(%arg19 : memref<128x128xf32, #tpu.memory_space<vmem>>) target_semaphore(%run_scoped3A : memref<!tpu.dma_semaphore, #tpu.memory_space<semaphore_mem>>)
        %dma_wait3A_146 = arith.constant 0 : i32
        %dma_wait3A_147 = tpu.memref_slice %arg22[%add3A_96, %dma_wait3A_146] : memref<10240x128xf32, #tpu.memory_space<vmem_shared>> -> memref<128x128xf32, #tpu.memory_space<vmem_shared>>
        %dma_wait3A_148 = arith.constant 0 : i32
        %dma_wait3A_149 = tpu.memref_slice %arg22[%add3A_96, %dma_wait3A_148] : memref<10240x128xf32, #tpu.memory_space<vmem_shared>> -> memref<128x128xf32, #tpu.memory_space<vmem_shared>>
        tpu.wait_dma2 semaphore(%run_scoped3A : memref<!tpu.dma_semaphore, #tpu.memory_space<semaphore_mem>>) src(%dma_wait3A_149 : memref<128x128xf32, #tpu.memory_space<vmem_shared>>) dst(%arg19 : memref<128x128xf32, #tpu.memory_space<vmem>>)
        tpu.yield
      }) : () -> ()
      %dma_start3A_102 = arith.constant 0 : i32
      %dma_start3A_103 = tpu.memref_slice %arg8[%add3A_96, %dma_start3A_102] : memref<10240x128xf32, #tpu.memory_space<hbm>> -> memref<128x128xf32, #tpu.memory_space<hbm>>
      %dma_start3A_104 = arith.constant 0 : i32
      %dma_start3A_105 = tpu.memref_slice %arg8[%add3A_96, %dma_start3A_104] : memref<10240x128xf32, #tpu.memory_space<hbm>> -> memref<128x128xf32, #tpu.memory_space<hbm>>
      tpu.enqueue_dma source(%arg19 : memref<128x128xf32, #tpu.memory_space<vmem>>) target(%dma_start3A_105 : memref<128x128xf32, #tpu.memory_space<hbm>>) target_semaphore(%arg27 : memref<!tpu.dma_semaphore, #tpu.memory_space<semaphore_mem>>)
      %add3A_106 = arith.constant 384 : i32
      %add3A_107 = arith.addi %mul3A_0, %add3A_106 : i32
      %add3A_108 = arith.constant 128 : i32
      %add3A_109 = arith.addi %mul3A_0, %add3A_108 : i32
      %dma_wait3A_110 = arith.constant 0 : i32
      %dma_wait3A_111 = tpu.memref_slice %arg8[%add3A_109, %dma_wait3A_110] : memref<10240x128xf32, #tpu.memory_space<hbm>> -> memref<128x128xf32, #tpu.memory_space<hbm>>
      %dma_wait3A_112 = arith.constant 0 : i32
      %dma_wait3A_113 = tpu.memref_slice %arg8[%add3A_109, %dma_wait3A_112] : memref<10240x128xf32, #tpu.memory_space<hbm>> -> memref<128x128xf32, #tpu.memory_space<hbm>>
      tpu.wait_dma2 semaphore(%arg28 : memref<!tpu.dma_semaphore, #tpu.memory_space<semaphore_mem>>) src(%arg20 : memref<128x128xf32, #tpu.memory_space<vmem>>) dst(%dma_wait3A_113 : memref<128x128xf32, #tpu.memory_space<hbm>>)
      "tpu.region"() ({
        %run_scoped3A = tpu.sem_alloc : memref<!tpu.dma_semaphore, #tpu.memory_space<semaphore_mem>>
        %dma_start3A_142 = arith.constant 0 : i32
        %dma_start3A_143 = tpu.memref_slice %arg22[%add3A_107, %dma_start3A_142] : memref<10240x128xf32, #tpu.memory_space<vmem_shared>> -> memref<128x128xf32, #tpu.memory_space<vmem_shared>>
        %dma_start3A_144 = arith.constant 0 : i32
        %dma_start3A_145 = tpu.memref_slice %arg22[%add3A_107, %dma_start3A_144] : memref<10240x128xf32, #tpu.memory_space<vmem_shared>> -> memref<128x128xf32, #tpu.memory_space<vmem_shared>>
        tpu.enqueue_dma source(%dma_start3A_145 : memref<128x128xf32, #tpu.memory_space<vmem_shared>>) target(%arg20 : memref<128x128xf32, #tpu.memory_space<vmem>>) target_semaphore(%run_scoped3A : memref<!tpu.dma_semaphore, #tpu.memory_space<semaphore_mem>>)
        %dma_wait3A_146 = arith.constant 0 : i32
        %dma_wait3A_147 = tpu.memref_slice %arg22[%add3A_107, %dma_wait3A_146] : memref<10240x128xf32, #tpu.memory_space<vmem_shared>> -> memref<128x128xf32, #tpu.memory_space<vmem_shared>>
        %dma_wait3A_148 = arith.constant 0 : i32
        %dma_wait3A_149 = tpu.memref_slice %arg22[%add3A_107, %dma_wait3A_148] : memref<10240x128xf32, #tpu.memory_space<vmem_shared>> -> memref<128x128xf32, #tpu.memory_space<vmem_shared>>
        tpu.wait_dma2 semaphore(%run_scoped3A : memref<!tpu.dma_semaphore, #tpu.memory_space<semaphore_mem>>) src(%dma_wait3A_149 : memref<128x128xf32, #tpu.memory_space<vmem_shared>>) dst(%arg20 : memref<128x128xf32, #tpu.memory_space<vmem>>)
        tpu.yield
      }) : () -> ()
      %dma_start3A_114 = arith.constant 0 : i32
      %dma_start3A_115 = tpu.memref_slice %arg8[%add3A_107, %dma_start3A_114] : memref<10240x128xf32, #tpu.memory_space<hbm>> -> memref<128x128xf32, #tpu.memory_space<hbm>>
      %dma_start3A_116 = arith.constant 0 : i32
      %dma_start3A_117 = tpu.memref_slice %arg8[%add3A_107, %dma_start3A_116] : memref<10240x128xf32, #tpu.memory_space<hbm>> -> memref<128x128xf32, #tpu.memory_space<hbm>>
      tpu.enqueue_dma source(%arg20 : memref<128x128xf32, #tpu.memory_space<vmem>>) target(%dma_start3A_117 : memref<128x128xf32, #tpu.memory_space<hbm>>) target_semaphore(%arg28 : memref<!tpu.dma_semaphore, #tpu.memory_space<semaphore_mem>>)
      %add3A_118 = arith.constant 512 : i32
      %add3A_119 = arith.addi %mul3A_0, %add3A_118 : i32
      %add3A_120 = arith.constant 256 : i32
      %add3A_121 = arith.addi %mul3A_0, %add3A_120 : i32
      %dma_wait3A_122 = arith.constant 0 : i32
      %dma_wait3A_123 = tpu.memref_slice %arg8[%add3A_121, %dma_wait3A_122] : memref<10240x128xf32, #tpu.memory_space<hbm>> -> memref<128x128xf32, #tpu.memory_space<hbm>>
      %dma_wait3A_124 = arith.constant 0 : i32
      %dma_wait3A_125 = tpu.memref_slice %arg8[%add3A_121, %dma_wait3A_124] : memref<10240x128xf32, #tpu.memory_space<hbm>> -> memref<128x128xf32, #tpu.memory_space<hbm>>
      tpu.wait_dma2 semaphore(%arg27 : memref<!tpu.dma_semaphore, #tpu.memory_space<semaphore_mem>>) src(%arg19 : memref<128x128xf32, #tpu.memory_space<vmem>>) dst(%dma_wait3A_125 : memref<128x128xf32, #tpu.memory_space<hbm>>)
      "tpu.region"() ({
        %run_scoped3A = tpu.sem_alloc : memref<!tpu.dma_semaphore, #tpu.memory_space<semaphore_mem>>
        %dma_start3A_142 = arith.constant 0 : i32
        %dma_start3A_143 = tpu.memref_slice %arg22[%add3A_119, %dma_start3A_142] : memref<10240x128xf32, #tpu.memory_space<vmem_shared>> -> memref<128x128xf32, #tpu.memory_space<vmem_shared>>
        %dma_start3A_144 = arith.constant 0 : i32
        %dma_start3A_145 = tpu.memref_slice %arg22[%add3A_119, %dma_start3A_144] : memref<10240x128xf32, #tpu.memory_space<vmem_shared>> -> memref<128x128xf32, #tpu.memory_space<vmem_shared>>
        tpu.enqueue_dma source(%dma_start3A_145 : memref<128x128xf32, #tpu.memory_space<vmem_shared>>) target(%arg19 : memref<128x128xf32, #tpu.memory_space<vmem>>) target_semaphore(%run_scoped3A : memref<!tpu.dma_semaphore, #tpu.memory_space<semaphore_mem>>)
        %dma_wait3A_146 = arith.constant 0 : i32
        %dma_wait3A_147 = tpu.memref_slice %arg22[%add3A_119, %dma_wait3A_146] : memref<10240x128xf32, #tpu.memory_space<vmem_shared>> -> memref<128x128xf32, #tpu.memory_space<vmem_shared>>
        %dma_wait3A_148 = arith.constant 0 : i32
        %dma_wait3A_149 = tpu.memref_slice %arg22[%add3A_119, %dma_wait3A_148] : memref<10240x128xf32, #tpu.memory_space<vmem_shared>> -> memref<128x128xf32, #tpu.memory_space<vmem_shared>>
        tpu.wait_dma2 semaphore(%run_scoped3A : memref<!tpu.dma_semaphore, #tpu.memory_space<semaphore_mem>>) src(%dma_wait3A_149 : memref<128x128xf32, #tpu.memory_space<vmem_shared>>) dst(%arg19 : memref<128x128xf32, #tpu.memory_space<vmem>>)
        tpu.yield
      }) : () -> ()
      %dma_start3A_126 = arith.constant 0 : i32
      %dma_start3A_127 = tpu.memref_slice %arg8[%add3A_119, %dma_start3A_126] : memref<10240x128xf32, #tpu.memory_space<hbm>> -> memref<128x128xf32, #tpu.memory_space<hbm>>
      %dma_start3A_128 = arith.constant 0 : i32
      %dma_start3A_129 = tpu.memref_slice %arg8[%add3A_119, %dma_start3A_128] : memref<10240x128xf32, #tpu.memory_space<hbm>> -> memref<128x128xf32, #tpu.memory_space<hbm>>
      tpu.enqueue_dma source(%arg19 : memref<128x128xf32, #tpu.memory_space<vmem>>) target(%dma_start3A_129 : memref<128x128xf32, #tpu.memory_space<hbm>>) target_semaphore(%arg27 : memref<!tpu.dma_semaphore, #tpu.memory_space<semaphore_mem>>)
      %add3A_130 = arith.constant 384 : i32
      %add3A_131 = arith.addi %mul3A_0, %add3A_130 : i32
      %dma_wait3A_132 = arith.constant 0 : i32
      %dma_wait3A_133 = tpu.memref_slice %arg8[%add3A_131, %dma_wait3A_132] : memref<10240x128xf32, #tpu.memory_space<hbm>> -> memref<128x128xf32, #tpu.memory_space<hbm>>
      %dma_wait3A_134 = arith.constant 0 : i32
      %dma_wait3A_135 = tpu.memref_slice %arg8[%add3A_131, %dma_wait3A_134] : memref<10240x128xf32, #tpu.memory_space<hbm>> -> memref<128x128xf32, #tpu.memory_space<hbm>>
      tpu.wait_dma2 semaphore(%arg28 : memref<!tpu.dma_semaphore, #tpu.memory_space<semaphore_mem>>) src(%arg20 : memref<128x128xf32, #tpu.memory_space<vmem>>) dst(%dma_wait3A_135 : memref<128x128xf32, #tpu.memory_space<hbm>>)
      %add3A_136 = arith.constant 512 : i32
      %add3A_137 = arith.addi %mul3A_0, %add3A_136 : i32
      %dma_wait3A_138 = arith.constant 0 : i32
      %dma_wait3A_139 = tpu.memref_slice %arg8[%add3A_137, %dma_wait3A_138] : memref<10240x128xf32, #tpu.memory_space<hbm>> -> memref<128x128xf32, #tpu.memory_space<hbm>>
      %dma_wait3A_140 = arith.constant 0 : i32
      %dma_wait3A_141 = tpu.memref_slice %arg8[%add3A_137, %dma_wait3A_140] : memref<10240x128xf32, #tpu.memory_space<hbm>> -> memref<128x128xf32, #tpu.memory_space<hbm>>
      tpu.wait_dma2 semaphore(%arg27 : memref<!tpu.dma_semaphore, #tpu.memory_space<semaphore_mem>>) src(%arg19 : memref<128x128xf32, #tpu.memory_space<vmem>>) dst(%dma_wait3A_141 : memref<128x128xf32, #tpu.memory_space<hbm>>)
    } else {
    }
    %eq3A_80 = arith.constant 1 : i32
    %eq3A_81 = arith.cmpi eq, %arg0, %eq3A_80 : i32
    %convert_element_type3A_82 = arith.extui %eq3A_81 : i1 to i32
    %cond3A_83 = arith.constant 0 : i32
    %cond3A_84 = arith.cmpi ne, %convert_element_type3A_82, %cond3A_83 : i32
    scf.if %cond3A_84 {
      %add3A = arith.constant 0 : i32
      %add3A_85 = arith.addi %mul3A_0, %add3A : i32
      "tpu.region"() ({
        %run_scoped3A = tpu.sem_alloc : memref<!tpu.dma_semaphore, #tpu.memory_space<semaphore_mem>>
        %dma_start3A_142 = arith.constant 0 : i32
        %dma_start3A_143 = tpu.memref_slice %arg22[%add3A_85, %dma_start3A_142] : memref<10240x128xf32, #tpu.memory_space<vmem_shared>> -> memref<128x128xf32, #tpu.memory_space<vmem_shared>>
        %dma_start3A_144 = arith.constant 0 : i32
        %dma_start3A_145 = tpu.memref_slice %arg22[%add3A_85, %dma_start3A_144] : memref<10240x128xf32, #tpu.memory_space<vmem_shared>> -> memref<128x128xf32, #tpu.memory_space<vmem_shared>>
        tpu.enqueue_dma source(%dma_start3A_145 : memref<128x128xf32, #tpu.memory_space<vmem_shared>>) target(%arg19 : memref<128x128xf32, #tpu.memory_space<vmem>>) target_semaphore(%run_scoped3A : memref<!tpu.dma_semaphore, #tpu.memory_space<semaphore_mem>>)
        %dma_wait3A_146 = arith.constant 0 : i32
        %dma_wait3A_147 = tpu.memref_slice %arg22[%add3A_85, %dma_wait3A_146] : memref<10240x128xf32, #tpu.memory_space<vmem_shared>> -> memref<128x128xf32, #tpu.memory_space<vmem_shared>>
        %dma_wait3A_148 = arith.constant 0 : i32
        %dma_wait3A_149 = tpu.memref_slice %arg22[%add3A_85, %dma_wait3A_148] : memref<10240x128xf32, #tpu.memory_space<vmem_shared>> -> memref<128x128xf32, #tpu.memory_space<vmem_shared>>
        tpu.wait_dma2 semaphore(%run_scoped3A : memref<!tpu.dma_semaphore, #tpu.memory_space<semaphore_mem>>) src(%dma_wait3A_149 : memref<128x128xf32, #tpu.memory_space<vmem_shared>>) dst(%arg19 : memref<128x128xf32, #tpu.memory_space<vmem>>)
        tpu.yield
      }) : () -> ()
      %dma_start3A = arith.constant 0 : i32
      %dma_start3A_86 = tpu.memref_slice %arg10[%add3A_85, %dma_start3A] : memref<10240x128xf32, #tpu.memory_space<hbm>> -> memref<128x128xf32, #tpu.memory_space<hbm>>
      %dma_start3A_87 = arith.constant 0 : i32
      %dma_start3A_88 = tpu.memref_slice %arg10[%add3A_85, %dma_start3A_87] : memref<10240x128xf32, #tpu.memory_space<hbm>> -> memref<128x128xf32, #tpu.memory_space<hbm>>
      tpu.enqueue_dma source(%arg19 : memref<128x128xf32, #tpu.memory_space<vmem>>) target(%dma_start3A_88 : memref<128x128xf32, #tpu.memory_space<hbm>>) target_semaphore(%arg27 : memref<!tpu.dma_semaphore, #tpu.memory_space<semaphore_mem>>)
      %add3A_89 = arith.constant 128 : i32
      %add3A_90 = arith.addi %mul3A_0, %add3A_89 : i32
      "tpu.region"() ({
        %run_scoped3A = tpu.sem_alloc : memref<!tpu.dma_semaphore, #tpu.memory_space<semaphore_mem>>
        %dma_start3A_142 = arith.constant 0 : i32
        %dma_start3A_143 = tpu.memref_slice %arg22[%add3A_90, %dma_start3A_142] : memref<10240x128xf32, #tpu.memory_space<vmem_shared>> -> memref<128x128xf32, #tpu.memory_space<vmem_shared>>
        %dma_start3A_144 = arith.constant 0 : i32
        %dma_start3A_145 = tpu.memref_slice %arg22[%add3A_90, %dma_start3A_144] : memref<10240x128xf32, #tpu.memory_space<vmem_shared>> -> memref<128x128xf32, #tpu.memory_space<vmem_shared>>
        tpu.enqueue_dma source(%dma_start3A_145 : memref<128x128xf32, #tpu.memory_space<vmem_shared>>) target(%arg20 : memref<128x128xf32, #tpu.memory_space<vmem>>) target_semaphore(%run_scoped3A : memref<!tpu.dma_semaphore, #tpu.memory_space<semaphore_mem>>)
        %dma_wait3A_146 = arith.constant 0 : i32
        %dma_wait3A_147 = tpu.memref_slice %arg22[%add3A_90, %dma_wait3A_146] : memref<10240x128xf32, #tpu.memory_space<vmem_shared>> -> memref<128x128xf32, #tpu.memory_space<vmem_shared>>
        %dma_wait3A_148 = arith.constant 0 : i32
        %dma_wait3A_149 = tpu.memref_slice %arg22[%add3A_90, %dma_wait3A_148] : memref<10240x128xf32, #tpu.memory_space<vmem_shared>> -> memref<128x128xf32, #tpu.memory_space<vmem_shared>>
        tpu.wait_dma2 semaphore(%run_scoped3A : memref<!tpu.dma_semaphore, #tpu.memory_space<semaphore_mem>>) src(%dma_wait3A_149 : memref<128x128xf32, #tpu.memory_space<vmem_shared>>) dst(%arg20 : memref<128x128xf32, #tpu.memory_space<vmem>>)
        tpu.yield
      }) : () -> ()
      %dma_start3A_91 = arith.constant 0 : i32
      %dma_start3A_92 = tpu.memref_slice %arg10[%add3A_90, %dma_start3A_91] : memref<10240x128xf32, #tpu.memory_space<hbm>> -> memref<128x128xf32, #tpu.memory_space<hbm>>
      %dma_start3A_93 = arith.constant 0 : i32
      %dma_start3A_94 = tpu.memref_slice %arg10[%add3A_90, %dma_start3A_93] : memref<10240x128xf32, #tpu.memory_space<hbm>> -> memref<128x128xf32, #tpu.memory_space<hbm>>
      tpu.enqueue_dma source(%arg20 : memref<128x128xf32, #tpu.memory_space<vmem>>) target(%dma_start3A_94 : memref<128x128xf32, #tpu.memory_space<hbm>>) target_semaphore(%arg28 : memref<!tpu.dma_semaphore, #tpu.memory_space<semaphore_mem>>)
      %add3A_95 = arith.constant 256 : i32
      %add3A_96 = arith.addi %mul3A_0, %add3A_95 : i32
      %add3A_97 = arith.constant 0 : i32
      %add3A_98 = arith.addi %mul3A_0, %add3A_97 : i32
      %dma_wait3A = arith.constant 0 : i32
      %dma_wait3A_99 = tpu.memref_slice %arg10[%add3A_98, %dma_wait3A] : memref<10240x128xf32, #tpu.memory_space<hbm>> -> memref<128x128xf32, #tpu.memory_space<hbm>>
      %dma_wait3A_100 = arith.constant 0 : i32
      %dma_wait3A_101 = tpu.memref_slice %arg10[%add3A_98, %dma_wait3A_100] : memref<10240x128xf32, #tpu.memory_space<hbm>> -> memref<128x128xf32, #tpu.memory_space<hbm>>
      tpu.wait_dma2 semaphore(%arg27 : memref<!tpu.dma_semaphore, #tpu.memory_space<semaphore_mem>>) src(%arg19 : memref<128x128xf32, #tpu.memory_space<vmem>>) dst(%dma_wait3A_101 : memref<128x128xf32, #tpu.memory_space<hbm>>)
      "tpu.region"() ({
        %run_scoped3A = tpu.sem_alloc : memref<!tpu.dma_semaphore, #tpu.memory_space<semaphore_mem>>
        %dma_start3A_142 = arith.constant 0 : i32
        %dma_start3A_143 = tpu.memref_slice %arg22[%add3A_96, %dma_start3A_142] : memref<10240x128xf32, #tpu.memory_space<vmem_shared>> -> memref<128x128xf32, #tpu.memory_space<vmem_shared>>
        %dma_start3A_144 = arith.constant 0 : i32
        %dma_start3A_145 = tpu.memref_slice %arg22[%add3A_96, %dma_start3A_144] : memref<10240x128xf32, #tpu.memory_space<vmem_shared>> -> memref<128x128xf32, #tpu.memory_space<vmem_shared>>
        tpu.enqueue_dma source(%dma_start3A_145 : memref<128x128xf32, #tpu.memory_space<vmem_shared>>) target(%arg19 : memref<128x128xf32, #tpu.memory_space<vmem>>) target_semaphore(%run_scoped3A : memref<!tpu.dma_semaphore, #tpu.memory_space<semaphore_mem>>)
        %dma_wait3A_146 = arith.constant 0 : i32
        %dma_wait3A_147 = tpu.memref_slice %arg22[%add3A_96, %dma_wait3A_146] : memref<10240x128xf32, #tpu.memory_space<vmem_shared>> -> memref<128x128xf32, #tpu.memory_space<vmem_shared>>
        %dma_wait3A_148 = arith.constant 0 : i32
        %dma_wait3A_149 = tpu.memref_slice %arg22[%add3A_96, %dma_wait3A_148] : memref<10240x128xf32, #tpu.memory_space<vmem_shared>> -> memref<128x128xf32, #tpu.memory_space<vmem_shared>>
        tpu.wait_dma2 semaphore(%run_scoped3A : memref<!tpu.dma_semaphore, #tpu.memory_space<semaphore_mem>>) src(%dma_wait3A_149 : memref<128x128xf32, #tpu.memory_space<vmem_shared>>) dst(%arg19 : memref<128x128xf32, #tpu.memory_space<vmem>>)
        tpu.yield
      }) : () -> ()
      %dma_start3A_102 = arith.constant 0 : i32
      %dma_start3A_103 = tpu.memref_slice %arg10[%add3A_96, %dma_start3A_102] : memref<10240x128xf32, #tpu.memory_space<hbm>> -> memref<128x128xf32, #tpu.memory_space<hbm>>
      %dma_start3A_104 = arith.constant 0 : i32
      %dma_start3A_105 = tpu.memref_slice %arg10[%add3A_96, %dma_start3A_104] : memref<10240x128xf32, #tpu.memory_space<hbm>> -> memref<128x128xf32, #tpu.memory_space<hbm>>
      tpu.enqueue_dma source(%arg19 : memref<128x128xf32, #tpu.memory_space<vmem>>) target(%dma_start3A_105 : memref<128x128xf32, #tpu.memory_space<hbm>>) target_semaphore(%arg27 : memref<!tpu.dma_semaphore, #tpu.memory_space<semaphore_mem>>)
      %add3A_106 = arith.constant 384 : i32
      %add3A_107 = arith.addi %mul3A_0, %add3A_106 : i32
      %add3A_108 = arith.constant 128 : i32
      %add3A_109 = arith.addi %mul3A_0, %add3A_108 : i32
      %dma_wait3A_110 = arith.constant 0 : i32
      %dma_wait3A_111 = tpu.memref_slice %arg10[%add3A_109, %dma_wait3A_110] : memref<10240x128xf32, #tpu.memory_space<hbm>> -> memref<128x128xf32, #tpu.memory_space<hbm>>
      %dma_wait3A_112 = arith.constant 0 : i32
      %dma_wait3A_113 = tpu.memref_slice %arg10[%add3A_109, %dma_wait3A_112] : memref<10240x128xf32, #tpu.memory_space<hbm>> -> memref<128x128xf32, #tpu.memory_space<hbm>>
      tpu.wait_dma2 semaphore(%arg28 : memref<!tpu.dma_semaphore, #tpu.memory_space<semaphore_mem>>) src(%arg20 : memref<128x128xf32, #tpu.memory_space<vmem>>) dst(%dma_wait3A_113 : memref<128x128xf32, #tpu.memory_space<hbm>>)
      "tpu.region"() ({
        %run_scoped3A = tpu.sem_alloc : memref<!tpu.dma_semaphore, #tpu.memory_space<semaphore_mem>>
        %dma_start3A_142 = arith.constant 0 : i32
        %dma_start3A_143 = tpu.memref_slice %arg22[%add3A_107, %dma_start3A_142] : memref<10240x128xf32, #tpu.memory_space<vmem_shared>> -> memref<128x128xf32, #tpu.memory_space<vmem_shared>>
        %dma_start3A_144 = arith.constant 0 : i32
        %dma_start3A_145 = tpu.memref_slice %arg22[%add3A_107, %dma_start3A_144] : memref<10240x128xf32, #tpu.memory_space<vmem_shared>> -> memref<128x128xf32, #tpu.memory_space<vmem_shared>>
        tpu.enqueue_dma source(%dma_start3A_145 : memref<128x128xf32, #tpu.memory_space<vmem_shared>>) target(%arg20 : memref<128x128xf32, #tpu.memory_space<vmem>>) target_semaphore(%run_scoped3A : memref<!tpu.dma_semaphore, #tpu.memory_space<semaphore_mem>>)
        %dma_wait3A_146 = arith.constant 0 : i32
        %dma_wait3A_147 = tpu.memref_slice %arg22[%add3A_107, %dma_wait3A_146] : memref<10240x128xf32, #tpu.memory_space<vmem_shared>> -> memref<128x128xf32, #tpu.memory_space<vmem_shared>>
        %dma_wait3A_148 = arith.constant 0 : i32
        %dma_wait3A_149 = tpu.memref_slice %arg22[%add3A_107, %dma_wait3A_148] : memref<10240x128xf32, #tpu.memory_space<vmem_shared>> -> memref<128x128xf32, #tpu.memory_space<vmem_shared>>
        tpu.wait_dma2 semaphore(%run_scoped3A : memref<!tpu.dma_semaphore, #tpu.memory_space<semaphore_mem>>) src(%dma_wait3A_149 : memref<128x128xf32, #tpu.memory_space<vmem_shared>>) dst(%arg20 : memref<128x128xf32, #tpu.memory_space<vmem>>)
        tpu.yield
      }) : () -> ()
      %dma_start3A_114 = arith.constant 0 : i32
      %dma_start3A_115 = tpu.memref_slice %arg10[%add3A_107, %dma_start3A_114] : memref<10240x128xf32, #tpu.memory_space<hbm>> -> memref<128x128xf32, #tpu.memory_space<hbm>>
      %dma_start3A_116 = arith.constant 0 : i32
      %dma_start3A_117 = tpu.memref_slice %arg10[%add3A_107, %dma_start3A_116] : memref<10240x128xf32, #tpu.memory_space<hbm>> -> memref<128x128xf32, #tpu.memory_space<hbm>>
      tpu.enqueue_dma source(%arg20 : memref<128x128xf32, #tpu.memory_space<vmem>>) target(%dma_start3A_117 : memref<128x128xf32, #tpu.memory_space<hbm>>) target_semaphore(%arg28 : memref<!tpu.dma_semaphore, #tpu.memory_space<semaphore_mem>>)
      %add3A_118 = arith.constant 512 : i32
      %add3A_119 = arith.addi %mul3A_0, %add3A_118 : i32
      %add3A_120 = arith.constant 256 : i32
      %add3A_121 = arith.addi %mul3A_0, %add3A_120 : i32
      %dma_wait3A_122 = arith.constant 0 : i32
      %dma_wait3A_123 = tpu.memref_slice %arg10[%add3A_121, %dma_wait3A_122] : memref<10240x128xf32, #tpu.memory_space<hbm>> -> memref<128x128xf32, #tpu.memory_space<hbm>>
      %dma_wait3A_124 = arith.constant 0 : i32
      %dma_wait3A_125 = tpu.memref_slice %arg10[%add3A_121, %dma_wait3A_124] : memref<10240x128xf32, #tpu.memory_space<hbm>> -> memref<128x128xf32, #tpu.memory_space<hbm>>
      tpu.wait_dma2 semaphore(%arg27 : memref<!tpu.dma_semaphore, #tpu.memory_space<semaphore_mem>>) src(%arg19 : memref<128x128xf32, #tpu.memory_space<vmem>>) dst(%dma_wait3A_125 : memref<128x128xf32, #tpu.memory_space<hbm>>)
      "tpu.region"() ({
        %run_scoped3A = tpu.sem_alloc : memref<!tpu.dma_semaphore, #tpu.memory_space<semaphore_mem>>
        %dma_start3A_142 = arith.constant 0 : i32
        %dma_start3A_143 = tpu.memref_slice %arg22[%add3A_119, %dma_start3A_142] : memref<10240x128xf32, #tpu.memory_space<vmem_shared>> -> memref<128x128xf32, #tpu.memory_space<vmem_shared>>
        %dma_start3A_144 = arith.constant 0 : i32
        %dma_start3A_145 = tpu.memref_slice %arg22[%add3A_119, %dma_start3A_144] : memref<10240x128xf32, #tpu.memory_space<vmem_shared>> -> memref<128x128xf32, #tpu.memory_space<vmem_shared>>
        tpu.enqueue_dma source(%dma_start3A_145 : memref<128x128xf32, #tpu.memory_space<vmem_shared>>) target(%arg19 : memref<128x128xf32, #tpu.memory_space<vmem>>) target_semaphore(%run_scoped3A : memref<!tpu.dma_semaphore, #tpu.memory_space<semaphore_mem>>)
        %dma_wait3A_146 = arith.constant 0 : i32
        %dma_wait3A_147 = tpu.memref_slice %arg22[%add3A_119, %dma_wait3A_146] : memref<10240x128xf32, #tpu.memory_space<vmem_shared>> -> memref<128x128xf32, #tpu.memory_space<vmem_shared>>
        %dma_wait3A_148 = arith.constant 0 : i32
        %dma_wait3A_149 = tpu.memref_slice %arg22[%add3A_119, %dma_wait3A_148] : memref<10240x128xf32, #tpu.memory_space<vmem_shared>> -> memref<128x128xf32, #tpu.memory_space<vmem_shared>>
        tpu.wait_dma2 semaphore(%run_scoped3A : memref<!tpu.dma_semaphore, #tpu.memory_space<semaphore_mem>>) src(%dma_wait3A_149 : memref<128x128xf32, #tpu.memory_space<vmem_shared>>) dst(%arg19 : memref<128x128xf32, #tpu.memory_space<vmem>>)
        tpu.yield
      }) : () -> ()
      %dma_start3A_126 = arith.constant 0 : i32
      %dma_start3A_127 = tpu.memref_slice %arg10[%add3A_119, %dma_start3A_126] : memref<10240x128xf32, #tpu.memory_space<hbm>> -> memref<128x128xf32, #tpu.memory_space<hbm>>
      %dma_start3A_128 = arith.constant 0 : i32
      %dma_start3A_129 = tpu.memref_slice %arg10[%add3A_119, %dma_start3A_128] : memref<10240x128xf32, #tpu.memory_space<hbm>> -> memref<128x128xf32, #tpu.memory_space<hbm>>
      tpu.enqueue_dma source(%arg19 : memref<128x128xf32, #tpu.memory_space<vmem>>) target(%dma_start3A_129 : memref<128x128xf32, #tpu.memory_space<hbm>>) target_semaphore(%arg27 : memref<!tpu.dma_semaphore, #tpu.memory_space<semaphore_mem>>)
      %add3A_130 = arith.constant 384 : i32
      %add3A_131 = arith.addi %mul3A_0, %add3A_130 : i32
      %dma_wait3A_132 = arith.constant 0 : i32
      %dma_wait3A_133 = tpu.memref_slice %arg10[%add3A_131, %dma_wait3A_132] : memref<10240x128xf32, #tpu.memory_space<hbm>> -> memref<128x128xf32, #tpu.memory_space<hbm>>
      %dma_wait3A_134 = arith.constant 0 : i32
      %dma_wait3A_135 = tpu.memref_slice %arg10[%add3A_131, %dma_wait3A_134] : memref<10240x128xf32, #tpu.memory_space<hbm>> -> memref<128x128xf32, #tpu.memory_space<hbm>>
      tpu.wait_dma2 semaphore(%arg28 : memref<!tpu.dma_semaphore, #tpu.memory_space<semaphore_mem>>) src(%arg20 : memref<128x128xf32, #tpu.memory_space<vmem>>) dst(%dma_wait3A_135 : memref<128x128xf32, #tpu.memory_space<hbm>>)
      %add3A_136 = arith.constant 512 : i32
      %add3A_137 = arith.addi %mul3A_0, %add3A_136 : i32
      %dma_wait3A_138 = arith.constant 0 : i32
      %dma_wait3A_139 = tpu.memref_slice %arg10[%add3A_137, %dma_wait3A_138] : memref<10240x128xf32, #tpu.memory_space<hbm>> -> memref<128x128xf32, #tpu.memory_space<hbm>>
      %dma_wait3A_140 = arith.constant 0 : i32
      %dma_wait3A_141 = tpu.memref_slice %arg10[%add3A_137, %dma_wait3A_140] : memref<10240x128xf32, #tpu.memory_space<hbm>> -> memref<128x128xf32, #tpu.memory_space<hbm>>
      tpu.wait_dma2 semaphore(%arg27 : memref<!tpu.dma_semaphore, #tpu.memory_space<semaphore_mem>>) src(%arg19 : memref<128x128xf32, #tpu.memory_space<vmem>>) dst(%dma_wait3A_141 : memref<128x128xf32, #tpu.memory_space<hbm>>)
    } else {
    }
    return
  }
}

</mosaic_0001>

<sc_bundles>
// kernel: _sc_aggregate.3.cloned.1.call-start
scs
__scs_entry_jumppad:
0x0: {  	(pc) =	sbr.rel $0x88, $3  }
0x1: {  	(tag) =	ssettag $0x0;
	lr =	simm.s32 $0x1  }
0x2: {  	[smem:$0x3F9C] =	sst lr;
	_ =	strace $0xD0000000  }
0x3: {  	_ = 	snop  }
0x4: {  	_ = 	snop  }
0x5: {  	_ = 	snop  }
0x6: {  	_ = 	snop  }
0x7: {  	_ = 	snop  }
__scs_overlays_trampoline_lowered:
0x8: {  	[smem:$0x3FAB] =	sst s0  }
0x9: {  	[smem:$0x3FAC] =	sst s1  }
0xa: {  	[smem:$0x3FAD] =	sst s2  }
0xb: {  	[smem:$0x3FAE] =	sst s3  }
0xc: {  	[smem:$0x3FAF] =	sst s4  }
0xd: {  	[smem:$0x3FB0] =	sst s5  }
0xe: {  	[smem:$0x3FB1] =	sst s6  }
0xf: {  	[smem:$0x3FB2] =	sst s7  }
0x10: {  	[smem:$0x3FB3] =	sst s8  }
0x11: {  	[smem:$0x3FB4] =	sst s9;
	s0 =	simm.s32 @!p0 $0x0  }
0x12: {  	s1 =	sld [smem:$0x3F9A];
	s0 =	simm.s32 @p0 $0x1  }
0x13: {  	[smem:$0x3FB5] =	sst s0;
	s0 =	simm.s32 @!p1 $0x0  }
0x14: {  	s2 =	sld [smem:$0x3F99];
	s0 =	simm.s32 @p1 $0x1  }
0x15: {  	[smem:$0x3FB6] =	sst s0;
	s0 =	simm.s32 @!p2 $0x0  }
0x16: {  	s3 =	sld [smem:$0x3FDB];
	s0 =	simm.s32 @p2 $0x1  }
0x17: {  	s4 =	simm.s32 $0x1BF5;
	[smem:$0x3FB8] =	sst s0  }
0x18: {  	s0 =	sld [smem:$0x3F9B];
	_ =	swait.ge [sflag:s4], $0x0  }
0x19: {  	s7 =	sld [smem:$0x3F9C]  }
0x1a: {  	s8 =	sadd.s32 $0xFFFFE003, lr  }
0x1b: {  	s9 =	sadd.s32 $0xFFFFFEF7, lr;
	s5 =	simm.s32 $0xFFFFFFFF;
	p2 =	slt.u32 s8, $0xFFFFF086  }
0x1c: {  	p1 =	slt.u32 s9, $0xF7A;
	s5 =	simm.s32 @!p2 $0x0  }
0x1d: {  	s5 =	simm.s32 @p1 $0x1;
	p0 =	seq.s32 s7, s2  }
0x1e: {  	s7 =	smul.u32 @!p0 $0xF7A, s2;
	p2 =	seq.s32 @!p0 s5, $0x0  }
0x1f: {  	s9 =	smul.u32 $0xF7A, s1;
	s8 =	simm.s32 @!p0 $0x1BF5;
	p2 =	por !p2, p0  }
0x20: {  	[sflag:s8] =	ssyncset.s32 @!p0 $0xFFFFF086;
	s6 =	sadd.s32 @!p0 s3, s7;
	s7 =	simm.s32 @!p0 $0x108  }
0x21: {  	s3 =	sadd.s32 s3, s9;
	s6 =	sadd.s32 @!p0 $0x88, s6;
	s7 =	simm.s32 @p2 $0x1082  }
0x22: {  	[simem:s7], [sflag:s8] =	dma.local @!p0 [hbm:s6], $0xF7A  }
0x23: {  	s9 =	sor.u32 $0xD0000000, s2;
	s6 =	simm.s32 $0x108;
	_ =	swait.ge @!p0 [sflag:s8], $0x0  }
0x24: {  	s3 =	sadd.s32 $0x88, s3;
	s6 =	simm.s32 @!p1 $0x1082;
	[sflag:s4] =	ssyncset.s32 $0xFFFFF086  }
0x25: {  	[simem:s6], [sflag:s4] =	dma.local [hbm:s3], $0xF7A  }
0x26: {  	[smem:$0x3F9C] =	sst s1;
	(tag) =	ssettag s2;
	_ =	strace s9  }
0x27: {  	s1 =	sld [smem:$0x3FAC]  }
0x28: {  	s2 =	sld [smem:$0x3FAD]  }
0x29: {  	s4 =	sld [smem:$0x3FAF]  }
0x2a: {  	p0 =	seq.s32 s5, $0x0;
	s5 =	sld [smem:$0x3FB0]  }
0x2b: {  	s6 =	sld [smem:$0x3FB1]  }
0x2c: {  	s7 =	sld [smem:$0x3FB2]  }
0x2d: {  	s3 =	simm.s32 $0x108;
	s8 =	sld [smem:$0x3FB3]  }
0x2e: {  	s3 =	simm.s32 @!p0 $0x1082;
	s9 =	sld [smem:$0x3FB4]  }
0x2f: {  	lr =	sadd.s32 s0, s3;
	s0 =	sld [smem:$0x3FAB]  }
0x30: {  	s3 =	sld [smem:$0x3FAE]  }
0x31: {  	[smem:$0x3FB7] =	sst s10  }
0x32: {  	s10 =	sld [smem:$0x3FB5];
	_ =	sdelay $0x3  }
0x33: {  	p0 =	seq.s32 s10, $0x1;
	s10 =	sld [smem:$0x3FB7];
	_ =	sdelay $0x3  }
0x34: {  	[smem:$0x3FB7] =	sst s10  }
0x35: {  	s10 =	sld [smem:$0x3FB6];
	_ =	sdelay $0x3  }
0x36: {  	p1 =	seq.s32 s10, $0x1;
	s10 =	sld [smem:$0x3FB7];
	_ =	sdelay $0x3  }
0x37: {  	[smem:$0x3FB7] =	sst s10  }
0x38: {  	s10 =	sld [smem:$0x3FB8]  }
0x39: {  	_ = 	snop;
	(pc) =	sbr.ind lr, $3  }
0x3a: {  	_ = 	snop  }
0x3b: {  	_ = 	snop  }
0x3c: {  	p2 =	seq.s32 s10, $0x1;
	s10 =	sld [smem:$0x3FB7]  }
0x3d: {  	_ =	shalt  }
0x3e: {  	_ =	shalt  }
0x3f: {  	_ =	shalt  }
0x40: {  	_ =	shalt  }
0x41: {  	_ =	shalt  }
0x42: {  	_ =	shalt  }
0x43: {  	_ =	shalt  }
0x44: {  	_ =	shalt  }
0x45: {  	_ =	shalt  }
0x46: {  	_ =	shalt  }
0x47: {  	_ =	shalt  }
0x48: {  	_ =	shalt  }
0x49: {  	_ =	shalt  }
0x4a: {  	_ =	shalt  }
0x4b: {  	_ =	shalt  }
0x4c: {  	_ =	shalt  }
0x4d: {  	_ =	shalt  }
0x4e: {  	_ =	shalt  }
0x4f: {  	_ =	shalt  }
0x50: {  	_ =	shalt  }
0x51: {  	_ =	shalt  }
0x52: {  	_ =	shalt  }
0x53: {  	_ =	shalt  }
0x54: {  	_ =	shalt  }
0x55: {  	_ =	shalt  }
0x56: {  	_ =	shalt  }
0x57: {  	_ =	shalt  }
0x58: {  	_ =	shalt  }
0x59: {  	_ =	shalt  }
0x5a: {  	_ =	shalt  }
0x5b: {  	_ =	shalt  }
0x5c: {  	_ =	shalt  }
0x5d: {  	_ =	shalt  }
0x5e: {  	_ =	shalt  }
0x5f: {  	_ =	shalt  }
0x60: {  	_ =	shalt  }
0x61: {  	_ =	shalt  }
0x62: {  	_ =	shalt  }
0x63: {  	_ =	shalt  }
0x64: {  	_ =	shalt  }
0x65: {  	_ =	shalt  }
0x66: {  	_ =	shalt  }
0x67: {  	_ =	shalt  }
0x68: {  	_ =	shalt  }
0x69: {  	_ =	shalt  }
0x6a: {  	_ =	shalt  }
0x6b: {  	_ =	shalt  }
0x6c: {  	_ =	shalt  }
0x6d: {  	_ =	shalt  }
0x6e: {  	_ =	shalt  }
0x6f: {  	_ =	shalt  }
0x70: {  	_ =	shalt  }
0x71: {  	_ =	shalt  }
0x72: {  	_ =	shalt  }
0x73: {  	_ =	shalt  }
0x74: {  	_ =	shalt  }
0x75: {  	_ =	shalt  }
0x76: {  	_ =	shalt  }
0x77: {  	_ =	shalt  }
0x78: {  	_ =	shalt  }
0x79: {  	_ =	shalt  }
0x7a: {  	_ =	shalt  }
0x7b: {  	_ =	shalt  }
0x7c: {  	_ =	shalt  }
0x7d: {  	_ =	shalt  }
0x7e: {  	_ =	shalt  }
0x7f: {  	_ =	shalt  }
0x80: {  	_ =	shalt  }
0x81: {  	_ =	shalt  }
0x82: {  	_ =	shalt  }
0x83: {  	_ =	shalt  }
0x84: {  	_ =	shalt  }
0x85: {  	_ =	shalt  }
0x86: {  	_ =	shalt  }
0x87: {  	_ =	shalt  }
.Lfunc_end0:
.L_simem_size_0:
called_computation_lowered:
.L_overlay_start_0:
0x88: {  	s2 =	sld [smem:$0x3FD9]  }
0x89: {  	s3 =	sld [smem:$0x3FFE];
	_ =	sdelay $0x1  }
0x8a: {  	s1 =	srdreg.scid  }
0x8b: {  	s0 =	sand.u32 $0x1, s1  }
0x8c: {  	s15 =	sshll.u32 s0, $0xA;
	s2 =	sadd.s32 s3, s2  }
0x8d: {  	s2 =	sadd.s32 s2, s15  }
0x8e: {  	[smem:$0x3FC3] =	sst s2  }
0x8f: {  	_ = 	snop  }
0x90: {  	s2 =	sld [smem:$0x3FC9]  }
0x91: {  	s16 =	sld [smem:$0x3FC8]  }
0x92: {  	s4 =	sld [smem:$0x3FD0]  }
0x93: {  	s5 =	sld [smem:$0x3FC7]  }
0x94: {  	s6 =	sld [smem:$0x3FC6]  }
0x95: {  	s8 =	simm.s32 $0xA;
	s9 =	simm.s32 $0x10;
	s7 =	sld [smem:$0x3FC5]  }
0x96: {  	[smem:s9], [sflag:s8] =	dma.local [hbm:s4], $0x1  }
0x97: {  	_ =	swait.eq [sflag:s8], $0x1  }
0x98: {  	s17 =	sld [smem:$0x10]  }
0x99: {  	s18 =	sld [smem:$0x11];
	[sflag:s8] =	ssyncset.done $0x0  }
0x9a: {  	s10 =	sld [smem:$0x12];
	[sflag:s8] =	ssyncadd.s32 $0xFFFFFFFF  }
0x9b: {  	s19 =	sld [smem:$0x13];
	(tm) =	ssettm $0x1  }
0x9c: {  	s11 =	sld [smem:$0x3FFB];
	_ =	sdelay $0x3  }
0x9d: {  	_ =	strace s11  }
0x9e: {  	s11 =	sld [smem:$0x3FFC];
	_ =	sdelay $0x3  }
0x9f: {  	_ =	strace s11  }
0xa0: {  	s11 =	sld [smem:$0x3FFD];
	_ =	sdelay $0x3  }
0xa1: {  	_ =	strace s11  }
0xa2: {  	_ =	strace $0x8FFFFFFF  }
0xa3: {  	s20 =	sld [smem:$0x3FDB];
	_ =	sdelay $0x1  }
0xa4: {  	s12 =	simm.s32 $_scs_section_size  }
0xa5: {  	s13 =	simm.s32 $_size__tile_overlayer_lowered;
	s14 =	simm.s32 $_tile_overlayer_lowered  }
0xa6: {  	s23 =	simm.s32 $0x1BFF;
	s22 =	sshll.u32 s14, $0x1;
	s11 =	sadd.s32 s12, s20  }
0xa7: {  	s21 =	sshll.u32 s13, $0x1;
	s15 =	simm.s32 $0x0;
	s13 =	sadd.s32 s22, s11  }
0xa8: {  	[timem:s15], [sflag:s23] =	dma.local [hbm:s13], s21  }
0xa9: {  	_ =	swait.ge [sflag:s23], s21  }
0xaa: {  	s12 =	ssub.s32 $0x0, s21;
	[sflag:s23] =	ssyncset.done $0x0  }
0xab: {  	[sflag:s23] =	ssyncadd.s32 s12;
	_ =	sdelay $0x1  }
0xac: {  	s24 =	simm.s32 $0x1B8B  }
0xad: {  	_ =	swait.ge [sflag:s24], $0x1  }
0xae: {  	[sflag:s24] =	ssyncset.done $0x0  }
0xaf: {  	s25 =	simm.s32 $0x1B8E;
	[sflag:s24] =	ssyncadd.s32 $0xFFFFFFFF  }
0xb0: {  	s26 =	simm.s32 $execute0_lowered;
	[smem:$0x3FD2] =	sst s25  }
0xb1: {  	s12 =	sshll.u32 s26, $0x1;
	_ =	strace $0x80000046;
	[dreg:$0x1] =	wrdreg $0xFFFFFFFF  }
0xb2: {  	s28 =	simm.s32 $_size_execute0_lowered;
	s11 =	sadd.s32 s11, s12;
	[dreg:$0x0] =	wrdreg $0x0  }
0xb3: {  	s12 =	sshll.u32 s28, $0x1;
	[dreg:$0x2] =	wrdreg s11  }
0xb4: {  	[dreg:$0x3] =	wrdreg s12  }
0xb5: {  	[dreg:$0x4] =	wrdreg $0xC0  }
0xb6: {  	_ =	task [dreg:s15], $0x5FFFF  }
0xb7: {  	[dreg:$0x1] =	wrdreg $0xFFFFFFFF  }
0xb8: {  	[dreg:$0x0] =	wrdreg $0x60  }
0xb9: {  	[dreg:$0x2] =	wrdreg s2  }
0xba: {  	[dreg:$0x3] =	wrdreg s16  }
0xbb: {  	[dreg:$0x4] =	wrdreg s5  }
0xbc: {  	[dreg:$0x5] =	wrdreg s6  }
0xbd: {  	[dreg:$0x6] =	wrdreg s7  }
0xbe: {  	[dreg:$0x7] =	wrdreg s17  }
0xbf: {  	[dreg:$0x8] =	wrdreg s18  }
0xc0: {  	[dreg:$0x9] =	wrdreg s10  }
0xc1: {  	[dreg:$0xa] =	wrdreg s19  }
0xc2: {  	[dreg:$0xb] =	wrdreg $0x8C000  }
0xc3: {  	[dreg:$0xc] =	wrdreg $0x9  }
0xc4: {  	_ =	task.clear_ibuf [dreg:s15], $0xDFFFF;
	_ =	strace $0x90000046  }
0xc5: {  	s29 =	simm.s32 $0x9;
	_ =	strace $0x80000048  }
0xc6: {  	_ =	swait.ge [sflag:s29], $0x1  }
0xc7: {  	[sflag:s29] =	ssyncadd.s32 $0xFFFFFFFF  }
0xc8: {  	_ =	strace $0x90000048  }
0xc9: {  	_ =	sfence  }
0xca: {  	s30 =	sld [smem:$0x0];
	_ =	sdelay $0x2  }
0xcb: {  	s31 =	sshll.u32 s1, $0xD;
	s1 =	sshrl.u32 s1, $0x2  }
0xcc: {  	s3 =	sand.u32 $0x4000, s31;
	s1 =	sadd.s32 s1, s30  }
0xcd: {  	s0 =	sor.u32 s3, s0;
	s1 =	sshll.u32 s1, $0x11  }
0xce: {  	s0 =	sor.u32 s1, s0  }
0xcf: {  	s0 =	sadd.s32 $0x8F2B, s0  }
0xd0: {  	[sflag:s0] =	ssyncadd.remote.s32 $0x1  }
0xd1: {  	_ =	sfence.sel $0xFFFF  }
0xd2: {  	[dreg:$0x0] =	wrdreg $0xFFFFFFFF;
	(pc) =	sbr.abs _section_cstart, $3  }
0xd3: {  	[dreg:$0x1] =	wrdreg $0xFFFFFFFF  }
0xd4: {  	_ =	task.clear_ibuf [dreg:s15], $0x2FFFF;
	_ =	strace $0x9FFFFFFF  }
0xd5: {  	(tm) =	ssettm $0x7FFFFFFF  }
tec
execute0_lowered:
.L_overlay_start_1:
0x0: {  	(tag) =	ssettag $0x1  }
0x1: {  	s0 =	rddreg [dreg:$0x0]  }
0x2: {  	s1 =	rddreg [dreg:$0x1]  }
0x3: {  	s2 =	rddreg [dreg:$0x2]  }
0x4: {  	s3 =	rddreg [dreg:$0x3]  }
0x5: {  	s4 =	srdreg.scid;
	s5 =	rddreg [dreg:$0x4]  }
0x6: {  	s14 =	stileid.u32;
	s29 =	rddreg [dreg:$0x9]  }
0x7: {  	s6 =	sand.u32 $0x1, s4;
	s13 =	smul.u32 $0x2800, s14;
	s4 =	simm.s32 $0x0  }
0x8: {  	s7 =	ssub.s32 $0x2, s6;
	[smem:$0x7FF] =	sst s4  }
0x9: {  	[dreg:$0xc] =	wrdreg s13;
	s8 =	sshrl.u32 s7, $0x1;
	s9 =	sshrl.u32 s13, $0x3  }
0xa: {  	s25 =	sor.u32 $0x100, s13;
	s11 =	sor.u32 $0x180, s13;
	s22 =	sadd.s32 s3, s9  }
0xb: {  	s23 =	sor.u32 $0x10, s9;
	s16 =	sadd.s32 s1, s9;
	[dreg:$0xd] =	wrdreg s22  }
0xc: {  	s12 =	sor.u32 $0x200, s13;
	s10 =	sadd.s32 s3, s23;
	[dreg:$0x11] =	wrdreg s16  }
0xd: {  	s13 =	sor.u32 $0x280, s13;
	s24 =	sadd.s32 s5, s23;
	[dreg:$0xf] =	wrdreg s10  }
0xe: {  	s7 =	ssub.s32 s7, s8;
	s26 =	sadd.s32 s1, s23;
	[dreg:$0x10] =	wrdreg s24  }
0xf: {  	s18 =	sshrl.u32 s11, $0x3;
	s8 =	sadd.s32 s2, s23;
	[dreg:$0x13] =	wrdreg s26  }
0x10: {  	s19 =	sshrl.u32 s12, $0x3;
	s11 =	sadd.s32 s5, s18;
	[dreg:$0x14] =	wrdreg s8  }
0x11: {  	s15 =	sadd.s32 s5, s9;
	s20 =	sadd.s32 s5, s19;
	[dreg:$0x16] =	wrdreg s11  }
0x12: {  	s21 =	sshrl.u32 s13, $0x3;
	s22 =	sadd.s32 s2, s18;
	[dreg:$0x17] =	wrdreg s20  }
0x13: {  	s16 =	sadd.s32 s2, s9;
	[dreg:$0x19] =	wrdreg s22;
	s24 =	sadd.s32 s2, s19  }
0x14: {  	s10 =	sshrl.u32 s25, $0x3;
	s25 =	sadd.s32 s5, s21;
	[dreg:$0x1a] =	wrdreg s24  }
0x15: {  	s23 =	smul.u32 $0x500, s14;
	s26 =	sadd.s32 s2, s21;
	[dreg:$0x1b] =	wrdreg s25  }
0x16: {  	s9 =	smul.u32 $0x280, s14;
	s17 =	sadd.s32 s5, s10;
	[dreg:$0x1c] =	wrdreg s26  }
0x17: {  	s8 =	sadd.s32 s2, s10;
	s10 =	smul.u32 $0x50000, s14;
	[dreg:$0x15] =	wrdreg s17  }
0x18: {  	s1 =	sadd.s32 s23, s1;
	s12 =	sadd.s32 $0x80, s9;
	[dreg:$0x18] =	wrdreg s8  }
0x19: {  	s14 =	sadd.s32 $0x100, s9;
	[dreg:$0x1d] =	wrdreg s1;
	s17 =	sshll.u32 s12, $0x4  }
0x1a: {  	s21 =	sshll.u32 s14, $0x4;
	_ =	strace $0x80000047;
	[smem:$0x7CC] =	sst s17  }
0x1b: {  	s22 =	sadd.s32 s23, s5;
	s5 =	smax.u32 s7, $0x1;
	[smem:$0x7CE] =	sst s21  }
0x1c: {  	[smem:$0x7D3] =	sst s5  }
0x1d: {  	p0 =	sne.s32 s6, $0x0;
	s6 =	sadd.s32 $0x10, s15;
	[dreg:$0xe] =	wrdreg s15  }
0x1e: {  	[smem:$0x7D4] =	sst s6  }
0x1f: {  	s7 =	sadd.s32 $0x10, s16;
	[dreg:$0x12] =	wrdreg s16  }
0x20: {  	s31 =	sadd.s32 s23, s3;
	[smem:$0x7D5] =	sst s7  }
0x21: {  	s28 =	sadd.s32 s23, s2;
	s19 =	sadd.s32 $0x180, s9;
	[dreg:$0xb] =	wrdreg s31  }
0x22: {  	s20 =	sadd.s32 $0x200, s9;
	s13 =	sshll.u32 s12, $0x7;
	[dreg:$0x1e] =	wrdreg s22  }
0x23: {  	s23 =	sshll.u32 s19, $0x7;
	s1 =	sadd.s32 s13, s29;
	[smem:$0x7FD] =	sst s28  }
0x24: {  	s24 =	sshll.u32 s20, $0x7;
	s3 =	sadd.s32 s23, s29;
	[smem:$0x7CB] =	sst s1  }
0x25: {  	s18 =	sshll.u32 s14, $0x7;
	s26 =	sadd.s32 s24, s29;
	[smem:$0x7CF] =	sst s3  }
0x26: {  	s1 =	sadd.s32 s18, s29;
	[smem:$0x7D1] =	sst s26  }
0x27: {  	s11 =	sshrl.u32 s10, $0x2;
	s3 =	sshll.u32 s20, $0x4;
	[smem:$0x7CD] =	sst s1  }
0x28: {  	s25 =	sadd.s32 s11, s29;
	[smem:$0x7D2] =	sst s3  }
0x29: {  	s1 =	sshll.u32 s19, $0x4;
	[dreg:$0x1f] =	wrdreg s25  }
0x2a: {  	s8 =	sadd.s32 $0x800, s25;
	[smem:$0x7D0] =	sst s1  }
0x2b: {  	s9 =	sadd.s32 $0x1000, s25;
	[smem:$0x7D6] =	sst s8  }
0x2c: {  	s10 =	sadd.s32 $0x1800, s25;
	[smem:$0x7D7] =	sst s9  }
0x2d: {  	s11 =	sadd.s32 $0x2000, s25;
	[smem:$0x7D8] =	sst s10  }
0x2e: {  	s12 =	sadd.s32 $0x2800, s25;
	[smem:$0x7D9] =	sst s11  }
0x2f: {  	s13 =	sadd.s32 $0x3000, s25;
	[smem:$0x7DA] =	sst s12  }
0x30: {  	s14 =	sadd.s32 $0x3800, s25;
	[smem:$0x7DB] =	sst s13  }
0x31: {  	s15 =	sadd.s32 $0x4000, s25;
	[smem:$0x7DC] =	sst s14  }
0x32: {  	s16 =	sadd.s32 $0x4800, s25;
	[smem:$0x7DD] =	sst s15  }
0x33: {  	s17 =	sadd.s32 $0x5000, s25;
	[smem:$0x7DE] =	sst s16  }
0x34: {  	s18 =	sadd.s32 $0x5800, s25;
	[smem:$0x7DF] =	sst s17  }
0x35: {  	s19 =	sadd.s32 $0x6000, s25;
	[smem:$0x7E0] =	sst s18  }
0x36: {  	s20 =	sadd.s32 $0x6800, s25;
	[smem:$0x7E1] =	sst s19  }
0x37: {  	s21 =	sadd.s32 $0x7000, s25;
	[smem:$0x7E2] =	sst s20  }
0x38: {  	s23 =	sadd.s32 $0x7800, s25;
	[smem:$0x7E3] =	sst s21  }
0x39: {  	s24 =	sadd.s32 $0x8000, s25;
	[smem:$0x7E4] =	sst s23  }
0x3a: {  	s26 =	sadd.s32 $0x8800, s25;
	[smem:$0x7E5] =	sst s24  }
0x3b: {  	s2 =	sadd.s32 $0x9000, s25;
	[smem:$0x7E6] =	sst s26  }
0x3c: {  	s3 =	sadd.s32 $0x9800, s25;
	[smem:$0x7E7] =	sst s2  }
0x3d: {  	s5 =	sadd.s32 $0xA000, s25;
	[smem:$0x7E8] =	sst s3  }
0x3e: {  	s6 =	sadd.s32 $0xA800, s25;
	[smem:$0x7E9] =	sst s5  }
0x3f: {  	s7 =	sadd.s32 $0xB000, s25;
	[smem:$0x7EA] =	sst s6  }
0x40: {  	[smem:$0x7EB] =	sst s7;
	s8 =	sadd.s32 $0xB800, s25  }
0x41: {  	s9 =	sadd.s32 $0xC000, s25;
	[smem:$0x7EC] =	sst s8  }
0x42: {  	s10 =	sadd.s32 $0xC800, s25;
	[smem:$0x7ED] =	sst s9  }
0x43: {  	s11 =	sadd.s32 $0xD000, s25;
	[smem:$0x7EE] =	sst s10  }
0x44: {  	s12 =	sadd.s32 $0xD800, s25;
	[smem:$0x7EF] =	sst s11  }
0x45: {  	s13 =	sadd.s32 $0xE000, s25;
	[smem:$0x7F0] =	sst s12  }
0x46: {  	s14 =	sadd.s32 $0xE800, s25;
	[smem:$0x7F1] =	sst s13  }
0x47: {  	s15 =	sadd.s32 $0xF000, s25;
	[smem:$0x7F2] =	sst s14  }
0x48: {  	s16 =	sadd.s32 $0xF800, s25;
	[smem:$0x7F3] =	sst s15  }
0x49: {  	s17 =	sadd.s32 $0x10000, s25;
	[smem:$0x7F4] =	sst s16  }
0x4a: {  	s18 =	sadd.s32 $0x10800, s25;
	[smem:$0x7F5] =	sst s17  }
0x4b: {  	s19 =	sadd.s32 $0x11000, s25;
	[smem:$0x7F6] =	sst s18  }
0x4c: {  	s30 =	simm.s32 $0x1C0;
	s20 =	sadd.s32 $0x11800, s25;
	[smem:$0x7F7] =	sst s19  }
0x4d: {  	s21 =	sadd.s32 $0x12000, s25;
	s23 =	sadd.s32 $0x12800, s25;
	[smem:$0x7F8] =	sst s20  }
0x4e: {  	s24 =	sadd.s32 $0x13000, s25;
	s26 =	sadd.s32 $0x13800, s25;
	[smem:$0x7F9] =	sst s21  }
0x4f: {  	s5 =	simm.s32 $0x80;
	s6 =	simm.s32 $0x5;
	[smem:$0x7FA] =	sst s23  }
0x50: {  	s2 =	simm.s32 $0x6;
	s1 =	simm.s32 $0x8;
	[smem:$0x7FB] =	sst s24  }
0x51: {  	s3 =	simm.s32 $0x4;
	[smem:$0x7FC] =	sst s26;
	s23 =	simm.s32 $0x1  }
.Ltmp0:
0x52: {  	s12 =	simm.s32 $0x40;
	s13 =	simm.s32 $0x400;
	(pc) =	sbr.rel .LBB2_1-.Ltmp0, $4  }
0x53: {  	s14 =	simm.s32 $0x2400;
	s15 =	simm.s32 $0x100;
	s16 =	simm.s32 $0x300  }
0x54: {  	s17 =	simm.s32 $0x2;
	s18 =	simm.s32 $0x4400;
	s24 =	simm.s32 $0xC0  }
0x55: {  	s21 =	simm.s32 $0x6400;
	s9 =	simm.s32 $0x180;
	s26 =	simm.s32 $0x380  }
0x56: {  	v0 =	vimm.f32 $0.0e+00;
	v1 =	vimm.f32 $1.000000000e+00;
	s10 =	simm.s32 $0x7;
	s8 =	simm.s32 $0x3;
	s11 =	simm.s32 $0x0  }
.LBB2_23:
0x57: {  	s19 =	rddreg [dreg:$0x8]  }
0x58: {  	s11 =	sld [smem:$0x7CA]  }
.LBB2_24:
0x59: {  	_ =	swait.ge [sflag:s1], $0x4000  }
0x5a: {  	[sflag:s1] =	ssyncset.done $0x0  }
0x5b: {  	[sflag:s1] =	ssyncadd.s32 $0xFFFFC000  }
0x5c: {  	_ =	swait.ge [sflag:s3], $0x80  }
0x5d: {  	[sflag:s3] =	ssyncset.done $0x0  }
0x5e: {  	s26 =	simm.s32 $0x380;
	[sflag:s3] =	ssyncadd.s32 $0xFFFFFF80  }
0x5f: {  	[spmem:s29] =	stream.indirect.scatter.add.f32 [tilespmem:s18], [sflag:$0x8], $0x80, s26, s5, $0xb8;
	[tilespmem:$0x1CC00] =	vst v63  }
0x60: {  	_ =	swait.ge [sflag:s10], $0x4000  }
0x61: {  	[sflag:s10] =	ssyncset.done $0x0  }
0x62: {  	[sflag:s10] =	ssyncadd.s32 $0xFFFFC000  }
0x63: {  	_ =	swait.ge [sflag:s1], $0x4000  }
0x64: {  	[sflag:s1] =	ssyncset.done $0x0  }
0x65: {  	[sflag:s1] =	ssyncadd.s32 $0xFFFFC000  }
0x66: {  	s20 =	simm.s32 $0x9;
	[bflag:$0x0] =	sbarrier.arrive $0xFFFF  }
0x67: {  	[tilespmem:s13], [sflag:$0x9] =	stream.linear.gather [spmem:s25], $0x4000, $0x38;
	[tilespmem:$0x1CC00] =	vst v63  }
0x68: {  	_ =	swait.ge [sflag:s20], $0x4000  }
0x69: {  	[sflag:s20] =	ssyncset.done $0x0;
	s7 =	rddreg [dreg:$0xc]  }
0x6a: {  	s24 =	sld [smem:$0x7CB];
	s7 =	sadd.s32 s19, s7;
	[sflag:s20] =	ssyncadd.s32 $0xFFFFC000  }
0x6b: {  	[hbm4b:s7+s4] =	stream.linear.scatter [tilespmem:s13], [sflag:$0x5], $0x4000, $0x38;
	[tilespmem:$0x1CC00] =	vst v63  }
0x6c: {  	_ = 	snop  }
0x6d: {  	[tilespmem:s18], [sflag:$0x9] =	stream.linear.gather [spmem:s24], $0x4000, $0x38;
	[tilespmem:$0x1CC00] =	vst v63  }
0x6e: {  	_ =	swait.ge [sflag:s20], $0x4000  }
0x6f: {  	s24 =	sld [smem:$0x7CC];
	_ =	sdelay $0x1  }
0x70: {  	[sflag:s20] =	ssyncset.done $0x0  }
0x71: {  	[sflag:s20] =	ssyncadd.s32 $0xFFFFC000;
	s7 =	sadd.s32 s19, s24  }
0x72: {  	[hbm4b:s7+s4] =	stream.linear.scatter [tilespmem:s18], [sflag:$0x6], $0x4000, $0x38;
	[tilespmem:$0x1CC00] =	vst v63  }
0x73: {  	_ =	swait.ge [sflag:s6], $0x4000  }
0x74: {  	s24 =	sld [smem:$0x7CD]  }
0x75: {  	[sflag:s6] =	ssyncset.done $0x0  }
0x76: {  	[sflag:s6] =	ssyncadd.s32 $0xFFFFC000  }
0x77: {  	[tilespmem:s13], [sflag:$0x9] =	stream.linear.gather [spmem:s24], $0x4000, $0x38;
	[tilespmem:$0x1CC00] =	vst v63  }
0x78: {  	_ =	swait.ge [sflag:s20], $0x4000  }
0x79: {  	s24 =	sld [smem:$0x7CE];
	_ =	sdelay $0x1  }
0x7a: {  	[sflag:s20] =	ssyncset.done $0x0  }
0x7b: {  	[sflag:s20] =	ssyncadd.s32 $0xFFFFC000;
	s7 =	sadd.s32 s19, s24  }
0x7c: {  	[hbm4b:s7+s4] =	stream.linear.scatter [tilespmem:s13], [sflag:$0x5], $0x4000, $0x38;
	[tilespmem:$0x1CC00] =	vst v63  }
0x7d: {  	_ =	swait.ge [sflag:s2], $0x4000  }
0x7e: {  	s24 =	sld [smem:$0x7CF]  }
0x7f: {  	[sflag:s2] =	ssyncset.done $0x0  }
0x80: {  	[sflag:s2] =	ssyncadd.s32 $0xFFFFC000  }
0x81: {  	[tilespmem:s18], [sflag:$0x9] =	stream.linear.gather [spmem:s24], $0x4000, $0x38;
	[tilespmem:$0x1CC00] =	vst v63  }
0x82: {  	_ =	swait.ge [sflag:s20], $0x4000  }
0x83: {  	s24 =	sld [smem:$0x7D0];
	_ =	sdelay $0x1  }
0x84: {  	[sflag:s20] =	ssyncset.done $0x0  }
0x85: {  	[sflag:s20] =	ssyncadd.s32 $0xFFFFC000;
	s7 =	sadd.s32 s19, s24  }
0x86: {  	[hbm4b:s7+s4] =	stream.linear.scatter [tilespmem:s18], [sflag:$0x6], $0x4000, $0x38;
	[tilespmem:$0x1CC00] =	vst v63  }
0x87: {  	_ =	swait.ge [sflag:s6], $0x4000  }
0x88: {  	s24 =	sld [smem:$0x7D1]  }
0x89: {  	[sflag:s6] =	ssyncset.done $0x0  }
0x8a: {  	[sflag:s6] =	ssyncadd.s32 $0xFFFFC000  }
0x8b: {  	[tilespmem:s13], [sflag:$0x9] =	stream.linear.gather [spmem:s24], $0x4000, $0x38;
	[tilespmem:$0x1CC00] =	vst v63  }
0x8c: {  	_ =	swait.ge [sflag:s20], $0x4000  }
0x8d: {  	s24 =	sld [smem:$0x7D2];
	_ =	sdelay $0x1  }
0x8e: {  	[sflag:s20] =	ssyncset.done $0x0  }
0x8f: {  	[sflag:s20] =	ssyncadd.s32 $0xFFFFC000;
	s7 =	sadd.s32 s19, s24  }
0x90: {  	[hbm4b:s7+s4] =	stream.linear.scatter [tilespmem:s13], [sflag:$0x5], $0x4000, $0x38;
	[tilespmem:$0x1CC00] =	vst v63  }
0x91: {  	_ =	swait.ge [sflag:s2], $0x4000  }
0x92: {  	[sflag:s2] =	ssyncset.done $0x0  }
0x93: {  	[sflag:s2] =	ssyncadd.s32 $0xFFFFC000  }
0x94: {  	_ =	swait.ge [sflag:s6], $0x4000  }
0x95: {  	s24 =	sld [smem:$0x7D3];
	_ =	sdelay $0x1  }
0x96: {  	s11 =	sadd.s32 $0x1, s11  }
0x97: {  	p1 =	sne.s32 s11, s24  }
.Ltmp1:
0x98: {  	_ = 	snop;
	(pc) =	sbr.rel @!p1 .LBB2_25-.Ltmp1, $3  }
0x99: {  	_ =	sdelay $0x1  }
0x9a: {  	[sflag:s6] =	ssyncset.done $0x0  }
0x9b: {  	s30 =	simm.s32 $0x1C0;
	[sflag:s6] =	ssyncadd.s32 $0xFFFFC000;
	s24 =	simm.s32 $0xC0  }
.LBB2_1:
0x9c: {  	[smem:$0x7CA] =	sst s11;
	s19 =	simm.s32 $0x0;
	s20 =	simm.s32 $0x200  }
.LBB2_2:
0x9d: {  	p1 =	sne.s32 s20, $0x1E00;
	[tilespmem:s19+$0x8470] =	vst v0  }
0x9e: {  	[tilespmem:s19+$0x8400] =	vst v0  }
0x9f: {  	[tilespmem:s19+$0x8410] =	vst v0  }
.Ltmp2:
0xa0: {  	[tilespmem:s19+$0x8420] =	vst v0;
	(pc) =	sbr.rel @p1 .LBB2_2-.Ltmp2, $4  }
0xa1: {  	[tilespmem:s19+$0x8430] =	vst v0  }
0xa2: {  	[tilespmem:s19+$0x8440] =	vst v0  }
0xa3: {  	[tilespmem:s19+$0x8450] =	vst v0  }
0xa4: {  	[tilespmem:s19+$0x8460] =	vst v0;
	s19 =	sshra.s32 s20, $0x2;
	s20 =	sadd.s32 $0x200, s20  }
0xa5: {  	[tilespmem:s19+$0x8470] =	vst v0  }
0xa6: {  	[tilespmem:s19+$0x8400] =	vst v0  }
0xa7: {  	[tilespmem:s19+$0x8410] =	vst v0  }
0xa8: {  	[tilespmem:s19+$0x8420] =	vst v0  }
0xa9: {  	[tilespmem:s19+$0x8430] =	vst v0  }
0xaa: {  	[tilespmem:s19+$0x8440] =	vst v0  }
0xab: {  	[tilespmem:s19+$0x8450] =	vst v0  }
0xac: {  	[tilespmem:s19+$0x8460] =	vst v0;
	s11 =	simm.s32 $0x8400;
	s7 =	sld [smem:$0x7D6]  }
0xad: {  	[spmem:s25] =	stream.linear.scatter [tilespmem:s11], [sflag:$0x1], $0x800, $0x38;
	[tilespmem:$0x1CC00] =	vst v63  }
0xae: {  	s20 =	sld [smem:$0x7D7]  }
0xaf: {  	[spmem:s7] =	stream.linear.scatter [tilespmem:s11], [sflag:$0x1], $0x800, $0x38;
	[tilespmem:$0x1CC00] =	vst v63  }
0xb0: {  	s25 =	sld [smem:$0x7D8]  }
0xb1: {  	[spmem:s20] =	stream.linear.scatter [tilespmem:s11], [sflag:$0x1], $0x800, $0x38;
	[tilespmem:$0x1CC00] =	vst v63  }
0xb2: {  	s19 =	sld [smem:$0x7D9]  }
0xb3: {  	[spmem:s25] =	stream.linear.scatter [tilespmem:s11], [sflag:$0x1], $0x800, $0x38;
	[tilespmem:$0x1CC00] =	vst v63  }
0xb4: {  	s20 =	sld [smem:$0x7DA]  }
0xb5: {  	[spmem:s19] =	stream.linear.scatter [tilespmem:s11], [sflag:$0x1], $0x800, $0x38;
	[tilespmem:$0x1CC00] =	vst v63  }
0xb6: {  	s25 =	sld [smem:$0x7DB]  }
0xb7: {  	[spmem:s20] =	stream.linear.scatter [tilespmem:s11], [sflag:$0x1], $0x800, $0x38;
	[tilespmem:$0x1CC00] =	vst v63  }
0xb8: {  	s19 =	sld [smem:$0x7DC]  }
0xb9: {  	[spmem:s25] =	stream.linear.scatter [tilespmem:s11], [sflag:$0x1], $0x800, $0x38;
	[tilespmem:$0x1CC00] =	vst v63  }
0xba: {  	s20 =	sld [smem:$0x7DD]  }
0xbb: {  	[spmem:s19] =	stream.linear.scatter [tilespmem:s11], [sflag:$0x1], $0x800, $0x38;
	[tilespmem:$0x1CC00] =	vst v63  }
0xbc: {  	s25 =	sld [smem:$0x7DE]  }
0xbd: {  	[spmem:s20] =	stream.linear.scatter [tilespmem:s11], [sflag:$0x1], $0x800, $0x38;
	[tilespmem:$0x1CC00] =	vst v63  }
0xbe: {  	s19 =	sld [smem:$0x7DF]  }
0xbf: {  	[spmem:s25] =	stream.linear.scatter [tilespmem:s11], [sflag:$0x1], $0x800, $0x38;
	[tilespmem:$0x1CC00] =	vst v63  }
0xc0: {  	s20 =	sld [smem:$0x7E0]  }
0xc1: {  	[spmem:s19] =	stream.linear.scatter [tilespmem:s11], [sflag:$0x1], $0x800, $0x38;
	[tilespmem:$0x1CC00] =	vst v63  }
0xc2: {  	s25 =	sld [smem:$0x7E1]  }
0xc3: {  	[spmem:s20] =	stream.linear.scatter [tilespmem:s11], [sflag:$0x1], $0x800, $0x38;
	[tilespmem:$0x1CC00] =	vst v63  }
0xc4: {  	s19 =	sld [smem:$0x7E2]  }
0xc5: {  	[spmem:s25] =	stream.linear.scatter [tilespmem:s11], [sflag:$0x1], $0x800, $0x38;
	[tilespmem:$0x1CC00] =	vst v63  }
0xc6: {  	s20 =	sld [smem:$0x7E3]  }
0xc7: {  	[spmem:s19] =	stream.linear.scatter [tilespmem:s11], [sflag:$0x1], $0x800, $0x38;
	[tilespmem:$0x1CC00] =	vst v63  }
0xc8: {  	s25 =	sld [smem:$0x7E4]  }
0xc9: {  	[spmem:s20] =	stream.linear.scatter [tilespmem:s11], [sflag:$0x1], $0x800, $0x38;
	[tilespmem:$0x1CC00] =	vst v63  }
0xca: {  	s19 =	sld [smem:$0x7E5]  }
0xcb: {  	[spmem:s25] =	stream.linear.scatter [tilespmem:s11], [sflag:$0x1], $0x800, $0x38;
	[tilespmem:$0x1CC00] =	vst v63  }
0xcc: {  	s20 =	sld [smem:$0x7E6]  }
0xcd: {  	[spmem:s19] =	stream.linear.scatter [tilespmem:s11], [sflag:$0x1], $0x800, $0x38;
	[tilespmem:$0x1CC00] =	vst v63  }
0xce: {  	s25 =	sld [smem:$0x7E7]  }
0xcf: {  	[spmem:s20] =	stream.linear.scatter [tilespmem:s11], [sflag:$0x1], $0x800, $0x38;
	[tilespmem:$0x1CC00] =	vst v63  }
0xd0: {  	s19 =	sld [smem:$0x7E8]  }
0xd1: {  	[spmem:s25] =	stream.linear.scatter [tilespmem:s11], [sflag:$0x1], $0x800, $0x38;
	[tilespmem:$0x1CC00] =	vst v63  }
0xd2: {  	s20 =	sld [smem:$0x7E9]  }
0xd3: {  	[spmem:s19] =	stream.linear.scatter [tilespmem:s11], [sflag:$0x1], $0x800, $0x38;
	[tilespmem:$0x1CC00] =	vst v63  }
0xd4: {  	s25 =	sld [smem:$0x7EA]  }
0xd5: {  	[spmem:s20] =	stream.linear.scatter [tilespmem:s11], [sflag:$0x1], $0x800, $0x38;
	[tilespmem:$0x1CC00] =	vst v63  }
0xd6: {  	s19 =	sld [smem:$0x7EB]  }
0xd7: {  	[spmem:s25] =	stream.linear.scatter [tilespmem:s11], [sflag:$0x1], $0x800, $0x38;
	[tilespmem:$0x1CC00] =	vst v63  }
0xd8: {  	s20 =	sld [smem:$0x7EC]  }
0xd9: {  	[spmem:s19] =	stream.linear.scatter [tilespmem:s11], [sflag:$0x1], $0x800, $0x38;
	[tilespmem:$0x1CC00] =	vst v63  }
0xda: {  	s25 =	sld [smem:$0x7ED]  }
0xdb: {  	[spmem:s20] =	stream.linear.scatter [tilespmem:s11], [sflag:$0x1], $0x800, $0x38;
	[tilespmem:$0x1CC00] =	vst v63  }
0xdc: {  	s19 =	sld [smem:$0x7EE]  }
0xdd: {  	[spmem:s25] =	stream.linear.scatter [tilespmem:s11], [sflag:$0x1], $0x800, $0x38;
	[tilespmem:$0x1CC00] =	vst v63  }
0xde: {  	s20 =	sld [smem:$0x7EF]  }
0xdf: {  	[spmem:s19] =	stream.linear.scatter [tilespmem:s11], [sflag:$0x1], $0x800, $0x38;
	[tilespmem:$0x1CC00] =	vst v63  }
0xe0: {  	s25 =	sld [smem:$0x7F0]  }
0xe1: {  	[spmem:s20] =	stream.linear.scatter [tilespmem:s11], [sflag:$0x1], $0x800, $0x38;
	[tilespmem:$0x1CC00] =	vst v63  }
0xe2: {  	s19 =	sld [smem:$0x7F1]  }
0xe3: {  	[spmem:s25] =	stream.linear.scatter [tilespmem:s11], [sflag:$0x1], $0x800, $0x38;
	[tilespmem:$0x1CC00] =	vst v63  }
0xe4: {  	s20 =	sld [smem:$0x7F2]  }
0xe5: {  	[spmem:s19] =	stream.linear.scatter [tilespmem:s11], [sflag:$0x1], $0x800, $0x38;
	[tilespmem:$0x1CC00] =	vst v63  }
0xe6: {  	s25 =	sld [smem:$0x7F3]  }
0xe7: {  	[spmem:s20] =	stream.linear.scatter [tilespmem:s11], [sflag:$0x1], $0x800, $0x38;
	[tilespmem:$0x1CC00] =	vst v63  }
0xe8: {  	s19 =	sld [smem:$0x7F4]  }
0xe9: {  	[spmem:s25] =	stream.linear.scatter [tilespmem:s11], [sflag:$0x1], $0x800, $0x38;
	[tilespmem:$0x1CC00] =	vst v63  }
0xea: {  	s20 =	sld [smem:$0x7F5]  }
0xeb: {  	[spmem:s19] =	stream.linear.scatter [tilespmem:s11], [sflag:$0x1], $0x800, $0x38;
	[tilespmem:$0x1CC00] =	vst v63  }
0xec: {  	s25 =	sld [smem:$0x7F6]  }
0xed: {  	[spmem:s20] =	stream.linear.scatter [tilespmem:s11], [sflag:$0x1], $0x800, $0x38;
	[tilespmem:$0x1CC00] =	vst v63  }
0xee: {  	s19 =	sld [smem:$0x7F7]  }
0xef: {  	[spmem:s25] =	stream.linear.scatter [tilespmem:s11], [sflag:$0x1], $0x800, $0x38;
	[tilespmem:$0x1CC00] =	vst v63  }
0xf0: {  	s20 =	sld [smem:$0x7F8]  }
0xf1: {  	[spmem:s19] =	stream.linear.scatter [tilespmem:s11], [sflag:$0x1], $0x800, $0x38;
	[tilespmem:$0x1CC00] =	vst v63  }
0xf2: {  	s25 =	sld [smem:$0x7F9]  }
0xf3: {  	[spmem:s20] =	stream.linear.scatter [tilespmem:s11], [sflag:$0x1], $0x800, $0x38;
	[tilespmem:$0x1CC00] =	vst v63  }
0xf4: {  	s19 =	sld [smem:$0x7FA]  }
0xf5: {  	[spmem:s25] =	stream.linear.scatter [tilespmem:s11], [sflag:$0x1], $0x800, $0x38;
	[tilespmem:$0x1CC00] =	vst v63  }
0xf6: {  	s20 =	sld [smem:$0x7FB]  }
0xf7: {  	[spmem:s19] =	stream.linear.scatter [tilespmem:s11], [sflag:$0x1], $0x800, $0x38;
	[tilespmem:$0x1CC00] =	vst v63  }
0xf8: {  	s25 =	sld [smem:$0x7FC]  }
0xf9: {  	[spmem:s20] =	stream.linear.scatter [tilespmem:s11], [sflag:$0x1], $0x800, $0x38;
	[tilespmem:$0x1CC00] =	vst v63  }
0xfa: {  	_ = 	snop  }
0xfb: {  	[spmem:s25] =	stream.linear.scatter [tilespmem:s11], [sflag:$0x1], $0x800, $0x38;
	[tilespmem:$0x1CC00] =	vst v63  }
0xfc: {  	_ =	swait.ge [sflag:s23], $0x800  }
0xfd: {  	s19 =	simm.s32 $0x27;
	[sflag:s23] =	ssyncset.done $0x0  }
.LBB2_4:
0xfe: {  	p1 =	sne.s32 s19, $0x1;
	s19 =	sadd.s32 $0xFFFFFFFF, s19;
	[sflag:s23] =	ssyncadd.s32 $0xFFFFF800  }
.Ltmp3:
0xff: {  	(pc) =	sbr.rel @p1 .LBB2_4-.Ltmp3, $3  }
0x100: {  	_ =	sdelay $0x1  }
0x101: {  	_ =	swait.ge [sflag:s23], $0x800  }
0x102: {  	[sflag:s23] =	ssyncset.done $0x0  }
.Ltmp4:
0x103: {  	(pc) =	sbr.rel @p0 .LBB2_9-.Ltmp4, $4  }
0x104: {  	_ = 	snop  }
0x105: {  	[sflag:s23] =	ssyncadd.s32 $0xFFFFF800  }
0x106: {  	[bflag:$0x0] =	sbarrier.arrive $0xFFFF  }
0x107: {  	s20 =	simm.s32 $0x200  }
0x108: {  	s19 =	simm.s32 $0x0;
	s7 =	rddreg [dreg:$0x11]  }
0x109: {  	[tilespmem:s19], [sflag:$0x1] =	stream.linear.gather [hbm4b:s7+s19], $0x80, $0x38;
	[tilespmem:$0x1CC00] =	vst v63  }
0x10a: {  	s25 =	rddreg [dreg:$0x12]  }
0x10b: {  	[tilespmem:s20], [sflag:$0x1] =	stream.linear.gather [hbm4b:s25+s19], $0x80, $0x38;
	[tilespmem:$0x1CC00] =	vst v63  }
0x10c: {  	s26 =	rddreg [dreg:$0x13];
	p1 =	por $0x1, $0x1  }
0x10d: {  	[tilespmem:s5], [sflag:$0x2] =	stream.linear.gather [hbm4b:s26+s19], $0x80, $0x38;
	[tilespmem:$0x1CC00] =	vst v63  }
0x10e: {  	s31 =	rddreg [dreg:$0x14];
	s11 =	simm.s32 $0x280;
	p1 =	por p1, p1  }
0x10f: {  	[tilespmem:s11], [sflag:$0x2] =	stream.linear.gather [hbm4b:s31+s19], $0x80, $0x38;
	[tilespmem:$0x1CC00] =	vst v63  }
0x110: {  	s19 =	simm.s32 @!p1 $0x7  }
0x111: {  	_ =	swait.ge @!p1 [sflag:s19], $0x4000  }
0x112: {  	[sflag:s19] =	ssyncset.done @!p1 $0x0  }
0x113: {  	[sflag:s19] =	ssyncadd.s32 @!p1 $0xFFFFC000  }
0x114: {  	_ =	swait.ge [sflag:s23], $0x80  }
0x115: {  	[sflag:s23] =	ssyncset.done $0x0  }
0x116: {  	[sflag:s23] =	ssyncadd.s32 $0xFFFFFF80  }
0x117: {  	_ =	swait.ge [sflag:s23], $0x80  }
0x118: {  	[sflag:s23] =	ssyncset.done $0x0  }
0x119: {  	s22 =	rddreg [dreg:$0x1d];
	[sflag:s23] =	ssyncadd.s32 $0xFFFFFF80  }
0x11a: {  	[tilespmem:s13], [sflag:$0x5] =	stream.indirect.gather [hbm4b:s0+s12], $0x80, s4, s12, $0xb8;
	[tilespmem:$0x1CC00] =	vst v63  }
0x11b: {  	s31 =	sadd.s32 $0x0, s22  }
0x11c: {  	[tilespmem:s14], [sflag:$0x5] =	stream.indirect.gather [hbm4b:s0+s12], $0x80, s12, s12, $0xb8;
	[tilespmem:$0x1CC00] =	vst v63  }
0x11d: {  	s26 =	sadd.s32 $0x0, s28;
	s19 =	sadd.s32 $0x20, s31  }
0x11e: {  	[tilespmem:s15], [sflag:$0x3] =	stream.linear.gather [hbm4b:s19+s4], $0x80, $0x38;
	[tilespmem:$0x1CC00] =	vst v63  }
0x11f: {  	s20 =	sadd.s32 $0x20, s26;
	s19 =	simm.s32 @!p1 $0x6  }
0x120: {  	[tilespmem:s16], [sflag:$0x3] =	stream.linear.gather [hbm4b:s20+s4], $0x80, $0x38;
	[tilespmem:$0x1CC00] =	vst v63  }
0x121: {  	_ =	swait.ge @!p1 [sflag:s19], $0x2000  }
0x122: {  	[sflag:s19] =	ssyncset.done @!p1 $0x0  }
0x123: {  	[sflag:s19] =	ssyncadd.s32 @!p1 $0xFFFFE000  }
0x124: {  	_ =	swait.ge @!p1 [sflag:s19], $0x2000  }
0x125: {  	s16 =	simm.s32 @!p1 $0x4400;
	[sflag:s19] =	ssyncset.done @!p1 $0x0  }
0x126: {  	s20 =	simm.s32 @!p1 $0x380;
	[sflag:s19] =	ssyncadd.s32 @!p1 $0xFFFFE000;
	s19 =	simm.s32 @!p1 $0x80  }
0x127: {  	[spmem:s29] =	stream.indirect.scatter.add.f32 @!p1 [tilespmem:s16], [sflag:$0x8], $0x80, s20, s19, $0xb8;
	[tilespmem:$0x1CC00] =	vst v63  }
0x128: {  	s19 =	simm.s32 @!p1 $0x8  }
0x129: {  	_ =	swait.ge @!p1 [sflag:s19], $0x4000  }
0x12a: {  	[sflag:s19] =	ssyncset.done @!p1 $0x0  }
0x12b: {  	[sflag:s19] =	ssyncadd.s32 @!p1 $0xFFFFC000  }
0x12c: {  	_ =	swait.ge [sflag:s17], $0x80  }
0x12d: {  	[sflag:s17] =	ssyncset.done $0x0  }
0x12e: {  	[sflag:s17] =	ssyncadd.s32 $0xFFFFFF80  }
0x12f: {  	_ =	swait.ge [sflag:s17], $0x80  }
0x130: {  	[sflag:s17] =	ssyncset.done $0x0  }
0x131: {  	[sflag:s17] =	ssyncadd.s32 $0xFFFFFF80  }
0x132: {  	[tilespmem:s18], [sflag:$0x6] =	stream.indirect.gather [hbm4b:s0+s12], $0x80, s5, s12, $0xb8;
	[tilespmem:$0x1CC00] =	vst v63  }
0x133: {  	_ = 	snop  }
0x134: {  	[tilespmem:s21], [sflag:$0x6] =	stream.indirect.gather [hbm4b:s0+s12], $0x80, s24, s12, $0xb8;
	[tilespmem:$0x1CC00] =	vst v63  }
0x135: {  	s24 =	sadd.s32 $0x30, s31  }
0x136: {  	[tilespmem:s9], [sflag:$0x4] =	stream.linear.gather [hbm4b:s24+s4], $0x80, $0x38;
	[tilespmem:$0x1CC00] =	vst v63  }
0x137: {  	s25 =	simm.s32 $0x380;
	s26 =	sadd.s32 $0x30, s26  }
0x138: {  	[tilespmem:s25], [sflag:$0x4] =	stream.linear.gather [hbm4b:s26+s4], $0x80, $0x38;
	[tilespmem:$0x1CC00] =	vst v63  }
0x139: {  	_ =	swait.ge [sflag:s6], $0x2000  }
0x13a: {  	[sflag:s6] =	ssyncset.done $0x0  }
0x13b: {  	[sflag:s6] =	ssyncadd.s32 $0xFFFFE000  }
0x13c: {  	_ =	swait.ge [sflag:s6], $0x2000  }
0x13d: {  	[sflag:s6] =	ssyncset.done $0x0  }
0x13e: {  	s7 =	simm.s32 $0x200;
	[sflag:s6] =	ssyncadd.s32 $0xFFFFE000  }
0x13f: {  	[spmem:s29] =	stream.indirect.scatter.add.f32 [tilespmem:s13], [sflag:$0x7], $0x80, s7, s5, $0xb8;
	[tilespmem:$0x1CC00] =	vst v63  }
0x140: {  	_ =	swait.ge [sflag:s10], $0x4000  }
0x141: {  	[sflag:s10] =	ssyncset.done $0x0  }
0x142: {  	[sflag:s10] =	ssyncadd.s32 $0xFFFFC000  }
0x143: {  	_ =	swait.ge [sflag:s8], $0x80  }
0x144: {  	[sflag:s8] =	ssyncset.done $0x0  }
0x145: {  	[sflag:s8] =	ssyncadd.s32 $0xFFFFFF80  }
0x146: {  	_ =	swait.ge [sflag:s8], $0x80  }
0x147: {  	[sflag:s8] =	ssyncset.done $0x0  }
0x148: {  	p1 =	por $0x0, $0x0;
	[sflag:s8] =	ssyncadd.s32 $0xFFFFFF80  }
0x149: {  	[tilespmem:s13], [sflag:$0x5] =	stream.indirect.gather [hbm4b:s0+s12], $0x80, s15, s12, $0xb8;
	[tilespmem:$0x1CC00] =	vst v63  }
0x14a: {  	s19 =	sadd.s32 @!p1 $0x0, s22;
	s31 =	simm.s32 $0x140  }
0x14b: {  	[tilespmem:s14], [sflag:$0x5] =	stream.indirect.gather [hbm4b:s0+s12], $0x80, s31, s12, $0xb8;
	[tilespmem:$0x1CC00] =	vst v63  }
0x14c: {  	s20 =	sadd.s32 @!p1 $0x40, s19;
	s7 =	simm.s32 @!p1 $0x0;
	s14 =	sadd.s32 @!p1 $0x0, s28  }
0x14d: {  	[tilespmem:s7], [sflag:$0x1] =	stream.linear.gather @!p1 [hbm4b:s20+s7], $0x80, $0x38;
	[tilespmem:$0x1CC00] =	vst v63  }
0x14e: {  	s26 =	simm.s32 @!p1 $0x200;
	s20 =	sadd.s32 @!p1 $0x40, s14  }
0x14f: {  	[tilespmem:s26], [sflag:$0x1] =	stream.linear.gather @!p1 [hbm4b:s20+s7], $0x80, $0x38;
	[tilespmem:$0x1CC00] =	vst v63  }
0x150: {  	_ =	swait.ge [sflag:s2], $0x2000  }
0x151: {  	[sflag:s2] =	ssyncset.done $0x0  }
0x152: {  	[sflag:s2] =	ssyncadd.s32 $0xFFFFE000  }
0x153: {  	_ =	swait.ge [sflag:s2], $0x2000  }
0x154: {  	[sflag:s2] =	ssyncset.done $0x0  }
0x155: {  	[sflag:s2] =	ssyncadd.s32 $0xFFFFE000  }
0x156: {  	[spmem:s29] =	stream.indirect.scatter.add.f32 [tilespmem:s18], [sflag:$0x8], $0x80, s11, s5, $0xb8;
	[tilespmem:$0x1CC00] =	vst v63  }
0x157: {  	_ =	swait.ge [sflag:s1], $0x4000  }
0x158: {  	[sflag:s1] =	ssyncset.done $0x0  }
0x159: {  	[sflag:s1] =	ssyncadd.s32 $0xFFFFC000  }
0x15a: {  	_ =	swait.ge [sflag:s3], $0x80  }
0x15b: {  	[sflag:s3] =	ssyncset.done $0x0  }
0x15c: {  	[sflag:s3] =	ssyncadd.s32 $0xFFFFFF80  }
0x15d: {  	_ =	swait.ge [sflag:s3], $0x80  }
0x15e: {  	[sflag:s3] =	ssyncset.done $0x0  }
0x15f: {  	[sflag:s3] =	ssyncadd.s32 $0xFFFFFF80  }
0x160: {  	[tilespmem:s18], [sflag:$0x6] =	stream.indirect.gather [hbm4b:s0+s12], $0x80, s9, s12, $0xb8;
	[tilespmem:$0x1CC00] =	vst v63  }
0x161: {  	_ = 	snop  }
0x162: {  	[tilespmem:s21], [sflag:$0x6] =	stream.indirect.gather [hbm4b:s0+s12], $0x80, s30, s12, $0xb8;
	[tilespmem:$0x1CC00] =	vst v63  }
0x163: {  	s19 =	sadd.s32 @!p1 $0x50, s19;
	s20 =	simm.s32 @!p1 $0x80  }
0x164: {  	[tilespmem:s20], [sflag:$0x2] =	stream.linear.gather @!p1 [hbm4b:s19+s7], $0x80, $0x38;
	[tilespmem:$0x1CC00] =	vst v63  }
0x165: {  	s19 =	sadd.s32 @!p1 $0x50, s14;
	s20 =	simm.s32 @!p1 $0x280  }
0x166: {  	[tilespmem:s20], [sflag:$0x2] =	stream.linear.gather @!p1 [hbm4b:s19+s7], $0x80, $0x38;
	[tilespmem:$0x1CC00] =	vst v63  }
0x167: {  	p6 =	por $0x0, $0x0;
	_ =	swait.ge [sflag:s6], $0x2000  }
0x168: {  	s16 =	simm.s32 $0x180;
	s15 =	simm.s32 $0x2400;
	[sflag:s6] =	ssyncset.done $0x0  }
0x169: {  	s9 =	simm.s32 $0x6400;
	s21 =	simm.s32 $0x100;
	[sflag:s6] =	ssyncadd.s32 $0xFFFFE000  }
0x16a: {  	s14 =	simm.s32 $0x300;
	s19 =	simm.s32 $0x40;
	_ =	swait.ge [sflag:s6], $0x2000  }
0x16b: {  	s20 =	simm.s32 $0x80;
	p1 =	por p6, p6;
	[sflag:s6] =	ssyncset.done $0x0  }
.LBB2_7:
0x16c: {  	p3 =	seq.s32 s20, $0x0;
	s31 =	simm.s32 @!p1 $0x7;
	[sflag:s6] =	ssyncadd.s32 $0xFFFFE000  }
0x16d: {  	[spmem:s29] =	stream.indirect.scatter.add.f32 [tilespmem:s13], [sflag:$0x7], $0x80, s14, s5, $0xb8;
	[tilespmem:$0x1CC00] =	vst v63  }
0x16e: {  	s26 =	smov.u32 s20;
	s20 =	sadd.s32 $0x40, s20;
	_ =	swait.ge @!p1 [sflag:s31], $0x4000  }
0x16f: {  	p2 =	seq.s32 s20, $0x500;
	[sflag:s31] =	ssyncset.done @!p1 $0x0  }
0x170: {  	[sflag:s31] =	ssyncadd.s32 @!p1 $0xFFFFC000  }
0x171: {  	_ =	swait.ge [sflag:s23], $0x80  }
0x172: {  	[sflag:s23] =	ssyncset.done $0x0  }
0x173: {  	[sflag:s23] =	ssyncadd.s32 $0xFFFFFF80  }
0x174: {  	_ =	swait.ge [sflag:s23], $0x80  }
0x175: {  	[sflag:s23] =	ssyncset.done $0x0  }
0x176: {  	[sflag:s23] =	ssyncadd.s32 $0xFFFFFF80  }
0x177: {  	[tilespmem:s13], [sflag:$0x5] =	stream.indirect.gather [hbm4b:s0+s12], $0x80, s4, s12, $0xb8;
	[tilespmem:$0x1CC00] =	vst v63  }
0x178: {  	s31 =	sadd.s32 s19, s22  }
0x179: {  	[tilespmem:s15], [sflag:$0x5] =	stream.indirect.gather [hbm4b:s0+s12], $0x80, s12, s12, $0xb8;
	[tilespmem:$0x1CC00] =	vst v63  }
0x17a: {  	s7 =	sadd.s32 s19, s28;
	s25 =	sadd.s32 $0x20, s31  }
0x17b: {  	[tilespmem:s21], [sflag:$0x3] =	stream.linear.gather [hbm4b:s25+s4], $0x80, $0x38;
	[tilespmem:$0x1CC00] =	vst v63  }
0x17c: {  	s11 =	simm.s32 @!p1 $0x6;
	s25 =	sadd.s32 $0x20, s7  }
0x17d: {  	[tilespmem:s14], [sflag:$0x3] =	stream.linear.gather [hbm4b:s25+s4], $0x80, $0x38;
	[tilespmem:$0x1CC00] =	vst v63  }
0x17e: {  	_ =	swait.ge @!p1 [sflag:s11], $0x2000  }
0x17f: {  	[sflag:s11] =	ssyncset.done @!p1 $0x0  }
0x180: {  	[sflag:s11] =	ssyncadd.s32 @!p1 $0xFFFFE000  }
0x181: {  	_ =	swait.ge @!p1 [sflag:s11], $0x2000  }
0x182: {  	s24 =	simm.s32 @!p1 $0x8;
	s25 =	simm.s32 @!p1 $0x4400;
	[sflag:s11] =	ssyncset.done @!p1 $0x0  }
0x183: {  	s30 =	simm.s32 @!p1 $0x380;
	[sflag:s11] =	ssyncadd.s32 @!p1 $0xFFFFE000;
	s11 =	simm.s32 @!p1 $0x80  }
0x184: {  	[spmem:s29] =	stream.indirect.scatter.add.f32 @!p1 [tilespmem:s25], [sflag:$0x8], $0x80, s30, s11, $0xb8;
	[tilespmem:$0x1CC00] =	vst v63  }
0x185: {  	_ =	swait.ge @!p1 [sflag:s24], $0x4000  }
0x186: {  	[sflag:s24] =	ssyncset.done @!p1 $0x0  }
0x187: {  	[sflag:s24] =	ssyncadd.s32 @!p1 $0xFFFFC000;
	p1 =	por p3, p3  }
0x188: {  	_ =	swait.ge [sflag:s17], $0x80  }
0x189: {  	[sflag:s17] =	ssyncset.done $0x0  }
0x18a: {  	[sflag:s17] =	ssyncadd.s32 $0xFFFFFF80  }
0x18b: {  	_ =	swait.ge [sflag:s17], $0x80  }
0x18c: {  	[sflag:s17] =	ssyncset.done $0x0  }
0x18d: {  	[sflag:s17] =	ssyncadd.s32 $0xFFFFFF80  }
0x18e: {  	[tilespmem:s18], [sflag:$0x6] =	stream.indirect.gather [hbm4b:s0+s12], $0x80, s5, s12, $0xb8;
	[tilespmem:$0x1CC00] =	vst v63  }
0x18f: {  	s11 =	simm.s32 $0xC0  }
0x190: {  	[tilespmem:s9], [sflag:$0x6] =	stream.indirect.gather [hbm4b:s0+s12], $0x80, s11, s12, $0xb8;
	[tilespmem:$0x1CC00] =	vst v63  }
0x191: {  	s11 =	sadd.s32 $0x30, s31;
	s31 =	simm.s32 $0x140  }
0x192: {  	[tilespmem:s16], [sflag:$0x4] =	stream.linear.gather [hbm4b:s11+s4], $0x80, $0x38;
	[tilespmem:$0x1CC00] =	vst v63  }
0x193: {  	s7 =	sadd.s32 $0x30, s7;
	s11 =	simm.s32 $0x380  }
0x194: {  	[tilespmem:s11], [sflag:$0x4] =	stream.linear.gather [hbm4b:s7+s4], $0x80, $0x38;
	[tilespmem:$0x1CC00] =	vst v63  }
0x195: {  	_ =	swait.ge [sflag:s6], $0x2000  }
0x196: {  	[sflag:s6] =	ssyncset.done $0x0  }
0x197: {  	[sflag:s6] =	ssyncadd.s32 $0xFFFFE000  }
0x198: {  	_ =	swait.ge [sflag:s6], $0x2000  }
0x199: {  	[sflag:s6] =	ssyncset.done $0x0  }
0x19a: {  	s7 =	simm.s32 $0x200;
	[sflag:s6] =	ssyncadd.s32 $0xFFFFE000  }
0x19b: {  	[spmem:s29] =	stream.indirect.scatter.add.f32 [tilespmem:s13], [sflag:$0x7], $0x80, s7, s5, $0xb8;
	[tilespmem:$0x1CC00] =	vst v63  }
0x19c: {  	_ =	swait.ge [sflag:s10], $0x4000  }
0x19d: {  	[sflag:s10] =	ssyncset.done $0x0  }
0x19e: {  	[sflag:s10] =	ssyncadd.s32 $0xFFFFC000  }
0x19f: {  	_ =	swait.ge [sflag:s8], $0x80  }
0x1a0: {  	[sflag:s8] =	ssyncset.done $0x0  }
0x1a1: {  	[sflag:s8] =	ssyncadd.s32 $0xFFFFFF80  }
0x1a2: {  	_ =	swait.ge [sflag:s8], $0x80  }
0x1a3: {  	[sflag:s8] =	ssyncset.done $0x0  }
0x1a4: {  	[sflag:s8] =	ssyncadd.s32 $0xFFFFFF80  }
0x1a5: {  	[tilespmem:s13], [sflag:$0x5] =	stream.indirect.gather [hbm4b:s0+s12], $0x80, s21, s12, $0xb8;
	[tilespmem:$0x1CC00] =	vst v63  }
0x1a6: {  	p3 =	seq.s32 s19, $0x4C0  }
0x1a7: {  	[tilespmem:s15], [sflag:$0x5] =	stream.indirect.gather [hbm4b:s0+s12], $0x80, s31, s12, $0xb8;
	[tilespmem:$0x1CC00] =	vst v63  }
0x1a8: {  	s11 =	simm.s32 @!p3 $0x0;
	s7 =	sadd.s32 @!p3 s19, s22;
	s19 =	sadd.s32 @!p3 s19, s28  }
0x1a9: {  	s30 =	simm.s32 @!p3 $0x200;
	s24 =	sadd.s32 @!p3 $0x40, s7;
	s25 =	sadd.s32 @!p3 $0x40, s19  }
0x1aa: {  	[tilespmem:s11], [sflag:$0x1] =	stream.linear.gather @!p3 [hbm4b:s24+s11], $0x80, $0x38;
	[tilespmem:$0x1CC00] =	vst v63  }
0x1ab: {  	s7 =	sadd.s32 @!p3 $0x50, s7;
	s24 =	sadd.s32 @!p3 $0x50, s19;
	s19 =	smov.u32 s26  }
0x1ac: {  	[tilespmem:s30], [sflag:$0x1] =	stream.linear.gather @!p3 [hbm4b:s25+s11], $0x80, $0x38;
	[tilespmem:$0x1CC00] =	vst v63  }
0x1ad: {  	s30 =	simm.s32 $0x280  }
0x1ae: {  	_ =	swait.ge [sflag:s2], $0x2000  }
0x1af: {  	[sflag:s2] =	ssyncset.done $0x0  }
0x1b0: {  	[sflag:s2] =	ssyncadd.s32 $0xFFFFE000  }
0x1b1: {  	_ =	swait.ge [sflag:s2], $0x2000  }
0x1b2: {  	[sflag:s2] =	ssyncset.done $0x0  }
0x1b3: {  	[sflag:s2] =	ssyncadd.s32 $0xFFFFE000  }
0x1b4: {  	[spmem:s29] =	stream.indirect.scatter.add.f32 [tilespmem:s18], [sflag:$0x8], $0x80, s30, s5, $0xb8;
	[tilespmem:$0x1CC00] =	vst v63  }
0x1b5: {  	_ =	swait.ge [sflag:s1], $0x4000  }
0x1b6: {  	[sflag:s1] =	ssyncset.done $0x0  }
0x1b7: {  	[sflag:s1] =	ssyncadd.s32 $0xFFFFC000  }
0x1b8: {  	_ =	swait.ge [sflag:s3], $0x80  }
0x1b9: {  	[sflag:s3] =	ssyncset.done $0x0  }
0x1ba: {  	[sflag:s3] =	ssyncadd.s32 $0xFFFFFF80  }
0x1bb: {  	_ =	swait.ge [sflag:s3], $0x80  }
0x1bc: {  	[sflag:s3] =	ssyncset.done $0x0  }
0x1bd: {  	[sflag:s3] =	ssyncadd.s32 $0xFFFFFF80  }
0x1be: {  	[tilespmem:s18], [sflag:$0x6] =	stream.indirect.gather [hbm4b:s0+s12], $0x80, s16, s12, $0xb8;
	[tilespmem:$0x1CC00] =	vst v63  }
0x1bf: {  	s26 =	simm.s32 $0x1C0;
	s25 =	simm.s32 @!p3 $0x80  }
0x1c0: {  	[tilespmem:s9], [sflag:$0x6] =	stream.indirect.gather [hbm4b:s0+s12], $0x80, s26, s12, $0xb8;
	[tilespmem:$0x1CC00] =	vst v63  }
0x1c1: {  	s26 =	simm.s32 @!p3 $0x280  }
0x1c2: {  	[tilespmem:s25], [sflag:$0x2] =	stream.linear.gather @!p3 [hbm4b:s7+s11], $0x80, $0x38;
	[tilespmem:$0x1CC00] =	vst v63  }
0x1c3: {  	_ = 	snop  }
0x1c4: {  	[tilespmem:s26], [sflag:$0x2] =	stream.linear.gather @!p3 [hbm4b:s24+s11], $0x80, $0x38;
	[tilespmem:$0x1CC00] =	vst v63  }
.Ltmp5:
0x1c5: {  	_ =	swait.ge [sflag:s6], $0x2000;
	(pc) =	sbr.rel @!p2 .LBB2_7-.Ltmp5, $4  }
0x1c6: {  	[sflag:s6] =	ssyncset.done $0x0  }
0x1c7: {  	[sflag:s6] =	ssyncadd.s32 $0xFFFFE000  }
0x1c8: {  	_ =	swait.ge [sflag:s6], $0x2000  }
0x1c9: {  	[sflag:s6] =	ssyncset.done $0x0  }
0x1ca: {  	s7 =	simm.s32 @!p1 $0x7;
	[sflag:s6] =	ssyncadd.s32 $0xFFFFE000  }
0x1cb: {  	[spmem:s29] =	stream.indirect.scatter.add.f32 [tilespmem:s13], [sflag:$0x7], $0x80, s14, s5, $0xb8;
	[tilespmem:$0x1CC00] =	vst v63  }
0x1cc: {  	_ =	swait.ge @!p1 [sflag:s7], $0x4000  }
0x1cd: {  	[sflag:s7] =	ssyncset.done @!p1 $0x0  }
0x1ce: {  	[sflag:s7] =	ssyncadd.s32 @!p1 $0xFFFFC000  }
0x1cf: {  	_ =	swait.ge [sflag:s23], $0x80  }
0x1d0: {  	[sflag:s23] =	ssyncset.done $0x0  }
0x1d1: {  	[sflag:s23] =	ssyncadd.s32 $0xFFFFFF80  }
0x1d2: {  	_ =	swait.ge [sflag:s23], $0x80  }
0x1d3: {  	[sflag:s23] =	ssyncset.done $0x0  }
0x1d4: {  	[sflag:s23] =	ssyncadd.s32 $0xFFFFFF80  }
0x1d5: {  	[tilespmem:s13], [sflag:$0x5] =	stream.indirect.gather [hbm4b:s0+s12], $0x80, s4, s12, $0xb8;
	[tilespmem:$0x1CC00] =	vst v63  }
0x1d6: {  	s7 =	sadd.s32 s19, s22  }
0x1d7: {  	[tilespmem:s15], [sflag:$0x5] =	stream.indirect.gather [hbm4b:s0+s12], $0x80, s12, s12, $0xb8;
	[tilespmem:$0x1CC00] =	vst v63  }
0x1d8: {  	s20 =	sadd.s32 s19, s28;
	s11 =	sadd.s32 $0x20, s7  }
0x1d9: {  	[tilespmem:s21], [sflag:$0x3] =	stream.linear.gather [hbm4b:s11+s4], $0x80, $0x38;
	[tilespmem:$0x1CC00] =	vst v63  }
0x1da: {  	s24 =	simm.s32 @!p1 $0x6;
	s25 =	sadd.s32 $0x20, s20  }
0x1db: {  	[tilespmem:s14], [sflag:$0x3] =	stream.linear.gather [hbm4b:s25+s4], $0x80, $0x38;
	[tilespmem:$0x1CC00] =	vst v63  }
0x1dc: {  	_ =	swait.ge @!p1 [sflag:s24], $0x2000  }
0x1dd: {  	[sflag:s24] =	ssyncset.done @!p1 $0x0  }
0x1de: {  	[sflag:s24] =	ssyncadd.s32 @!p1 $0xFFFFE000  }
0x1df: {  	_ =	swait.ge @!p1 [sflag:s24], $0x2000  }
0x1e0: {  	s11 =	simm.s32 @!p1 $0x4400;
	[sflag:s24] =	ssyncset.done @!p1 $0x0  }
0x1e1: {  	s25 =	simm.s32 @!p1 $0x380;
	[sflag:s24] =	ssyncadd.s32 @!p1 $0xFFFFE000;
	s24 =	simm.s32 @!p1 $0x80  }
0x1e2: {  	[spmem:s29] =	stream.indirect.scatter.add.f32 @!p1 [tilespmem:s11], [sflag:$0x8], $0x80, s25, s24, $0xb8;
	[tilespmem:$0x1CC00] =	vst v63  }
0x1e3: {  	s11 =	simm.s32 @!p1 $0x8  }
0x1e4: {  	_ =	swait.ge @!p1 [sflag:s11], $0x4000  }
0x1e5: {  	[sflag:s11] =	ssyncset.done @!p1 $0x0  }
0x1e6: {  	[sflag:s11] =	ssyncadd.s32 @!p1 $0xFFFFC000  }
0x1e7: {  	_ =	swait.ge [sflag:s17], $0x80  }
0x1e8: {  	[sflag:s17] =	ssyncset.done $0x0  }
0x1e9: {  	[sflag:s17] =	ssyncadd.s32 $0xFFFFFF80  }
0x1ea: {  	_ =	swait.ge [sflag:s17], $0x80  }
0x1eb: {  	[sflag:s17] =	ssyncset.done $0x0  }
0x1ec: {  	[sflag:s17] =	ssyncadd.s32 $0xFFFFFF80  }
0x1ed: {  	[tilespmem:s18], [sflag:$0x6] =	stream.indirect.gather [hbm4b:s0+s12], $0x80, s5, s12, $0xb8;
	[tilespmem:$0x1CC00] =	vst v63  }
0x1ee: {  	s26 =	simm.s32 $0xC0  }
0x1ef: {  	[tilespmem:s9], [sflag:$0x6] =	stream.indirect.gather [hbm4b:s0+s12], $0x80, s26, s12, $0xb8;
	[tilespmem:$0x1CC00] =	vst v63  }
0x1f0: {  	s7 =	sadd.s32 $0x30, s7  }
0x1f1: {  	[tilespmem:s16], [sflag:$0x4] =	stream.linear.gather [hbm4b:s7+s4], $0x80, $0x38;
	[tilespmem:$0x1CC00] =	vst v63  }
0x1f2: {  	s24 =	sadd.s32 $0x30, s20;
	s25 =	simm.s32 $0x380  }
0x1f3: {  	[tilespmem:s25], [sflag:$0x4] =	stream.linear.gather [hbm4b:s24+s4], $0x80, $0x38;
	[tilespmem:$0x1CC00] =	vst v63  }
0x1f4: {  	_ =	swait.ge [sflag:s6], $0x2000  }
0x1f5: {  	[sflag:s6] =	ssyncset.done $0x0  }
0x1f6: {  	[sflag:s6] =	ssyncadd.s32 $0xFFFFE000  }
0x1f7: {  	_ =	swait.ge [sflag:s6], $0x2000  }
0x1f8: {  	[sflag:s6] =	ssyncset.done $0x0  }
0x1f9: {  	s26 =	simm.s32 $0x200;
	[sflag:s6] =	ssyncadd.s32 $0xFFFFE000  }
0x1fa: {  	[spmem:s29] =	stream.indirect.scatter.add.f32 [tilespmem:s13], [sflag:$0x7], $0x80, s26, s5, $0xb8;
	[tilespmem:$0x1CC00] =	vst v63  }
0x1fb: {  	_ =	swait.ge [sflag:s10], $0x4000  }
0x1fc: {  	[sflag:s10] =	ssyncset.done $0x0  }
0x1fd: {  	[sflag:s10] =	ssyncadd.s32 $0xFFFFC000  }
0x1fe: {  	_ =	swait.ge [sflag:s8], $0x80  }
0x1ff: {  	[sflag:s8] =	ssyncset.done $0x0  }
0x200: {  	[sflag:s8] =	ssyncadd.s32 $0xFFFFFF80  }
0x201: {  	_ =	swait.ge [sflag:s8], $0x80  }
0x202: {  	[sflag:s8] =	ssyncset.done $0x0  }
0x203: {  	p1 =	seq.s32 s19, $0x4C0;
	[sflag:s8] =	ssyncadd.s32 $0xFFFFFF80  }
0x204: {  	[tilespmem:s13], [sflag:$0x5] =	stream.indirect.gather [hbm4b:s0+s12], $0x80, s21, s12, $0xb8;
	[tilespmem:$0x1CC00] =	vst v63  }
0x205: {  	s7 =	sadd.s32 @!p1 s19, s22  }
0x206: {  	[tilespmem:s15], [sflag:$0x5] =	stream.indirect.gather [hbm4b:s0+s12], $0x80, s31, s12, $0xb8;
	[tilespmem:$0x1CC00] =	vst v63  }
0x207: {  	s11 =	simm.s32 @!p1 $0x0;
	s19 =	sadd.s32 @!p1 s19, s28;
	s20 =	sadd.s32 @!p1 $0x40, s7  }
0x208: {  	[tilespmem:s11], [sflag:$0x1] =	stream.linear.gather @!p1 [hbm4b:s20+s11], $0x80, $0x38;
	[tilespmem:$0x1CC00] =	vst v63  }
0x209: {  	s24 =	simm.s32 @!p1 $0x200;
	s20 =	sadd.s32 @!p1 $0x40, s19  }
0x20a: {  	[tilespmem:s24], [sflag:$0x1] =	stream.linear.gather @!p1 [hbm4b:s20+s11], $0x80, $0x38;
	[tilespmem:$0x1CC00] =	vst v63  }
0x20b: {  	_ =	swait.ge [sflag:s2], $0x2000  }
0x20c: {  	[sflag:s2] =	ssyncset.done $0x0  }
0x20d: {  	[sflag:s2] =	ssyncadd.s32 $0xFFFFE000  }
0x20e: {  	_ =	swait.ge [sflag:s2], $0x2000  }
0x20f: {  	[sflag:s2] =	ssyncset.done $0x0  }
0x210: {  	[sflag:s2] =	ssyncadd.s32 $0xFFFFE000  }
0x211: {  	[spmem:s29] =	stream.indirect.scatter.add.f32 [tilespmem:s18], [sflag:$0x8], $0x80, s30, s5, $0xb8;
	[tilespmem:$0x1CC00] =	vst v63  }
0x212: {  	_ =	swait.ge [sflag:s1], $0x4000  }
0x213: {  	[sflag:s1] =	ssyncset.done $0x0  }
0x214: {  	[sflag:s1] =	ssyncadd.s32 $0xFFFFC000  }
0x215: {  	_ =	swait.ge [sflag:s3], $0x80  }
0x216: {  	[sflag:s3] =	ssyncset.done $0x0  }
0x217: {  	[sflag:s3] =	ssyncadd.s32 $0xFFFFFF80  }
0x218: {  	_ =	swait.ge [sflag:s3], $0x80  }
0x219: {  	[sflag:s3] =	ssyncset.done $0x0  }
0x21a: {  	[sflag:s3] =	ssyncadd.s32 $0xFFFFFF80  }
0x21b: {  	[tilespmem:s18], [sflag:$0x6] =	stream.indirect.gather [hbm4b:s0+s12], $0x80, s16, s12, $0xb8;
	[tilespmem:$0x1CC00] =	vst v63  }
0x21c: {  	s30 =	simm.s32 $0x1C0  }
0x21d: {  	[tilespmem:s9], [sflag:$0x6] =	stream.indirect.gather [hbm4b:s0+s12], $0x80, s30, s12, $0xb8;
	[tilespmem:$0x1CC00] =	vst v63  }
0x21e: {  	s7 =	sadd.s32 @!p1 $0x50, s7;
	s20 =	simm.s32 @!p1 $0x80  }
0x21f: {  	[tilespmem:s20], [sflag:$0x2] =	stream.linear.gather @!p1 [hbm4b:s7+s11], $0x80, $0x38;
	[tilespmem:$0x1CC00] =	vst v63  }
0x220: {  	s7 =	sadd.s32 @!p1 $0x50, s19;
	s19 =	simm.s32 @!p1 $0x280  }
0x221: {  	[tilespmem:s19], [sflag:$0x2] =	stream.linear.gather @!p1 [hbm4b:s7+s11], $0x80, $0x38;
	[tilespmem:$0x1CC00] =	vst v63  }
0x222: {  	_ =	swait.ge [sflag:s6], $0x2000  }
0x223: {  	[sflag:s6] =	ssyncset.done $0x0  }
0x224: {  	s21 =	simm.s32 $0x6400;
	[sflag:s6] =	ssyncadd.s32 $0xFFFFE000  }
.Ltmp6:
0x225: {  	s15 =	simm.s32 $0x100;
	_ =	swait.ge [sflag:s6], $0x2000;
	(pc) =	sbr.rel .LBB2_12-.Ltmp6, $4  }
0x226: {  	s16 =	simm.s32 $0x300;
	[sflag:s6] =	ssyncset.done $0x0;
	s31 =	rddreg [dreg:$0xb]  }
0x227: {  	s9 =	simm.s32 $0x180;
	s22 =	rddreg [dreg:$0x1e];
	[sflag:s6] =	ssyncadd.s32 $0xFFFFE000  }
0x228: {  	[spmem:s29] =	stream.indirect.scatter.add.f32 [tilespmem:s13], [sflag:$0x7], $0x80, s14, s5, $0xb8;
	[tilespmem:$0x1CC00] =	vst v63  }
0x229: {  	s7 =	simm.s32 $0x380;
	s19 =	rddreg [dreg:$0x5];
	s14 =	simm.s32 $0x2400  }
.LBB2_9:
0x22a: {  	s7 =	simm.s32 $0x0;
	s11 =	rddreg [dreg:$0xd]  }
0x22b: {  	[tilespmem:s7], [sflag:$0x1] =	stream.linear.gather [hbm4b:s11+s7], $0x80, $0x38;
	[tilespmem:$0x1CC00] =	vst v63  }
0x22c: {  	s25 =	rddreg [dreg:$0xe]  }
0x22d: {  	[tilespmem:s20], [sflag:$0x1] =	stream.linear.gather [hbm4b:s25+s7], $0x80, $0x38;
	[tilespmem:$0x1CC00] =	vst v63  }
0x22e: {  	s19 =	rddreg [dreg:$0xf];
	p1 =	por $0x1, $0x1  }
0x22f: {  	[tilespmem:s5], [sflag:$0x2] =	stream.linear.gather [hbm4b:s19+s7], $0x80, $0x38;
	[tilespmem:$0x1CC00] =	vst v63  }
0x230: {  	p1 =	por p1, p1;
	s20 =	rddreg [dreg:$0x10];
	s19 =	simm.s32 $0x280  }
0x231: {  	[tilespmem:s19], [sflag:$0x2] =	stream.linear.gather [hbm4b:s20+s7], $0x80, $0x38;
	[tilespmem:$0x1CC00] =	vst v63  }
0x232: {  	s7 =	simm.s32 @!p1 $0x7  }
0x233: {  	_ =	swait.ge @!p1 [sflag:s7], $0x4000  }
0x234: {  	[sflag:s7] =	ssyncset.done @!p1 $0x0  }
0x235: {  	[sflag:s7] =	ssyncadd.s32 @!p1 $0xFFFFC000  }
0x236: {  	_ =	swait.ge [sflag:s23], $0x80  }
0x237: {  	[sflag:s23] =	ssyncset.done $0x0  }
0x238: {  	[sflag:s23] =	ssyncadd.s32 $0xFFFFFF80  }
0x239: {  	_ =	swait.ge [sflag:s23], $0x80  }
0x23a: {  	[sflag:s23] =	ssyncset.done $0x0  }
0x23b: {  	[sflag:s23] =	ssyncadd.s32 $0xFFFFFF80  }
0x23c: {  	[tilespmem:s13], [sflag:$0x5] =	stream.indirect.gather [hbm4b:s0+s12], $0x80, s4, s12, $0xb8;
	[tilespmem:$0x1CC00] =	vst v63  }
0x23d: {  	s7 =	sadd.s32 $0x0, s31  }
0x23e: {  	[tilespmem:s14], [sflag:$0x5] =	stream.indirect.gather [hbm4b:s0+s12], $0x80, s12, s12, $0xb8;
	[tilespmem:$0x1CC00] =	vst v63  }
0x23f: {  	s19 =	sadd.s32 $0x0, s22;
	s24 =	sadd.s32 $0x20, s7  }
0x240: {  	[tilespmem:s15], [sflag:$0x3] =	stream.linear.gather [hbm4b:s24+s4], $0x80, $0x38;
	[tilespmem:$0x1CC00] =	vst v63  }
0x241: {  	s20 =	simm.s32 @!p1 $0x6;
	s25 =	sadd.s32 $0x20, s19  }
0x242: {  	[tilespmem:s16], [sflag:$0x3] =	stream.linear.gather [hbm4b:s25+s4], $0x80, $0x38;
	[tilespmem:$0x1CC00] =	vst v63  }
0x243: {  	_ =	swait.ge @!p1 [sflag:s20], $0x2000  }
0x244: {  	[sflag:s20] =	ssyncset.done @!p1 $0x0  }
0x245: {  	[sflag:s20] =	ssyncadd.s32 @!p1 $0xFFFFE000  }
0x246: {  	_ =	swait.ge @!p1 [sflag:s20], $0x2000  }
0x247: {  	s11 =	simm.s32 @!p1 $0x4400;
	[sflag:s20] =	ssyncset.done @!p1 $0x0  }
0x248: {  	s24 =	simm.s32 @!p1 $0x380;
	[sflag:s20] =	ssyncadd.s32 @!p1 $0xFFFFE000;
	s20 =	simm.s32 @!p1 $0x80  }
0x249: {  	[spmem:s29] =	stream.indirect.scatter.add.f32 @!p1 [tilespmem:s11], [sflag:$0x8], $0x80, s24, s20, $0xb8;
	[tilespmem:$0x1CC00] =	vst v63  }
0x24a: {  	s11 =	simm.s32 @!p1 $0x8  }
0x24b: {  	_ =	swait.ge @!p1 [sflag:s11], $0x4000  }
0x24c: {  	[sflag:s11] =	ssyncset.done @!p1 $0x0  }
0x24d: {  	[sflag:s11] =	ssyncadd.s32 @!p1 $0xFFFFC000  }
0x24e: {  	_ =	swait.ge [sflag:s17], $0x80  }
0x24f: {  	[sflag:s17] =	ssyncset.done $0x0  }
0x250: {  	[sflag:s17] =	ssyncadd.s32 $0xFFFFFF80  }
0x251: {  	_ =	swait.ge [sflag:s17], $0x80  }
0x252: {  	[sflag:s17] =	ssyncset.done $0x0  }
0x253: {  	[sflag:s17] =	ssyncadd.s32 $0xFFFFFF80  }
0x254: {  	[tilespmem:s18], [sflag:$0x6] =	stream.indirect.gather [hbm4b:s0+s12], $0x80, s5, s12, $0xb8;
	[tilespmem:$0x1CC00] =	vst v63  }
0x255: {  	s25 =	simm.s32 $0xC0  }
0x256: {  	[tilespmem:s21], [sflag:$0x6] =	stream.indirect.gather [hbm4b:s0+s12], $0x80, s25, s12, $0xb8;
	[tilespmem:$0x1CC00] =	vst v63  }
0x257: {  	s7 =	sadd.s32 $0x30, s7  }
0x258: {  	[tilespmem:s9], [sflag:$0x4] =	stream.linear.gather [hbm4b:s7+s4], $0x80, $0x38;
	[tilespmem:$0x1CC00] =	vst v63  }
0x259: {  	s24 =	sadd.s32 $0x30, s19  }
0x25a: {  	[tilespmem:s26], [sflag:$0x4] =	stream.linear.gather [hbm4b:s24+s4], $0x80, $0x38;
	[tilespmem:$0x1CC00] =	vst v63  }
0x25b: {  	_ =	swait.ge [sflag:s6], $0x2000  }
0x25c: {  	[sflag:s6] =	ssyncset.done $0x0  }
0x25d: {  	[sflag:s6] =	ssyncadd.s32 $0xFFFFE000  }
0x25e: {  	_ =	swait.ge [sflag:s6], $0x2000  }
0x25f: {  	[sflag:s6] =	ssyncset.done $0x0  }
0x260: {  	s28 =	simm.s32 $0x200;
	[sflag:s6] =	ssyncadd.s32 $0xFFFFE000  }
0x261: {  	[spmem:s29] =	stream.indirect.scatter.add.f32 [tilespmem:s13], [sflag:$0x7], $0x80, s28, s5, $0xb8;
	[tilespmem:$0x1CC00] =	vst v63  }
0x262: {  	_ =	swait.ge [sflag:s10], $0x4000  }
0x263: {  	[sflag:s10] =	ssyncset.done $0x0  }
0x264: {  	[sflag:s10] =	ssyncadd.s32 $0xFFFFC000  }
0x265: {  	_ =	swait.ge [sflag:s8], $0x80  }
0x266: {  	[sflag:s8] =	ssyncset.done $0x0  }
0x267: {  	[sflag:s8] =	ssyncadd.s32 $0xFFFFFF80  }
0x268: {  	_ =	swait.ge [sflag:s8], $0x80  }
0x269: {  	[sflag:s8] =	ssyncset.done $0x0  }
0x26a: {  	p1 =	por $0x0, $0x0;
	[sflag:s8] =	ssyncadd.s32 $0xFFFFFF80  }
0x26b: {  	[tilespmem:s13], [sflag:$0x5] =	stream.indirect.gather [hbm4b:s0+s12], $0x80, s15, s12, $0xb8;
	[tilespmem:$0x1CC00] =	vst v63  }
0x26c: {  	s25 =	simm.s32 $0x140;
	s7 =	sadd.s32 @!p1 $0x0, s31  }
0x26d: {  	[tilespmem:s14], [sflag:$0x5] =	stream.indirect.gather [hbm4b:s0+s12], $0x80, s25, s12, $0xb8;
	[tilespmem:$0x1CC00] =	vst v63  }
0x26e: {  	s11 =	simm.s32 @!p1 $0x0;
	s19 =	sadd.s32 @!p1 $0x0, s22;
	s20 =	sadd.s32 @!p1 $0x40, s7  }
0x26f: {  	[tilespmem:s11], [sflag:$0x1] =	stream.linear.gather @!p1 [hbm4b:s20+s11], $0x80, $0x38;
	[tilespmem:$0x1CC00] =	vst v63  }
0x270: {  	s24 =	simm.s32 @!p1 $0x200;
	s20 =	sadd.s32 @!p1 $0x40, s19  }
0x271: {  	[tilespmem:s24], [sflag:$0x1] =	stream.linear.gather @!p1 [hbm4b:s20+s11], $0x80, $0x38;
	[tilespmem:$0x1CC00] =	vst v63  }
0x272: {  	_ =	swait.ge [sflag:s2], $0x2000  }
0x273: {  	[sflag:s2] =	ssyncset.done $0x0  }
0x274: {  	[sflag:s2] =	ssyncadd.s32 $0xFFFFE000  }
0x275: {  	_ =	swait.ge [sflag:s2], $0x2000  }
0x276: {  	[sflag:s2] =	ssyncset.done $0x0  }
0x277: {  	s26 =	simm.s32 $0x280;
	[sflag:s2] =	ssyncadd.s32 $0xFFFFE000  }
0x278: {  	[spmem:s29] =	stream.indirect.scatter.add.f32 [tilespmem:s18], [sflag:$0x8], $0x80, s26, s5, $0xb8;
	[tilespmem:$0x1CC00] =	vst v63  }
0x279: {  	_ =	swait.ge [sflag:s1], $0x4000  }
0x27a: {  	[sflag:s1] =	ssyncset.done $0x0  }
0x27b: {  	[sflag:s1] =	ssyncadd.s32 $0xFFFFC000  }
0x27c: {  	_ =	swait.ge [sflag:s3], $0x80  }
0x27d: {  	[sflag:s3] =	ssyncset.done $0x0  }
0x27e: {  	[sflag:s3] =	ssyncadd.s32 $0xFFFFFF80  }
0x27f: {  	_ =	swait.ge [sflag:s3], $0x80  }
0x280: {  	[sflag:s3] =	ssyncset.done $0x0  }
0x281: {  	[sflag:s3] =	ssyncadd.s32 $0xFFFFFF80  }
0x282: {  	[tilespmem:s18], [sflag:$0x6] =	stream.indirect.gather [hbm4b:s0+s12], $0x80, s9, s12, $0xb8;
	[tilespmem:$0x1CC00] =	vst v63  }
0x283: {  	_ = 	snop  }
0x284: {  	[tilespmem:s21], [sflag:$0x6] =	stream.indirect.gather [hbm4b:s0+s12], $0x80, s30, s12, $0xb8;
	[tilespmem:$0x1CC00] =	vst v63  }
0x285: {  	s7 =	sadd.s32 @!p1 $0x50, s7;
	s20 =	simm.s32 @!p1 $0x80  }
0x286: {  	[tilespmem:s20], [sflag:$0x2] =	stream.linear.gather @!p1 [hbm4b:s7+s11], $0x80, $0x38;
	[tilespmem:$0x1CC00] =	vst v63  }
0x287: {  	s7 =	sadd.s32 @!p1 $0x50, s19;
	s19 =	simm.s32 @!p1 $0x280  }
0x288: {  	[tilespmem:s19], [sflag:$0x2] =	stream.linear.gather @!p1 [hbm4b:s7+s11], $0x80, $0x38;
	[tilespmem:$0x1CC00] =	vst v63  }
0x289: {  	_ =	swait.ge [sflag:s6], $0x2000  }
0x28a: {  	[sflag:s6] =	ssyncset.done $0x0  }
0x28b: {  	p6 =	por $0x0, $0x0;
	[sflag:s6] =	ssyncadd.s32 $0xFFFFE000  }
0x28c: {  	s28 =	simm.s32 $0x380;
	s20 =	simm.s32 $0x80;
	_ =	swait.ge [sflag:s6], $0x2000  }
0x28d: {  	s19 =	simm.s32 $0x40;
	p1 =	por p6, p6;
	[sflag:s6] =	ssyncset.done $0x0  }
.LBB2_10:
0x28e: {  	s7 =	simm.s32 @!p1 $0x7;
	[sflag:s6] =	ssyncadd.s32 $0xFFFFE000  }
0x28f: {  	[spmem:s29] =	stream.indirect.scatter.add.f32 [tilespmem:s13], [sflag:$0x7], $0x80, s16, s5, $0xb8;
	[tilespmem:$0x1CC00] =	vst v63  }
0x290: {  	_ =	swait.ge @!p1 [sflag:s7], $0x4000  }
0x291: {  	[sflag:s7] =	ssyncset.done @!p1 $0x0  }
0x292: {  	[sflag:s7] =	ssyncadd.s32 @!p1 $0xFFFFC000  }
0x293: {  	_ =	swait.ge [sflag:s23], $0x80  }
0x294: {  	[sflag:s23] =	ssyncset.done $0x0  }
0x295: {  	[sflag:s23] =	ssyncadd.s32 $0xFFFFFF80  }
0x296: {  	_ =	swait.ge [sflag:s23], $0x80  }
0x297: {  	[sflag:s23] =	ssyncset.done $0x0  }
0x298: {  	[sflag:s23] =	ssyncadd.s32 $0xFFFFFF80  }
0x299: {  	[tilespmem:s13], [sflag:$0x5] =	stream.indirect.gather [hbm4b:s0+s12], $0x80, s4, s12, $0xb8;
	[tilespmem:$0x1CC00] =	vst v63  }
0x29a: {  	s7 =	sadd.s32 s19, s31  }
0x29b: {  	[tilespmem:s14], [sflag:$0x5] =	stream.indirect.gather [hbm4b:s0+s12], $0x80, s12, s12, $0xb8;
	[tilespmem:$0x1CC00] =	vst v63  }
0x29c: {  	s24 =	sadd.s32 s19, s22;
	s11 =	sadd.s32 $0x20, s7  }
0x29d: {  	[tilespmem:s15], [sflag:$0x3] =	stream.linear.gather [hbm4b:s11+s4], $0x80, $0x38;
	[tilespmem:$0x1CC00] =	vst v63  }
0x29e: {  	s25 =	simm.s32 @!p1 $0x6;
	s11 =	sadd.s32 $0x20, s24  }
0x29f: {  	[tilespmem:s16], [sflag:$0x3] =	stream.linear.gather [hbm4b:s11+s4], $0x80, $0x38;
	[tilespmem:$0x1CC00] =	vst v63  }
0x2a0: {  	_ =	swait.ge @!p1 [sflag:s25], $0x2000  }
0x2a1: {  	[sflag:s25] =	ssyncset.done @!p1 $0x0  }
0x2a2: {  	[sflag:s25] =	ssyncadd.s32 @!p1 $0xFFFFE000  }
0x2a3: {  	_ =	swait.ge @!p1 [sflag:s25], $0x2000  }
0x2a4: {  	s30 =	simm.s32 @!p1 $0x8;
	s31 =	simm.s32 @!p1 $0x380;
	[sflag:s25] =	ssyncset.done @!p1 $0x0  }
0x2a5: {  	s11 =	simm.s32 @!p1 $0x4400;
	[sflag:s25] =	ssyncadd.s32 @!p1 $0xFFFFE000;
	s25 =	simm.s32 @!p1 $0x80  }
0x2a6: {  	[spmem:s29] =	stream.indirect.scatter.add.f32 @!p1 [tilespmem:s11], [sflag:$0x8], $0x80, s31, s25, $0xb8;
	[tilespmem:$0x1CC00] =	vst v63  }
0x2a7: {  	s31 =	rddreg [dreg:$0xb];
	_ =	swait.ge @!p1 [sflag:s30], $0x4000  }
0x2a8: {  	[sflag:s30] =	ssyncset.done @!p1 $0x0  }
0x2a9: {  	[sflag:s30] =	ssyncadd.s32 @!p1 $0xFFFFC000  }
0x2aa: {  	_ =	swait.ge [sflag:s17], $0x80  }
0x2ab: {  	[sflag:s17] =	ssyncset.done $0x0  }
0x2ac: {  	[sflag:s17] =	ssyncadd.s32 $0xFFFFFF80  }
0x2ad: {  	_ =	swait.ge [sflag:s17], $0x80  }
0x2ae: {  	[sflag:s17] =	ssyncset.done $0x0  }
0x2af: {  	[sflag:s17] =	ssyncadd.s32 $0xFFFFFF80  }
0x2b0: {  	[tilespmem:s18], [sflag:$0x6] =	stream.indirect.gather [hbm4b:s0+s12], $0x80, s5, s12, $0xb8;
	[tilespmem:$0x1CC00] =	vst v63  }
0x2b1: {  	s25 =	simm.s32 $0xC0  }
0x2b2: {  	[tilespmem:s21], [sflag:$0x6] =	stream.indirect.gather [hbm4b:s0+s12], $0x80, s25, s12, $0xb8;
	[tilespmem:$0x1CC00] =	vst v63  }
0x2b3: {  	s7 =	sadd.s32 $0x30, s7  }
0x2b4: {  	[tilespmem:s9], [sflag:$0x4] =	stream.linear.gather [hbm4b:s7+s4], $0x80, $0x38;
	[tilespmem:$0x1CC00] =	vst v63  }
0x2b5: {  	s11 =	sadd.s32 $0x30, s24  }
0x2b6: {  	[tilespmem:s28], [sflag:$0x4] =	stream.linear.gather [hbm4b:s11+s4], $0x80, $0x38;
	[tilespmem:$0x1CC00] =	vst v63  }
0x2b7: {  	_ =	swait.ge [sflag:s6], $0x2000  }
0x2b8: {  	[sflag:s6] =	ssyncset.done $0x0  }
0x2b9: {  	[sflag:s6] =	ssyncadd.s32 $0xFFFFE000  }
0x2ba: {  	_ =	swait.ge [sflag:s6], $0x2000  }
0x2bb: {  	[sflag:s6] =	ssyncset.done $0x0  }
0x2bc: {  	s24 =	simm.s32 $0x200;
	[sflag:s6] =	ssyncadd.s32 $0xFFFFE000  }
0x2bd: {  	[spmem:s29] =	stream.indirect.scatter.add.f32 [tilespmem:s13], [sflag:$0x7], $0x80, s24, s5, $0xb8;
	[tilespmem:$0x1CC00] =	vst v63  }
0x2be: {  	_ =	swait.ge [sflag:s10], $0x4000  }
0x2bf: {  	[sflag:s10] =	ssyncset.done $0x0  }
0x2c0: {  	[sflag:s10] =	ssyncadd.s32 $0xFFFFC000  }
0x2c1: {  	_ =	swait.ge [sflag:s8], $0x80  }
0x2c2: {  	[sflag:s8] =	ssyncset.done $0x0  }
0x2c3: {  	[sflag:s8] =	ssyncadd.s32 $0xFFFFFF80  }
0x2c4: {  	_ =	swait.ge [sflag:s8], $0x80  }
0x2c5: {  	p3 =	seq.s32 s20, $0x0;
	[sflag:s8] =	ssyncset.done $0x0  }
0x2c6: {  	p1 =	por p3, p3;
	p3 =	seq.s32 s19, $0x4C0;
	[sflag:s8] =	ssyncadd.s32 $0xFFFFFF80  }
0x2c7: {  	[tilespmem:s13], [sflag:$0x5] =	stream.indirect.gather [hbm4b:s0+s12], $0x80, s15, s12, $0xb8;
	[tilespmem:$0x1CC00] =	vst v63  }
0x2c8: {  	s25 =	simm.s32 $0x140;
	s7 =	sadd.s32 @!p3 s19, s31  }
0x2c9: {  	[tilespmem:s14], [sflag:$0x5] =	stream.indirect.gather [hbm4b:s0+s12], $0x80, s25, s12, $0xb8;
	[tilespmem:$0x1CC00] =	vst v63  }
0x2ca: {  	s19 =	sadd.s32 @!p3 s19, s22;
	s11 =	simm.s32 @!p3 $0x0;
	s24 =	sadd.s32 @!p3 $0x40, s7  }
0x2cb: {  	[tilespmem:s11], [sflag:$0x1] =	stream.linear.gather @!p3 [hbm4b:s24+s11], $0x80, $0x38;
	[tilespmem:$0x1CC00] =	vst v63  }
0x2cc: {  	s30 =	simm.s32 @!p3 $0x200;
	s25 =	sadd.s32 @!p3 $0x40, s19  }
0x2cd: {  	[tilespmem:s30], [sflag:$0x1] =	stream.linear.gather @!p3 [hbm4b:s25+s11], $0x80, $0x38;
	[tilespmem:$0x1CC00] =	vst v63  }
0x2ce: {  	_ =	swait.ge [sflag:s2], $0x2000  }
0x2cf: {  	[sflag:s2] =	ssyncset.done $0x0  }
0x2d0: {  	[sflag:s2] =	ssyncadd.s32 $0xFFFFE000  }
0x2d1: {  	_ =	swait.ge [sflag:s2], $0x2000  }
0x2d2: {  	[sflag:s2] =	ssyncset.done $0x0  }
0x2d3: {  	s30 =	simm.s32 $0x280;
	[sflag:s2] =	ssyncadd.s32 $0xFFFFE000  }
0x2d4: {  	[spmem:s29] =	stream.indirect.scatter.add.f32 [tilespmem:s18], [sflag:$0x8], $0x80, s30, s5, $0xb8;
	[tilespmem:$0x1CC00] =	vst v63  }
0x2d5: {  	_ =	swait.ge [sflag:s1], $0x4000  }
0x2d6: {  	[sflag:s1] =	ssyncset.done $0x0  }
0x2d7: {  	[sflag:s1] =	ssyncadd.s32 $0xFFFFC000  }
0x2d8: {  	_ =	swait.ge [sflag:s3], $0x80  }
0x2d9: {  	[sflag:s3] =	ssyncset.done $0x0  }
0x2da: {  	[sflag:s3] =	ssyncadd.s32 $0xFFFFFF80  }
0x2db: {  	_ =	swait.ge [sflag:s3], $0x80  }
0x2dc: {  	[sflag:s3] =	ssyncset.done $0x0  }
0x2dd: {  	s26 =	smov.u32 s20;
	[sflag:s3] =	ssyncadd.s32 $0xFFFFFF80  }
0x2de: {  	[tilespmem:s18], [sflag:$0x6] =	stream.indirect.gather [hbm4b:s0+s12], $0x80, s9, s12, $0xb8;
	[tilespmem:$0x1CC00] =	vst v63  }
0x2df: {  	s24 =	sadd.s32 @!p3 $0x50, s19;
	s19 =	smov.u32 s26;
	s26 =	simm.s32 $0x1C0  }
0x2e0: {  	[tilespmem:s21], [sflag:$0x6] =	stream.indirect.gather [hbm4b:s0+s12], $0x80, s26, s12, $0xb8;
	[tilespmem:$0x1CC00] =	vst v63  }
0x2e1: {  	s20 =	sadd.s32 $0x40, s20;
	s7 =	sadd.s32 @!p3 $0x50, s7;
	s25 =	simm.s32 @!p3 $0x80  }
0x2e2: {  	[tilespmem:s25], [sflag:$0x2] =	stream.linear.gather @!p3 [hbm4b:s7+s11], $0x80, $0x38;
	[tilespmem:$0x1CC00] =	vst v63  }
0x2e3: {  	p2 =	sne.s32 s20, $0x500;
	s26 =	simm.s32 @!p3 $0x280  }
0x2e4: {  	[tilespmem:s26], [sflag:$0x2] =	stream.linear.gather @!p3 [hbm4b:s24+s11], $0x80, $0x38;
	[tilespmem:$0x1CC00] =	vst v63  }
.Ltmp7:
0x2e5: {  	_ =	swait.ge [sflag:s6], $0x2000;
	(pc) =	sbr.rel @p2 .LBB2_10-.Ltmp7, $4  }
0x2e6: {  	[sflag:s6] =	ssyncset.done $0x0  }
0x2e7: {  	[sflag:s6] =	ssyncadd.s32 $0xFFFFE000  }
0x2e8: {  	_ =	swait.ge [sflag:s6], $0x2000  }
0x2e9: {  	[sflag:s6] =	ssyncset.done $0x0  }
0x2ea: {  	s7 =	simm.s32 @!p1 $0x7;
	[sflag:s6] =	ssyncadd.s32 $0xFFFFE000  }
0x2eb: {  	[spmem:s29] =	stream.indirect.scatter.add.f32 [tilespmem:s13], [sflag:$0x7], $0x80, s16, s5, $0xb8;
	[tilespmem:$0x1CC00] =	vst v63  }
0x2ec: {  	_ =	swait.ge @!p1 [sflag:s7], $0x4000  }
0x2ed: {  	[sflag:s7] =	ssyncset.done @!p1 $0x0  }
0x2ee: {  	[sflag:s7] =	ssyncadd.s32 @!p1 $0xFFFFC000  }
0x2ef: {  	_ =	swait.ge [sflag:s23], $0x80  }
0x2f0: {  	[sflag:s23] =	ssyncset.done $0x0  }
0x2f1: {  	[sflag:s23] =	ssyncadd.s32 $0xFFFFFF80  }
0x2f2: {  	_ =	swait.ge [sflag:s23], $0x80  }
0x2f3: {  	[sflag:s23] =	ssyncset.done $0x0  }
0x2f4: {  	[sflag:s23] =	ssyncadd.s32 $0xFFFFFF80  }
0x2f5: {  	[tilespmem:s13], [sflag:$0x5] =	stream.indirect.gather [hbm4b:s0+s12], $0x80, s4, s12, $0xb8;
	[tilespmem:$0x1CC00] =	vst v63  }
0x2f6: {  	s7 =	sadd.s32 s19, s31  }
0x2f7: {  	[tilespmem:s14], [sflag:$0x5] =	stream.indirect.gather [hbm4b:s0+s12], $0x80, s12, s12, $0xb8;
	[tilespmem:$0x1CC00] =	vst v63  }
0x2f8: {  	s20 =	sadd.s32 s19, s22;
	s11 =	sadd.s32 $0x20, s7  }
0x2f9: {  	[tilespmem:s15], [sflag:$0x3] =	stream.linear.gather [hbm4b:s11+s4], $0x80, $0x38;
	[tilespmem:$0x1CC00] =	vst v63  }
0x2fa: {  	s24 =	simm.s32 @!p1 $0x6;
	s25 =	sadd.s32 $0x20, s20  }
0x2fb: {  	[tilespmem:s16], [sflag:$0x3] =	stream.linear.gather [hbm4b:s25+s4], $0x80, $0x38;
	[tilespmem:$0x1CC00] =	vst v63  }
0x2fc: {  	_ =	swait.ge @!p1 [sflag:s24], $0x2000  }
0x2fd: {  	[sflag:s24] =	ssyncset.done @!p1 $0x0  }
0x2fe: {  	[sflag:s24] =	ssyncadd.s32 @!p1 $0xFFFFE000  }
0x2ff: {  	_ =	swait.ge @!p1 [sflag:s24], $0x2000  }
0x300: {  	s11 =	simm.s32 @!p1 $0x4400;
	[sflag:s24] =	ssyncset.done @!p1 $0x0  }
0x301: {  	s25 =	simm.s32 @!p1 $0x380;
	[sflag:s24] =	ssyncadd.s32 @!p1 $0xFFFFE000;
	s24 =	simm.s32 @!p1 $0x80  }
0x302: {  	[spmem:s29] =	stream.indirect.scatter.add.f32 @!p1 [tilespmem:s11], [sflag:$0x8], $0x80, s25, s24, $0xb8;
	[tilespmem:$0x1CC00] =	vst v63  }
0x303: {  	s11 =	simm.s32 @!p1 $0x8  }
0x304: {  	_ =	swait.ge @!p1 [sflag:s11], $0x4000  }
0x305: {  	[sflag:s11] =	ssyncset.done @!p1 $0x0  }
0x306: {  	[sflag:s11] =	ssyncadd.s32 @!p1 $0xFFFFC000  }
0x307: {  	_ =	swait.ge [sflag:s17], $0x80  }
0x308: {  	[sflag:s17] =	ssyncset.done $0x0  }
0x309: {  	[sflag:s17] =	ssyncadd.s32 $0xFFFFFF80  }
0x30a: {  	_ =	swait.ge [sflag:s17], $0x80  }
0x30b: {  	[sflag:s17] =	ssyncset.done $0x0  }
0x30c: {  	[sflag:s17] =	ssyncadd.s32 $0xFFFFFF80  }
0x30d: {  	[tilespmem:s18], [sflag:$0x6] =	stream.indirect.gather [hbm4b:s0+s12], $0x80, s5, s12, $0xb8;
	[tilespmem:$0x1CC00] =	vst v63  }
0x30e: {  	s26 =	simm.s32 $0xC0  }
0x30f: {  	[tilespmem:s21], [sflag:$0x6] =	stream.indirect.gather [hbm4b:s0+s12], $0x80, s26, s12, $0xb8;
	[tilespmem:$0x1CC00] =	vst v63  }
0x310: {  	s7 =	sadd.s32 $0x30, s7  }
0x311: {  	[tilespmem:s9], [sflag:$0x4] =	stream.linear.gather [hbm4b:s7+s4], $0x80, $0x38;
	[tilespmem:$0x1CC00] =	vst v63  }
0x312: {  	s24 =	sadd.s32 $0x30, s20  }
0x313: {  	[tilespmem:s28], [sflag:$0x4] =	stream.linear.gather [hbm4b:s24+s4], $0x80, $0x38;
	[tilespmem:$0x1CC00] =	vst v63  }
0x314: {  	_ =	swait.ge [sflag:s6], $0x2000  }
0x315: {  	[sflag:s6] =	ssyncset.done $0x0  }
0x316: {  	[sflag:s6] =	ssyncadd.s32 $0xFFFFE000  }
0x317: {  	_ =	swait.ge [sflag:s6], $0x2000  }
0x318: {  	[sflag:s6] =	ssyncset.done $0x0  }
0x319: {  	s25 =	simm.s32 $0x200;
	[sflag:s6] =	ssyncadd.s32 $0xFFFFE000  }
0x31a: {  	[spmem:s29] =	stream.indirect.scatter.add.f32 [tilespmem:s13], [sflag:$0x7], $0x80, s25, s5, $0xb8;
	[tilespmem:$0x1CC00] =	vst v63  }
0x31b: {  	_ =	swait.ge [sflag:s10], $0x4000  }
0x31c: {  	[sflag:s10] =	ssyncset.done $0x0  }
0x31d: {  	[sflag:s10] =	ssyncadd.s32 $0xFFFFC000  }
0x31e: {  	_ =	swait.ge [sflag:s8], $0x80  }
0x31f: {  	[sflag:s8] =	ssyncset.done $0x0  }
0x320: {  	[sflag:s8] =	ssyncadd.s32 $0xFFFFFF80  }
0x321: {  	_ =	swait.ge [sflag:s8], $0x80  }
0x322: {  	[sflag:s8] =	ssyncset.done $0x0  }
0x323: {  	p1 =	seq.s32 s19, $0x4C0;
	[sflag:s8] =	ssyncadd.s32 $0xFFFFFF80  }
0x324: {  	[tilespmem:s13], [sflag:$0x5] =	stream.indirect.gather [hbm4b:s0+s12], $0x80, s15, s12, $0xb8;
	[tilespmem:$0x1CC00] =	vst v63  }
0x325: {  	s26 =	simm.s32 $0x140;
	s7 =	sadd.s32 @!p1 s19, s31  }
0x326: {  	[tilespmem:s14], [sflag:$0x5] =	stream.indirect.gather [hbm4b:s0+s12], $0x80, s26, s12, $0xb8;
	[tilespmem:$0x1CC00] =	vst v63  }
0x327: {  	s11 =	simm.s32 @!p1 $0x0;
	s19 =	sadd.s32 @!p1 s19, s22;
	s20 =	sadd.s32 @!p1 $0x40, s7  }
0x328: {  	[tilespmem:s11], [sflag:$0x1] =	stream.linear.gather @!p1 [hbm4b:s20+s11], $0x80, $0x38;
	[tilespmem:$0x1CC00] =	vst v63  }
0x329: {  	s24 =	simm.s32 @!p1 $0x200;
	s20 =	sadd.s32 @!p1 $0x40, s19  }
0x32a: {  	[tilespmem:s24], [sflag:$0x1] =	stream.linear.gather @!p1 [hbm4b:s20+s11], $0x80, $0x38;
	[tilespmem:$0x1CC00] =	vst v63  }
0x32b: {  	_ =	swait.ge [sflag:s2], $0x2000  }
0x32c: {  	[sflag:s2] =	ssyncset.done $0x0  }
0x32d: {  	[sflag:s2] =	ssyncadd.s32 $0xFFFFE000  }
0x32e: {  	_ =	swait.ge [sflag:s2], $0x2000  }
0x32f: {  	[sflag:s2] =	ssyncset.done $0x0  }
0x330: {  	[sflag:s2] =	ssyncadd.s32 $0xFFFFE000  }
0x331: {  	[spmem:s29] =	stream.indirect.scatter.add.f32 [tilespmem:s18], [sflag:$0x8], $0x80, s30, s5, $0xb8;
	[tilespmem:$0x1CC00] =	vst v63  }
0x332: {  	_ =	swait.ge [sflag:s1], $0x4000  }
0x333: {  	[sflag:s1] =	ssyncset.done $0x0  }
0x334: {  	[sflag:s1] =	ssyncadd.s32 $0xFFFFC000  }
0x335: {  	_ =	swait.ge [sflag:s3], $0x80  }
0x336: {  	[sflag:s3] =	ssyncset.done $0x0  }
0x337: {  	[sflag:s3] =	ssyncadd.s32 $0xFFFFFF80  }
0x338: {  	_ =	swait.ge [sflag:s3], $0x80  }
0x339: {  	[sflag:s3] =	ssyncset.done $0x0  }
0x33a: {  	[sflag:s3] =	ssyncadd.s32 $0xFFFFFF80  }
0x33b: {  	[tilespmem:s18], [sflag:$0x6] =	stream.indirect.gather [hbm4b:s0+s12], $0x80, s9, s12, $0xb8;
	[tilespmem:$0x1CC00] =	vst v63  }
0x33c: {  	s30 =	simm.s32 $0x1C0  }
0x33d: {  	[tilespmem:s21], [sflag:$0x6] =	stream.indirect.gather [hbm4b:s0+s12], $0x80, s30, s12, $0xb8;
	[tilespmem:$0x1CC00] =	vst v63  }
0x33e: {  	s7 =	sadd.s32 @!p1 $0x50, s7;
	s20 =	simm.s32 @!p1 $0x80  }
0x33f: {  	[tilespmem:s20], [sflag:$0x2] =	stream.linear.gather @!p1 [hbm4b:s7+s11], $0x80, $0x38;
	[tilespmem:$0x1CC00] =	vst v63  }
0x340: {  	s7 =	sadd.s32 @!p1 $0x50, s19;
	s19 =	simm.s32 @!p1 $0x280  }
0x341: {  	[tilespmem:s19], [sflag:$0x2] =	stream.linear.gather @!p1 [hbm4b:s7+s11], $0x80, $0x38;
	[tilespmem:$0x1CC00] =	vst v63  }
0x342: {  	_ =	swait.ge [sflag:s6], $0x2000  }
0x343: {  	[sflag:s6] =	ssyncset.done $0x0  }
0x344: {  	[sflag:s6] =	ssyncadd.s32 $0xFFFFE000  }
0x345: {  	_ =	swait.ge [sflag:s6], $0x2000  }
0x346: {  	[sflag:s6] =	ssyncset.done $0x0  }
0x347: {  	s28 =	sld [smem:$0x7FD];
	[sflag:s6] =	ssyncadd.s32 $0xFFFFE000  }
0x348: {  	[spmem:s29] =	stream.indirect.scatter.add.f32 [tilespmem:s13], [sflag:$0x7], $0x80, s16, s5, $0xb8;
	[tilespmem:$0x1CC00] =	vst v63  }
0x349: {  	s7 =	simm.s32 $0x380;
	s19 =	rddreg [dreg:$0x7]  }
.LBB2_12:
0x34a: {  	_ =	swait.ge [sflag:s2], $0x2000  }
0x34b: {  	[sflag:s2] =	ssyncset.done $0x0  }
0x34c: {  	[sflag:s2] =	ssyncadd.s32 $0xFFFFE000  }
0x34d: {  	_ =	swait.ge [sflag:s2], $0x2000  }
0x34e: {  	[sflag:s2] =	ssyncset.done $0x0  }
0x34f: {  	[sflag:s2] =	ssyncadd.s32 $0xFFFFE000  }
0x350: {  	[spmem:s29] =	stream.indirect.scatter.add.f32 [tilespmem:s18], [sflag:$0x8], $0x80, s7, s5, $0xb8;
	[tilespmem:$0x1CC00] =	vst v63  }
0x351: {  	_ =	swait.ge [sflag:s10], $0x4000  }
0x352: {  	[sflag:s10] =	ssyncset.done $0x0  }
0x353: {  	[sflag:s10] =	ssyncadd.s32 $0xFFFFC000  }
0x354: {  	_ =	swait.ge [sflag:s1], $0x4000  }
0x355: {  	[sflag:s1] =	ssyncset.done $0x0  }
0x356: {  	[sflag:s1] =	ssyncadd.s32 $0xFFFFC000  }
0x357: {  	[bflag:$0x0] =	sbarrier.arrive $0xFFFF  }
0x358: {  	s20 =	simm.s32 $0x9;
	s25 =	rddreg [dreg:$0x1f]  }
0x359: {  	[tilespmem:s13], [sflag:$0x9] =	stream.linear.gather [spmem:s25], $0x4000, $0x38;
	[tilespmem:$0x1CC00] =	vst v63  }
0x35a: {  	_ =	swait.ge [sflag:s20], $0x4000  }
0x35b: {  	[sflag:s20] =	ssyncset.done $0x0;
	s11 =	rddreg [dreg:$0xc]  }
0x35c: {  	s24 =	sld [smem:$0x7CB];
	s7 =	sadd.s32 s19, s11;
	[sflag:s20] =	ssyncadd.s32 $0xFFFFC000  }
0x35d: {  	[hbm4b:s7+s4] =	stream.linear.scatter [tilespmem:s13], [sflag:$0x5], $0x4000, $0x38;
	[tilespmem:$0x1CC00] =	vst v63  }
0x35e: {  	_ = 	snop  }
0x35f: {  	[tilespmem:s18], [sflag:$0x9] =	stream.linear.gather [spmem:s24], $0x4000, $0x38;
	[tilespmem:$0x1CC00] =	vst v63  }
0x360: {  	_ =	swait.ge [sflag:s20], $0x4000  }
0x361: {  	s26 =	sld [smem:$0x7CC];
	_ =	sdelay $0x1  }
0x362: {  	[sflag:s20] =	ssyncset.done $0x0  }
0x363: {  	[sflag:s20] =	ssyncadd.s32 $0xFFFFC000;
	s7 =	sadd.s32 s19, s26  }
0x364: {  	[hbm4b:s7+s4] =	stream.linear.scatter [tilespmem:s18], [sflag:$0x6], $0x4000, $0x38;
	[tilespmem:$0x1CC00] =	vst v63  }
0x365: {  	_ =	swait.ge [sflag:s6], $0x4000  }
0x366: {  	s30 =	sld [smem:$0x7CD]  }
0x367: {  	[sflag:s6] =	ssyncset.done $0x0  }
0x368: {  	[sflag:s6] =	ssyncadd.s32 $0xFFFFC000  }
0x369: {  	[tilespmem:s13], [sflag:$0x9] =	stream.linear.gather [spmem:s30], $0x4000, $0x38;
	[tilespmem:$0x1CC00] =	vst v63  }
0x36a: {  	_ =	swait.ge [sflag:s20], $0x4000  }
0x36b: {  	s11 =	sld [smem:$0x7CE];
	_ =	sdelay $0x1  }
0x36c: {  	[sflag:s20] =	ssyncset.done $0x0  }
0x36d: {  	[sflag:s20] =	ssyncadd.s32 $0xFFFFC000;
	s7 =	sadd.s32 s19, s11  }
0x36e: {  	[hbm4b:s7+s4] =	stream.linear.scatter [tilespmem:s13], [sflag:$0x5], $0x4000, $0x38;
	[tilespmem:$0x1CC00] =	vst v63  }
0x36f: {  	_ =	swait.ge [sflag:s2], $0x4000  }
0x370: {  	s24 =	sld [smem:$0x7CF]  }
0x371: {  	[sflag:s2] =	ssyncset.done $0x0  }
0x372: {  	[sflag:s2] =	ssyncadd.s32 $0xFFFFC000  }
0x373: {  	[tilespmem:s18], [sflag:$0x9] =	stream.linear.gather [spmem:s24], $0x4000, $0x38;
	[tilespmem:$0x1CC00] =	vst v63  }
0x374: {  	_ =	swait.ge [sflag:s20], $0x4000  }
0x375: {  	s26 =	sld [smem:$0x7D0];
	_ =	sdelay $0x1  }
0x376: {  	[sflag:s20] =	ssyncset.done $0x0  }
0x377: {  	[sflag:s20] =	ssyncadd.s32 $0xFFFFC000;
	s7 =	sadd.s32 s19, s26  }
0x378: {  	[hbm4b:s7+s4] =	stream.linear.scatter [tilespmem:s18], [sflag:$0x6], $0x4000, $0x38;
	[tilespmem:$0x1CC00] =	vst v63  }
0x379: {  	_ =	swait.ge [sflag:s6], $0x4000  }
0x37a: {  	s30 =	sld [smem:$0x7D1]  }
0x37b: {  	[sflag:s6] =	ssyncset.done $0x0  }
0x37c: {  	[sflag:s6] =	ssyncadd.s32 $0xFFFFC000  }
0x37d: {  	[tilespmem:s13], [sflag:$0x9] =	stream.linear.gather [spmem:s30], $0x4000, $0x38;
	[tilespmem:$0x1CC00] =	vst v63  }
0x37e: {  	_ =	swait.ge [sflag:s20], $0x4000  }
0x37f: {  	s11 =	sld [smem:$0x7D2];
	_ =	sdelay $0x1  }
0x380: {  	[sflag:s20] =	ssyncset.done $0x0  }
0x381: {  	[sflag:s20] =	ssyncadd.s32 $0xFFFFC000;
	s7 =	sadd.s32 s19, s11  }
0x382: {  	[hbm4b:s7+s4] =	stream.linear.scatter [tilespmem:s13], [sflag:$0x5], $0x4000, $0x38;
	[tilespmem:$0x1CC00] =	vst v63  }
0x383: {  	_ =	swait.ge [sflag:s2], $0x4000  }
0x384: {  	[sflag:s2] =	ssyncset.done $0x0  }
0x385: {  	[sflag:s2] =	ssyncadd.s32 $0xFFFFC000  }
0x386: {  	_ =	swait.ge [sflag:s6], $0x4000  }
0x387: {  	[sflag:s6] =	ssyncset.done $0x0  }
0x388: {  	[sflag:s6] =	ssyncadd.s32 $0xFFFFC000  }
0x389: {  	[bflag:$0x0] =	sbarrier.arrive $0xFFFF  }
0x38a: {  	s19 =	simm.s32 $0x8400;
	s20 =	sld [smem:$0x7D6]  }
0x38b: {  	[spmem:s25] =	stream.linear.scatter [tilespmem:s19], [sflag:$0x1], $0x800, $0x38;
	[tilespmem:$0x1CC00] =	vst v63  }
0x38c: {  	s24 =	sld [smem:$0x7D7]  }
0x38d: {  	[spmem:s20] =	stream.linear.scatter [tilespmem:s19], [sflag:$0x1], $0x800, $0x38;
	[tilespmem:$0x1CC00] =	vst v63  }
0x38e: {  	s26 =	sld [smem:$0x7D8]  }
0x38f: {  	[spmem:s24] =	stream.linear.scatter [tilespmem:s19], [sflag:$0x1], $0x800, $0x38;
	[tilespmem:$0x1CC00] =	vst v63  }
0x390: {  	s30 =	sld [smem:$0x7D9]  }
0x391: {  	[spmem:s26] =	stream.linear.scatter [tilespmem:s19], [sflag:$0x1], $0x800, $0x38;
	[tilespmem:$0x1CC00] =	vst v63  }
0x392: {  	s11 =	sld [smem:$0x7DA]  }
0x393: {  	[spmem:s30] =	stream.linear.scatter [tilespmem:s19], [sflag:$0x1], $0x800, $0x38;
	[tilespmem:$0x1CC00] =	vst v63  }
0x394: {  	s20 =	sld [smem:$0x7DB]  }
0x395: {  	[spmem:s11] =	stream.linear.scatter [tilespmem:s19], [sflag:$0x1], $0x800, $0x38;
	[tilespmem:$0x1CC00] =	vst v63  }
0x396: {  	s24 =	sld [smem:$0x7DC]  }
0x397: {  	[spmem:s20] =	stream.linear.scatter [tilespmem:s19], [sflag:$0x1], $0x800, $0x38;
	[tilespmem:$0x1CC00] =	vst v63  }
0x398: {  	s26 =	sld [smem:$0x7DD]  }
0x399: {  	[spmem:s24] =	stream.linear.scatter [tilespmem:s19], [sflag:$0x1], $0x800, $0x38;
	[tilespmem:$0x1CC00] =	vst v63  }
0x39a: {  	s30 =	sld [smem:$0x7DE]  }
0x39b: {  	[spmem:s26] =	stream.linear.scatter [tilespmem:s19], [sflag:$0x1], $0x800, $0x38;
	[tilespmem:$0x1CC00] =	vst v63  }
0x39c: {  	s11 =	sld [smem:$0x7DF]  }
0x39d: {  	[spmem:s30] =	stream.linear.scatter [tilespmem:s19], [sflag:$0x1], $0x800, $0x38;
	[tilespmem:$0x1CC00] =	vst v63  }
0x39e: {  	s20 =	sld [smem:$0x7E0]  }
0x39f: {  	[spmem:s11] =	stream.linear.scatter [tilespmem:s19], [sflag:$0x1], $0x800, $0x38;
	[tilespmem:$0x1CC00] =	vst v63  }
0x3a0: {  	s24 =	sld [smem:$0x7E1]  }
0x3a1: {  	[spmem:s20] =	stream.linear.scatter [tilespmem:s19], [sflag:$0x1], $0x800, $0x38;
	[tilespmem:$0x1CC00] =	vst v63  }
0x3a2: {  	s26 =	sld [smem:$0x7E2]  }
0x3a3: {  	[spmem:s24] =	stream.linear.scatter [tilespmem:s19], [sflag:$0x1], $0x800, $0x38;
	[tilespmem:$0x1CC00] =	vst v63  }
0x3a4: {  	s30 =	sld [smem:$0x7E3]  }
0x3a5: {  	[spmem:s26] =	stream.linear.scatter [tilespmem:s19], [sflag:$0x1], $0x800, $0x38;
	[tilespmem:$0x1CC00] =	vst v63  }
0x3a6: {  	s11 =	sld [smem:$0x7E4]  }
0x3a7: {  	[spmem:s30] =	stream.linear.scatter [tilespmem:s19], [sflag:$0x1], $0x800, $0x38;
	[tilespmem:$0x1CC00] =	vst v63  }
0x3a8: {  	s20 =	sld [smem:$0x7E5]  }
0x3a9: {  	[spmem:s11] =	stream.linear.scatter [tilespmem:s19], [sflag:$0x1], $0x800, $0x38;
	[tilespmem:$0x1CC00] =	vst v63  }
0x3aa: {  	s24 =	sld [smem:$0x7E6]  }
0x3ab: {  	[spmem:s20] =	stream.linear.scatter [tilespmem:s19], [sflag:$0x1], $0x800, $0x38;
	[tilespmem:$0x1CC00] =	vst v63  }
0x3ac: {  	s26 =	sld [smem:$0x7E7]  }
0x3ad: {  	[spmem:s24] =	stream.linear.scatter [tilespmem:s19], [sflag:$0x1], $0x800, $0x38;
	[tilespmem:$0x1CC00] =	vst v63  }
0x3ae: {  	s30 =	sld [smem:$0x7E8]  }
0x3af: {  	[spmem:s26] =	stream.linear.scatter [tilespmem:s19], [sflag:$0x1], $0x800, $0x38;
	[tilespmem:$0x1CC00] =	vst v63  }
0x3b0: {  	s11 =	sld [smem:$0x7E9]  }
0x3b1: {  	[spmem:s30] =	stream.linear.scatter [tilespmem:s19], [sflag:$0x1], $0x800, $0x38;
	[tilespmem:$0x1CC00] =	vst v63  }
0x3b2: {  	s20 =	sld [smem:$0x7EA]  }
0x3b3: {  	[spmem:s11] =	stream.linear.scatter [tilespmem:s19], [sflag:$0x1], $0x800, $0x38;
	[tilespmem:$0x1CC00] =	vst v63  }
0x3b4: {  	s24 =	sld [smem:$0x7EB]  }
0x3b5: {  	[spmem:s20] =	stream.linear.scatter [tilespmem:s19], [sflag:$0x1], $0x800, $0x38;
	[tilespmem:$0x1CC00] =	vst v63  }
0x3b6: {  	s26 =	sld [smem:$0x7EC]  }
0x3b7: {  	[spmem:s24] =	stream.linear.scatter [tilespmem:s19], [sflag:$0x1], $0x800, $0x38;
	[tilespmem:$0x1CC00] =	vst v63  }
0x3b8: {  	s30 =	sld [smem:$0x7ED]  }
0x3b9: {  	[spmem:s26] =	stream.linear.scatter [tilespmem:s19], [sflag:$0x1], $0x800, $0x38;
	[tilespmem:$0x1CC00] =	vst v63  }
0x3ba: {  	s11 =	sld [smem:$0x7EE]  }
0x3bb: {  	[spmem:s30] =	stream.linear.scatter [tilespmem:s19], [sflag:$0x1], $0x800, $0x38;
	[tilespmem:$0x1CC00] =	vst v63  }
0x3bc: {  	s20 =	sld [smem:$0x7EF]  }
0x3bd: {  	[spmem:s11] =	stream.linear.scatter [tilespmem:s19], [sflag:$0x1], $0x800, $0x38;
	[tilespmem:$0x1CC00] =	vst v63  }
0x3be: {  	s24 =	sld [smem:$0x7F0]  }
0x3bf: {  	[spmem:s20] =	stream.linear.scatter [tilespmem:s19], [sflag:$0x1], $0x800, $0x38;
	[tilespmem:$0x1CC00] =	vst v63  }
0x3c0: {  	s26 =	sld [smem:$0x7F1]  }
0x3c1: {  	[spmem:s24] =	stream.linear.scatter [tilespmem:s19], [sflag:$0x1], $0x800, $0x38;
	[tilespmem:$0x1CC00] =	vst v63  }
0x3c2: {  	s30 =	sld [smem:$0x7F2]  }
0x3c3: {  	[spmem:s26] =	stream.linear.scatter [tilespmem:s19], [sflag:$0x1], $0x800, $0x38;
	[tilespmem:$0x1CC00] =	vst v63  }
0x3c4: {  	s11 =	sld [smem:$0x7F3]  }
0x3c5: {  	[spmem:s30] =	stream.linear.scatter [tilespmem:s19], [sflag:$0x1], $0x800, $0x38;
	[tilespmem:$0x1CC00] =	vst v63  }
0x3c6: {  	s20 =	sld [smem:$0x7F4]  }
0x3c7: {  	[spmem:s11] =	stream.linear.scatter [tilespmem:s19], [sflag:$0x1], $0x800, $0x38;
	[tilespmem:$0x1CC00] =	vst v63  }
0x3c8: {  	s24 =	sld [smem:$0x7F5]  }
0x3c9: {  	[spmem:s20] =	stream.linear.scatter [tilespmem:s19], [sflag:$0x1], $0x800, $0x38;
	[tilespmem:$0x1CC00] =	vst v63  }
0x3ca: {  	s26 =	sld [smem:$0x7F6]  }
0x3cb: {  	[spmem:s24] =	stream.linear.scatter [tilespmem:s19], [sflag:$0x1], $0x800, $0x38;
	[tilespmem:$0x1CC00] =	vst v63  }
0x3cc: {  	s30 =	sld [smem:$0x7F7]  }
0x3cd: {  	[spmem:s26] =	stream.linear.scatter [tilespmem:s19], [sflag:$0x1], $0x800, $0x38;
	[tilespmem:$0x1CC00] =	vst v63  }
0x3ce: {  	s11 =	sld [smem:$0x7F8]  }
0x3cf: {  	[spmem:s30] =	stream.linear.scatter [tilespmem:s19], [sflag:$0x1], $0x800, $0x38;
	[tilespmem:$0x1CC00] =	vst v63  }
0x3d0: {  	s20 =	sld [smem:$0x7F9]  }
0x3d1: {  	[spmem:s11] =	stream.linear.scatter [tilespmem:s19], [sflag:$0x1], $0x800, $0x38;
	[tilespmem:$0x1CC00] =	vst v63  }
0x3d2: {  	s24 =	sld [smem:$0x7FA]  }
0x3d3: {  	[spmem:s20] =	stream.linear.scatter [tilespmem:s19], [sflag:$0x1], $0x800, $0x38;
	[tilespmem:$0x1CC00] =	vst v63  }
0x3d4: {  	s26 =	sld [smem:$0x7FB]  }
0x3d5: {  	[spmem:s24] =	stream.linear.scatter [tilespmem:s19], [sflag:$0x1], $0x800, $0x38;
	[tilespmem:$0x1CC00] =	vst v63  }
0x3d6: {  	s30 =	sld [smem:$0x7FC]  }
0x3d7: {  	[spmem:s26] =	stream.linear.scatter [tilespmem:s19], [sflag:$0x1], $0x800, $0x38;
	[tilespmem:$0x1CC00] =	vst v63  }
0x3d8: {  	_ = 	snop  }
0x3d9: {  	[spmem:s30] =	stream.linear.scatter [tilespmem:s19], [sflag:$0x1], $0x800, $0x38;
	[tilespmem:$0x1CC00] =	vst v63  }
0x3da: {  	s19 =	simm.s32 $0x28  }
.LBB2_13:
0x3db: {  	p1 =	sne.s32 s19, $0x1  }
.Ltmp8:
0x3dc: {  	_ = 	snop;
	(pc) =	sbr.rel @p1 .LBB2_13-.Ltmp8, $4  }
0x3dd: {  	_ = 	snop  }
0x3de: {  	_ =	swait.ge [sflag:s23], $0x800  }
0x3df: {  	[sflag:s23] =	ssyncset.done $0x0  }
0x3e0: {  	s19 =	sadd.s32 $0xFFFFFFFF, s19;
	[sflag:s23] =	ssyncadd.s32 $0xFFFFF800  }
0x3e1: {  	s19 =	simm.s32 $0x0;
	s20 =	simm.s32 $0x200  }
.LBB2_15:
0x3e2: {  	p1 =	sne.s32 s20, $0xFE00;
	[tilespmem:s19+$0x4470] =	vst v1  }
0x3e3: {  	[tilespmem:s19+$0x4400] =	vst v1  }
0x3e4: {  	[tilespmem:s19+$0x4410] =	vst v1  }
.Ltmp9:
0x3e5: {  	[tilespmem:s19+$0x4420] =	vst v1;
	(pc) =	sbr.rel @p1 .LBB2_15-.Ltmp9, $4  }
0x3e6: {  	[tilespmem:s19+$0x4430] =	vst v1  }
0x3e7: {  	[tilespmem:s19+$0x4440] =	vst v1  }
0x3e8: {  	[tilespmem:s19+$0x4450] =	vst v1  }
0x3e9: {  	[tilespmem:s19+$0x4460] =	vst v1;
	s19 =	sshra.s32 s20, $0x2;
	s20 =	sadd.s32 $0x200, s20  }
0x3ea: {  	[tilespmem:s19+$0x4470] =	vst v1  }
0x3eb: {  	[tilespmem:s19+$0x4400] =	vst v1  }
0x3ec: {  	[tilespmem:s19+$0x4410] =	vst v1  }
0x3ed: {  	[tilespmem:s19+$0x4420] =	vst v1  }
0x3ee: {  	[tilespmem:s19+$0x4430] =	vst v1  }
.Ltmp10:
0x3ef: {  	[tilespmem:s19+$0x4440] =	vst v1;
	(pc) =	sbr.rel @p0 .LBB2_21-.Ltmp10, $3  }
0x3f0: {  	[tilespmem:s19+$0x4450] =	vst v1  }
0x3f1: {  	[tilespmem:s19+$0x4460] =	vst v1  }
0x3f2: {  	[bflag:$0x0] =	sbarrier.arrive $0xFFFF;
	_ =	sdelay $0x1  }
0x3f3: {  	s7 =	rddreg [dreg:$0x12]  }
0x3f4: {  	s20 =	simm.s32 $0x200;
	s19 =	sld [smem:$0x7D5]  }
0x3f5: {  	[tilespmem:s20], [sflag:$0x1] =	stream.linear.gather [hbm4b:s7+s4], $0x80, $0x38;
	[tilespmem:$0x1CC00] =	vst v63  }
0x3f6: {  	s26 =	simm.s32 $0x280  }
0x3f7: {  	[tilespmem:s26], [sflag:$0x2] =	stream.linear.gather [hbm4b:s19+s4], $0x80, $0x38;
	[tilespmem:$0x1CC00] =	vst v63  }
0x3f8: {  	_ =	swait.ge [sflag:s23], $0x80  }
0x3f9: {  	[sflag:s23] =	ssyncset.done $0x0  }
0x3fa: {  	[sflag:s23] =	ssyncadd.s32 $0xFFFFFF80  }
0x3fb: {  	[spmem:s29] =	stream.indirect.scatter.add.f32 [tilespmem:s18], [sflag:$0x7], $0x80, s20, s5, $0xb8;
	[tilespmem:$0x1CC00] =	vst v63  }
0x3fc: {  	s24 =	rddreg [dreg:$0x18]  }
0x3fd: {  	[tilespmem:s16], [sflag:$0x3] =	stream.linear.gather [hbm4b:s24+s4], $0x80, $0x38;
	[tilespmem:$0x1CC00] =	vst v63  }
0x3fe: {  	_ =	swait.ge [sflag:s17], $0x80  }
0x3ff: {  	[sflag:s17] =	ssyncset.done $0x0  }
0x400: {  	[sflag:s17] =	ssyncadd.s32 $0xFFFFFF80  }
0x401: {  	[spmem:s29] =	stream.indirect.scatter.add.f32 [tilespmem:s18], [sflag:$0x8], $0x80, s26, s5, $0xb8;
	[tilespmem:$0x1CC00] =	vst v63  }
0x402: {  	s30 =	simm.s32 $0x380;
	s11 =	rddreg [dreg:$0x19]  }
0x403: {  	[tilespmem:s30], [sflag:$0x4] =	stream.linear.gather [hbm4b:s11+s4], $0x80, $0x38;
	[tilespmem:$0x1CC00] =	vst v63  }
0x404: {  	_ =	swait.ge [sflag:s10], $0x4000  }
0x405: {  	[sflag:s10] =	ssyncset.done $0x0  }
0x406: {  	[sflag:s10] =	ssyncadd.s32 $0xFFFFC000  }
0x407: {  	_ =	swait.ge [sflag:s8], $0x80  }
0x408: {  	[sflag:s8] =	ssyncset.done $0x0  }
0x409: {  	[sflag:s8] =	ssyncadd.s32 $0xFFFFFF80  }
0x40a: {  	[spmem:s29] =	stream.indirect.scatter.add.f32 [tilespmem:s18], [sflag:$0x7], $0x80, s16, s5, $0xb8;
	[tilespmem:$0x1CC00] =	vst v63  }
0x40b: {  	s19 =	rddreg [dreg:$0x1a]  }
0x40c: {  	[tilespmem:s20], [sflag:$0x1] =	stream.linear.gather [hbm4b:s19+s4], $0x80, $0x38;
	[tilespmem:$0x1CC00] =	vst v63  }
0x40d: {  	_ =	swait.ge [sflag:s1], $0x4000  }
0x40e: {  	[sflag:s1] =	ssyncset.done $0x0  }
0x40f: {  	[sflag:s1] =	ssyncadd.s32 $0xFFFFC000  }
0x410: {  	_ =	swait.ge [sflag:s3], $0x80  }
0x411: {  	[sflag:s3] =	ssyncset.done $0x0  }
0x412: {  	[sflag:s3] =	ssyncadd.s32 $0xFFFFFF80  }
0x413: {  	[spmem:s29] =	stream.indirect.scatter.add.f32 [tilespmem:s18], [sflag:$0x8], $0x80, s30, s5, $0xb8;
	[tilespmem:$0x1CC00] =	vst v63  }
0x414: {  	s19 =	simm.s32 $0xFFFFFB80;
	s24 =	rddreg [dreg:$0x1c]  }
0x415: {  	[tilespmem:s26], [sflag:$0x2] =	stream.linear.gather [hbm4b:s24+s4], $0x80, $0x38;
	[tilespmem:$0x1CC00] =	vst v63  }
.LBB2_18:
0x416: {  	_ =	swait.ge [sflag:s10], $0x4000  }
0x417: {  	[sflag:s10] =	ssyncset.done $0x0  }
0x418: {  	[sflag:s10] =	ssyncadd.s32 $0xFFFFC000  }
0x419: {  	_ =	swait.ge [sflag:s23], $0x80  }
0x41a: {  	[sflag:s23] =	ssyncset.done $0x0  }
0x41b: {  	[sflag:s23] =	ssyncadd.s32 $0xFFFFFF80  }
0x41c: {  	[spmem:s29] =	stream.indirect.scatter.add.f32 [tilespmem:s18], [sflag:$0x7], $0x80, s20, s5, $0xb8;
	[tilespmem:$0x1CC00] =	vst v63  }
0x41d: {  	s20 =	sadd.s32 s19, s28  }
0x41e: {  	s7 =	sadd.s32 $0x4E0, s20  }
0x41f: {  	[tilespmem:s16], [sflag:$0x3] =	stream.linear.gather [hbm4b:s7+s4], $0x80, $0x38;
	[tilespmem:$0x1CC00] =	vst v63  }
0x420: {  	_ =	swait.ge [sflag:s1], $0x4000  }
0x421: {  	[sflag:s1] =	ssyncset.done $0x0  }
0x422: {  	[sflag:s1] =	ssyncadd.s32 $0xFFFFC000  }
0x423: {  	_ =	swait.ge [sflag:s17], $0x80  }
0x424: {  	[sflag:s17] =	ssyncset.done $0x0  }
0x425: {  	[sflag:s17] =	ssyncadd.s32 $0xFFFFFF80  }
0x426: {  	[spmem:s29] =	stream.indirect.scatter.add.f32 [tilespmem:s18], [sflag:$0x8], $0x80, s26, s5, $0xb8;
	[tilespmem:$0x1CC00] =	vst v63  }
0x427: {  	s11 =	sadd.s32 $0x4F0, s20  }
0x428: {  	[tilespmem:s30], [sflag:$0x4] =	stream.linear.gather [hbm4b:s11+s4], $0x80, $0x38;
	[tilespmem:$0x1CC00] =	vst v63  }
0x429: {  	_ =	swait.ge [sflag:s10], $0x4000  }
0x42a: {  	p1 =	seq.s32 s19, $0x0;
	[sflag:s10] =	ssyncset.done $0x0  }
.Ltmp11:
0x42b: {  	[sflag:s10] =	ssyncadd.s32 $0xFFFFC000;
	(pc) =	sbr.rel @p1 .LBB2_19-.Ltmp11, $4  }
0x42c: {  	_ =	swait.ge [sflag:s8], $0x80  }
0x42d: {  	[sflag:s8] =	ssyncset.done $0x0  }
0x42e: {  	s24 =	simm.s32 $0x200;
	[sflag:s8] =	ssyncadd.s32 $0xFFFFFF80  }
0x42f: {  	[spmem:s29] =	stream.indirect.scatter.add.f32 [tilespmem:s18], [sflag:$0x7], $0x80, s16, s5, $0xb8;
	[tilespmem:$0x1CC00] =	vst v63  }
0x430: {  	s7 =	sadd.s32 $0x500, s20  }
0x431: {  	[tilespmem:s24], [sflag:$0x1] =	stream.linear.gather [hbm4b:s7+s4], $0x80, $0x38;
	[tilespmem:$0x1CC00] =	vst v63  }
0x432: {  	_ =	swait.ge [sflag:s1], $0x4000  }
0x433: {  	[sflag:s1] =	ssyncset.done $0x0  }
0x434: {  	[sflag:s1] =	ssyncadd.s32 $0xFFFFC000  }
0x435: {  	_ =	swait.ge [sflag:s3], $0x80  }
.Ltmp12:
0x436: {  	[sflag:s3] =	ssyncset.done $0x0;
	(pc) =	sbr.rel .LBB2_18-.Ltmp12, $4  }
0x437: {  	[sflag:s3] =	ssyncadd.s32 $0xFFFFFF80  }
0x438: {  	[spmem:s29] =	stream.indirect.scatter.add.f32 [tilespmem:s18], [sflag:$0x8], $0x80, s30, s5, $0xb8;
	[tilespmem:$0x1CC00] =	vst v63  }
0x439: {  	s19 =	sadd.s32 $0x40, s19;
	s24 =	sadd.s32 $0x510, s20;
	s20 =	simm.s32 $0x200  }
0x43a: {  	[tilespmem:s26], [sflag:$0x2] =	stream.linear.gather [hbm4b:s24+s4], $0x80, $0x38;
	[tilespmem:$0x1CC00] =	vst v63  }
.LBB2_21:
0x43b: {  	s7 =	rddreg [dreg:$0xe]  }
0x43c: {  	s20 =	simm.s32 $0x200;
	s19 =	sld [smem:$0x7D4]  }
0x43d: {  	[tilespmem:s20], [sflag:$0x1] =	stream.linear.gather [hbm4b:s7+s4], $0x80, $0x38;
	[tilespmem:$0x1CC00] =	vst v63  }
0x43e: {  	s26 =	simm.s32 $0x280  }
0x43f: {  	[tilespmem:s26], [sflag:$0x2] =	stream.linear.gather [hbm4b:s19+s4], $0x80, $0x38;
	[tilespmem:$0x1CC00] =	vst v63  }
0x440: {  	_ =	swait.ge [sflag:s23], $0x80  }
0x441: {  	[sflag:s23] =	ssyncset.done $0x0  }
0x442: {  	[sflag:s23] =	ssyncadd.s32 $0xFFFFFF80  }
0x443: {  	[spmem:s29] =	stream.indirect.scatter.add.f32 [tilespmem:s18], [sflag:$0x7], $0x80, s20, s5, $0xb8;
	[tilespmem:$0x1CC00] =	vst v63  }
0x444: {  	s24 =	rddreg [dreg:$0x15]  }
0x445: {  	[tilespmem:s16], [sflag:$0x3] =	stream.linear.gather [hbm4b:s24+s4], $0x80, $0x38;
	[tilespmem:$0x1CC00] =	vst v63  }
0x446: {  	_ =	swait.ge [sflag:s17], $0x80  }
0x447: {  	[sflag:s17] =	ssyncset.done $0x0  }
0x448: {  	[sflag:s17] =	ssyncadd.s32 $0xFFFFFF80  }
0x449: {  	[spmem:s29] =	stream.indirect.scatter.add.f32 [tilespmem:s18], [sflag:$0x8], $0x80, s26, s5, $0xb8;
	[tilespmem:$0x1CC00] =	vst v63  }
0x44a: {  	s30 =	simm.s32 $0x380;
	s11 =	rddreg [dreg:$0x16]  }
0x44b: {  	[tilespmem:s30], [sflag:$0x4] =	stream.linear.gather [hbm4b:s11+s4], $0x80, $0x38;
	[tilespmem:$0x1CC00] =	vst v63  }
0x44c: {  	_ =	swait.ge [sflag:s10], $0x4000  }
0x44d: {  	[sflag:s10] =	ssyncset.done $0x0  }
0x44e: {  	[sflag:s10] =	ssyncadd.s32 $0xFFFFC000  }
0x44f: {  	_ =	swait.ge [sflag:s8], $0x80  }
0x450: {  	[sflag:s8] =	ssyncset.done $0x0  }
0x451: {  	[sflag:s8] =	ssyncadd.s32 $0xFFFFFF80  }
0x452: {  	[spmem:s29] =	stream.indirect.scatter.add.f32 [tilespmem:s18], [sflag:$0x7], $0x80, s16, s5, $0xb8;
	[tilespmem:$0x1CC00] =	vst v63  }
0x453: {  	s19 =	rddreg [dreg:$0x17]  }
0x454: {  	[tilespmem:s20], [sflag:$0x1] =	stream.linear.gather [hbm4b:s19+s4], $0x80, $0x38;
	[tilespmem:$0x1CC00] =	vst v63  }
0x455: {  	_ =	swait.ge [sflag:s1], $0x4000  }
0x456: {  	[sflag:s1] =	ssyncset.done $0x0  }
0x457: {  	[sflag:s1] =	ssyncadd.s32 $0xFFFFC000  }
0x458: {  	_ =	swait.ge [sflag:s3], $0x80  }
0x459: {  	[sflag:s3] =	ssyncset.done $0x0  }
0x45a: {  	[sflag:s3] =	ssyncadd.s32 $0xFFFFFF80  }
0x45b: {  	[spmem:s29] =	stream.indirect.scatter.add.f32 [tilespmem:s18], [sflag:$0x8], $0x80, s30, s5, $0xb8;
	[tilespmem:$0x1CC00] =	vst v63  }
0x45c: {  	s19 =	simm.s32 $0xFFFFFB80;
	s24 =	rddreg [dreg:$0x1b]  }
0x45d: {  	[tilespmem:s26], [sflag:$0x2] =	stream.linear.gather [hbm4b:s24+s4], $0x80, $0x38;
	[tilespmem:$0x1CC00] =	vst v63  }
.LBB2_22:
0x45e: {  	_ =	swait.ge [sflag:s10], $0x4000  }
0x45f: {  	[sflag:s10] =	ssyncset.done $0x0  }
0x460: {  	[sflag:s10] =	ssyncadd.s32 $0xFFFFC000  }
0x461: {  	_ =	swait.ge [sflag:s23], $0x80  }
0x462: {  	[sflag:s23] =	ssyncset.done $0x0  }
0x463: {  	[sflag:s23] =	ssyncadd.s32 $0xFFFFFF80  }
0x464: {  	[spmem:s29] =	stream.indirect.scatter.add.f32 [tilespmem:s18], [sflag:$0x7], $0x80, s20, s5, $0xb8;
	[tilespmem:$0x1CC00] =	vst v63  }
0x465: {  	s20 =	sadd.s32 s19, s22  }
0x466: {  	s7 =	sadd.s32 $0x4E0, s20  }
0x467: {  	[tilespmem:s16], [sflag:$0x3] =	stream.linear.gather [hbm4b:s7+s4], $0x80, $0x38;
	[tilespmem:$0x1CC00] =	vst v63  }
0x468: {  	_ =	swait.ge [sflag:s1], $0x4000  }
0x469: {  	[sflag:s1] =	ssyncset.done $0x0  }
0x46a: {  	[sflag:s1] =	ssyncadd.s32 $0xFFFFC000  }
0x46b: {  	_ =	swait.ge [sflag:s17], $0x80  }
0x46c: {  	[sflag:s17] =	ssyncset.done $0x0  }
0x46d: {  	[sflag:s17] =	ssyncadd.s32 $0xFFFFFF80  }
0x46e: {  	[spmem:s29] =	stream.indirect.scatter.add.f32 [tilespmem:s18], [sflag:$0x8], $0x80, s26, s5, $0xb8;
	[tilespmem:$0x1CC00] =	vst v63  }
0x46f: {  	s11 =	sadd.s32 $0x4F0, s20  }
0x470: {  	[tilespmem:s30], [sflag:$0x4] =	stream.linear.gather [hbm4b:s11+s4], $0x80, $0x38;
	[tilespmem:$0x1CC00] =	vst v63  }
0x471: {  	_ =	swait.ge [sflag:s10], $0x4000  }
0x472: {  	p1 =	seq.s32 s19, $0x0;
	[sflag:s10] =	ssyncset.done $0x0  }
.Ltmp13:
0x473: {  	[sflag:s10] =	ssyncadd.s32 $0xFFFFC000;
	(pc) =	sbr.rel @p1 .LBB2_23-.Ltmp13, $4  }
0x474: {  	_ =	swait.ge [sflag:s8], $0x80  }
0x475: {  	[sflag:s8] =	ssyncset.done $0x0  }
0x476: {  	s24 =	simm.s32 $0x200;
	[sflag:s8] =	ssyncadd.s32 $0xFFFFFF80  }
0x477: {  	[spmem:s29] =	stream.indirect.scatter.add.f32 [tilespmem:s18], [sflag:$0x7], $0x80, s16, s5, $0xb8;
	[tilespmem:$0x1CC00] =	vst v63  }
0x478: {  	s7 =	sadd.s32 $0x500, s20  }
0x479: {  	[tilespmem:s24], [sflag:$0x1] =	stream.linear.gather [hbm4b:s7+s4], $0x80, $0x38;
	[tilespmem:$0x1CC00] =	vst v63  }
0x47a: {  	_ =	swait.ge [sflag:s1], $0x4000  }
0x47b: {  	[sflag:s1] =	ssyncset.done $0x0  }
0x47c: {  	[sflag:s1] =	ssyncadd.s32 $0xFFFFC000  }
0x47d: {  	_ =	swait.ge [sflag:s3], $0x80  }
.Ltmp14:
0x47e: {  	[sflag:s3] =	ssyncset.done $0x0;
	(pc) =	sbr.rel .LBB2_22-.Ltmp14, $4  }
0x47f: {  	[sflag:s3] =	ssyncadd.s32 $0xFFFFFF80  }
0x480: {  	[spmem:s29] =	stream.indirect.scatter.add.f32 [tilespmem:s18], [sflag:$0x8], $0x80, s30, s5, $0xb8;
	[tilespmem:$0x1CC00] =	vst v63  }
0x481: {  	s19 =	sadd.s32 $0x40, s19;
	s24 =	sadd.s32 $0x510, s20;
	s20 =	simm.s32 $0x200  }
0x482: {  	[tilespmem:s26], [sflag:$0x2] =	stream.linear.gather [hbm4b:s24+s4], $0x80, $0x38;
	[tilespmem:$0x1CC00] =	vst v63  }
.LBB2_19:
.Ltmp15:
0x483: {  	(pc) =	sbr.rel .LBB2_24-.Ltmp15, $3  }
0x484: {  	_ =	sdelay $0x1  }
0x485: {  	s19 =	rddreg [dreg:$0x6]  }
0x486: {  	s11 =	sld [smem:$0x7CA]  }
.LBB2_25:
0x487: {  	_ =	sfence.sel $0x180000  }
0x488: {  	[bflag:$0x0] =	sbarrier.arrive $0xFFFF  }
0x489: {  	_ =	strace $0x90000047  }
0x48a: {  	s0 =	stileid.u32;
	[bflag:$0x2] =	sbarrier.arrive $0xFFFF  }
0x48b: {  	p0 =	sne.s32 s0, $0x0;
	s0 =	rddreg [dreg:$0xa]  }
0x48c: {  	s0 =	sadd.s32 @!p0 $0x100000, s0  }
0x48d: {  	[sflag:s0] =	ssyncadd.tile.s32 @!p0 $0x1;
	_ =	shalt  }
.Lfunc_end2:
_tile_overlayer_lowered:
.L_overlay_start_2:
0x48e: {  	(tag) =	ssettag $0x2  }
0x48f: {  	s0 =	rddreg [dreg:$0x0];
	s2 =	stileid.u32  }
0x490: {  	s1 =	rddreg [dreg:$0x1];
	p0 =	sne.s32 s2, $0x0  }
0x491: {  	s3 =	rddreg [dreg:$0x2];
	[bflag:$0x3] =	sbarrier.arrive $0xFFFF;
	s2 =	simm.s32 @!p0 $0x1C09  }
0x492: {  	[timem:s3], [sflag:s2] =	dma.local @!p0 [hbm:s0], s1  }
0x493: {  	s0 =	simm.s32 @!p0 $0x9  }
0x494: {  	_ =	swait.ge @!p0 [sflag:s0], s1  }
0x495: {  	s1 =	ssub.s32 @!p0 $0x0, s1;
	[sflag:s0] =	ssyncset.done @!p0 $0x0  }
0x496: {  	[sflag:s0] =	ssyncadd.s32 @!p0 s1  }
0x497: {  	[bflag:$0x3] =	sbarrier.arrive $0xFFFF  }
0x498: {  	_ =	shalt  }

</sc_bundles>
